<compile_context>
chip_gen: v7x
topology: tpu7x:2x2x1
jax: 0.10.2.dev20260603
libtpu: 0.0.44.dev20260713+nightly
codegen_flags: <defaults>
</compile_context>

<pallas_src>
import functools

import jax
import jax.numpy as jnp
from jax import lax
from jax.experimental import pallas as pl
from jax.experimental.pallas import tpu as pltpu
from jax.experimental.pallas import tpu_sc as plsc

N_NODES = 10000
N_EDGES = 320000
D = 128
NC = 2
NS = 16
NW = NC * NS
E_PER_TILE = N_EDGES // NW
CHUNK = 40
N_CHUNKS = E_PER_TILE // CHUNK
NB = 8
RCHUNK = 40
N_RCHUNK = N_NODES // RCHUNK
RC_PER_TILE = -(-N_RCHUNK // NS)


def _segsum_body(ea_hbm, dst_hbm, out_hbm, acc, *scr):
    idxs = scr[0:NB]
    rows = scr[NB:2 * NB]
    sem_l = scr[2 * NB:3 * NB]
    sem_s = scr[3 * NB:4 * NB]
    zbuf = rows[NB - 1]
    cid = lax.axis_index("c")
    sid = lax.axis_index("s")
    wid = sid * NC + cid

    base = wid * E_PER_TILE

    def load_start(i, b):
        off = pl.multiple_of(base + i * CHUNK, 8)
        pltpu.async_copy(dst_hbm.at[pl.ds(N_EDGES + off, CHUNK)], idxs[b], sem_l[b])
        pltpu.async_copy(ea_hbm.at[pl.ds(off, CHUNK)], rows[b], sem_l[b])

    def load_wait(i, b):
        off = pl.multiple_of(base + i * CHUNK, 8)
        pltpu.make_async_copy(
            dst_hbm.at[pl.ds(N_EDGES + off, CHUNK)], idxs[b], sem_l[b]
        ).wait()
        pltpu.make_async_copy(ea_hbm.at[pl.ds(off, CHUNK)], rows[b], sem_l[b]).wait()

    def scat_start(b):
        pltpu.async_copy(rows[b], acc.at[idxs[b]], sem_s[b], add=True)

    def scat_wait(b):
        pltpu.make_async_copy(rows[b], acc.at[idxs[b]], sem_s[b]).wait()

    for b in range(NB - 1):
        load_start(b, b)

    def zb(i, carry):
        r = i // (D // 16)
        j = i % (D // 16)
        zbuf[r, pl.ds(j * 16, 16)] = jnp.zeros((16,), jnp.float32)
        return carry

    lax.fori_loop(0, RCHUNK * (D // 16), zb, None)

    for k in range(RC_PER_TILE):
        c = k * NS + sid

        @pl.when(c < N_RCHUNK)
        def _(k=k, c=c):
            pltpu.async_copy(
                zbuf, acc.at[pl.ds(c * RCHUNK, RCHUNK)], sem_s[k % NB]
            )

    for k in range(RC_PER_TILE):
        c = k * NS + sid

        @pl.when(c < N_RCHUNK)
        def _(k=k, c=c):
            pltpu.make_async_copy(
                zbuf, acc.at[pl.ds(c * RCHUNK, RCHUNK)], sem_s[k % NB]
            ).wait()

    plsc.subcore_barrier()

    load_wait(0, 0)
    scat_start(0)
    load_start(NB - 1, NB - 1)
    for b in range(1, NB):
        load_wait(b, b)
        scat_wait(b - 1)
        scat_start(b)
        load_start(b + NB - 1, (b - 1) % NB)

    def step(j, carry):
        for b in range(NB):
            i = NB * j + b
            load_wait(i, b)
            scat_wait((b - 1) % NB)
            scat_start(b)

            @pl.when(i + NB - 1 < N_CHUNKS)
            def _(i=i, b=b):
                load_start(i + NB - 1, (b - 1) % NB)

        return carry

    lax.fori_loop(1, N_CHUNKS // NB, step, None)

    last = (N_CHUNKS // NB) * NB
    for b in range(N_CHUNKS - last):
        i = last + b
        load_wait(i, b)
        scat_wait((b - 1) % NB)
        scat_start(b)
    scat_wait((N_CHUNKS - 1) % NB)

    plsc.subcore_barrier()

    for k in range(RC_PER_TILE):
        c = k * NS + sid

        @pl.when(c < N_RCHUNK)
        def _(k=k, c=c):
            pltpu.async_copy(
                acc.at[pl.ds(c * RCHUNK, RCHUNK)],
                out_hbm.at[cid, pl.ds(c * RCHUNK, RCHUNK)],
                sem_l[k % NB],
            )

    for k in range(RC_PER_TILE):
        c = k * NS + sid

        @pl.when(c < N_RCHUNK)
        def _(k=k, c=c):
            pltpu.make_async_copy(
                acc.at[pl.ds(c * RCHUNK, RCHUNK)],
                out_hbm.at[cid, pl.ds(c * RCHUNK, RCHUNK)],
                sem_l[k % NB],
            ).wait()


def _segsum_sc(edge_attr, edge_index_flat):
    mesh = plsc.VectorSubcoreMesh(
        core_axis_name="c", subcore_axis_name="s", num_cores=NC, num_subcores=NS
    )
    f = pl.kernel(
        _segsum_body,
        out_type=jax.ShapeDtypeStruct((NC, N_NODES, D), jnp.float32),
        mesh=mesh,
        scratch_types=(
            [pltpu.VMEM_SHARED((N_NODES, D), jnp.float32)]
            + [pltpu.VMEM((CHUNK,), jnp.int32) for _ in range(NB)]
            + [pltpu.VMEM((CHUNK, D), jnp.float32) for _ in range(NB)]
            + [pltpu.SemaphoreType.DMA for _ in range(2 * NB)]
        ),
    )
    return f(edge_attr, edge_index_flat)


def _update_body(p_ref, x_ref, w_ref, b_ref, o_ref):
    agg = p_ref[0] + p_ref[1]
    o_ref[...] = (
        jnp.dot(agg, w_ref[:D], preferred_element_type=jnp.float32)
        + jnp.dot(x_ref[...], w_ref[D:], preferred_element_type=jnp.float32)
        + b_ref[...]
    )


def _update_tc(partials, x, W, b):
    RB = 2000
    return pl.pallas_call(
        _update_body,
        grid=(N_NODES // RB,),
        in_specs=[
            pl.BlockSpec((2, RB, D), lambda i: (0, i, 0)),
            pl.BlockSpec((RB, D), lambda i: (i, 0)),
            pl.BlockSpec((2 * D, D), lambda i: (0, 0)),
            pl.BlockSpec((1, D), lambda i: (0, 0)),
        ],
        out_specs=pl.BlockSpec((RB, D), lambda i: (i, 0)),
        out_shape=jax.ShapeDtypeStruct((N_NODES, D), jnp.float32),
    )(partials, x, W, b.reshape(1, D))


@jax.jit
def kernel(x, edge_attr, edge_index, W, b):
    partials = _segsum_sc(edge_attr, edge_index.reshape(2 * N_EDGES))
    return _update_tc(partials, x, W, b)

# --- scband reference (transcript-rebuilt; emitter-appended) ---
"""Pipeline reference for scband-node-block-69346541961223 (READ-ONLY COPY).

The authoritative reference and input builder live on the scoring server;
editing this copy changes nothing except your own understanding.
"""

import jax, jax.numpy as jnp
import numpy as np

N_NODES = 10000
N_EDGES = 320000
D_FEAT = 128


def setup_inputs(seed: int = 0) -> dict:
    key = jax.random.key(seed)
    k1, k2, k3, k4 = jax.random.split(key, 4)
    x = jax.random.normal(k1, (N_NODES, D_FEAT), dtype=jnp.float32)
    edge_attr = jax.random.normal(k2, (N_EDGES, D_FEAT), dtype=jnp.float32)
    # edge_index[0] = src node ids, edge_index[1] = dst node ids (incoming edges of dst)
    edge_index = jax.random.randint(k3, (2, N_EDGES), 0, N_NODES, dtype=jnp.int32)
    # updater parameters: Linear(2*D_FEAT -> D_FEAT) applied to concat([aggregated, node_feat])
    W = jax.random.normal(k4, (2 * D_FEAT, D_FEAT), dtype=jnp.float32) * 0.02
    b = jnp.zeros((D_FEAT,), dtype=jnp.float32)
    return {"x": x, "edge_attr": edge_attr, "edge_index": edge_index, "W": W, "b": b}


def reference(x, edge_attr, edge_index, W, b):
    # NodeBlock with a single vertex type 'node' and a single edge type 'edge'.
    # in_e2n_aggregator 'sum': for each node, sum edge data of its incoming edges.
    # Original: agg_input = [edata[at][incoming_edge_ids(nid)] for nid in range(N)]; aggregator sums each list.
    # Vectorized: segment-sum of edge_attr by destination node id.
    dst = edge_index[1]
    in_aggregated = jax.ops.segment_sum(edge_attr, dst, num_segments=x.shape[0])
    # aggregated = cat(in_aggregated) (only one aggregator); to_updater = cat([aggregated, vdata], dim=1)
    to_updater = jnp.concatenate([in_aggregated, x], axis=1)
    # updater for type 'node': Linear(2*D -> D)
    out = to_updater @ W + b
    return out

if __name__ == "__main__":
    import jax
    _d = setup_inputs()
    print(jax.jit(kernel)(*tuple(_d.values())))

</pallas_src>

<mosaic_0001>
#map = affine_map<(d0, d1) -> (0, 0)>
#map1 = affine_map<(d0, d1) -> (0)>
#map2 = affine_map<(d0, d1) -> (0, 0, 0)>
module attributes {stable_mosaic.version = 14 : i64} {
  func.func @_segsum_body(%arg0: i32, %arg1: i32, %arg2: memref<320000x128xf32, #tpu.memory_space<hbm>>, %arg3: memref<640000xi32, #tpu.memory_space<hbm>>, %arg4: memref<2x10000x128xf32, #tpu.memory_space<hbm>>, %arg5: memref<10000x128xf32, #tpu.memory_space<vmem_shared>>, %arg6: memref<40xi32, #tpu.memory_space<vmem>>, %arg7: memref<40xi32, #tpu.memory_space<vmem>>, %arg8: memref<40xi32, #tpu.memory_space<vmem>>, %arg9: memref<40xi32, #tpu.memory_space<vmem>>, %arg10: memref<40xi32, #tpu.memory_space<vmem>>, %arg11: memref<40xi32, #tpu.memory_space<vmem>>, %arg12: memref<40xi32, #tpu.memory_space<vmem>>, %arg13: memref<40xi32, #tpu.memory_space<vmem>>, %arg14: memref<40x128xf32, #tpu.memory_space<vmem>>, %arg15: memref<40x128xf32, #tpu.memory_space<vmem>>, %arg16: memref<40x128xf32, #tpu.memory_space<vmem>>, %arg17: memref<40x128xf32, #tpu.memory_space<vmem>>, %arg18: memref<40x128xf32, #tpu.memory_space<vmem>>, %arg19: memref<40x128xf32, #tpu.memory_space<vmem>>, %arg20: memref<40x128xf32, #tpu.memory_space<vmem>>, %arg21: memref<40x128xf32, #tpu.memory_space<vmem>>, %arg22: memref<!tpu.dma_semaphore, #tpu.memory_space<semaphore_mem>>, %arg23: memref<!tpu.dma_semaphore, #tpu.memory_space<semaphore_mem>>, %arg24: memref<!tpu.dma_semaphore, #tpu.memory_space<semaphore_mem>>, %arg25: memref<!tpu.dma_semaphore, #tpu.memory_space<semaphore_mem>>, %arg26: memref<!tpu.dma_semaphore, #tpu.memory_space<semaphore_mem>>, %arg27: memref<!tpu.dma_semaphore, #tpu.memory_space<semaphore_mem>>, %arg28: memref<!tpu.dma_semaphore, #tpu.memory_space<semaphore_mem>>, %arg29: memref<!tpu.dma_semaphore, #tpu.memory_space<semaphore_mem>>, %arg30: memref<!tpu.dma_semaphore, #tpu.memory_space<semaphore_mem>>, %arg31: memref<!tpu.dma_semaphore, #tpu.memory_space<semaphore_mem>>, %arg32: memref<!tpu.dma_semaphore, #tpu.memory_space<semaphore_mem>>, %arg33: memref<!tpu.dma_semaphore, #tpu.memory_space<semaphore_mem>>, %arg34: memref<!tpu.dma_semaphore, #tpu.memory_space<semaphore_mem>>, %arg35: memref<!tpu.dma_semaphore, #tpu.memory_space<semaphore_mem>>, %arg36: memref<!tpu.dma_semaphore, #tpu.memory_space<semaphore_mem>>, %arg37: memref<!tpu.dma_semaphore, #tpu.memory_space<semaphore_mem>>) attributes {dimension_semantics = [#tpu.dimension_semantics<core_parallel>, #tpu.dimension_semantics<subcore_parallel>], iteration_bounds = array<i64: 2, 16>, scalar_prefetch = 0 : i64, scratch_operands = 33 : i64, tpu.core_type = #tpu.core_type<sc_vector_subcore>, window_params = [{transform_indices = #map}, {transform_indices = #map1}, {transform_indices = #map2}]} {
    %mul3A = arith.constant 2 : i32
    %mul3A_0 = arith.muli %arg1, %mul3A : i32
    %add3A = arith.addi %mul3A_0, %arg0 : i32
    %mul3A_1 = arith.constant 10000 : i32
    %mul3A_2 = arith.muli %add3A, %mul3A_1 : i32
    %add3A_3 = arith.constant 0 : i32
    %add3A_4 = arith.addi %mul3A_2, %add3A_3 : i32
    %multiple_of3A = tpu.assume_multiple %add3A_4, 8 : i32
    %add3A_5 = arith.constant 320000 : i32
    %add3A_6 = arith.addi %add3A_5, %multiple_of3A : i32
    %dma_start3A = tpu.memref_slice %arg3[%add3A_6] : memref<640000xi32, #tpu.memory_space<hbm>> -> memref<40xi32, #tpu.memory_space<hbm>>
    %dma_start3A_7 = tpu.memref_slice %arg3[%add3A_6] : memref<640000xi32, #tpu.memory_space<hbm>> -> memref<40xi32, #tpu.memory_space<hbm>>
    tpu.enqueue_dma source(%dma_start3A_7 : memref<40xi32, #tpu.memory_space<hbm>>) target(%arg6 : memref<40xi32, #tpu.memory_space<vmem>>) target_semaphore(%arg22 : memref<!tpu.dma_semaphore, #tpu.memory_space<semaphore_mem>>)
    %dma_start3A_8 = arith.constant 0 : i32
    %dma_start3A_9 = tpu.memref_slice %arg2[%multiple_of3A, %dma_start3A_8] : memref<320000x128xf32, #tpu.memory_space<hbm>> -> memref<40x128xf32, #tpu.memory_space<hbm>>
    %dma_start3A_10 = arith.constant 0 : i32
    %dma_start3A_11 = tpu.memref_slice %arg2[%multiple_of3A, %dma_start3A_10] : memref<320000x128xf32, #tpu.memory_space<hbm>> -> memref<40x128xf32, #tpu.memory_space<hbm>>
    tpu.enqueue_dma source(%dma_start3A_11 : memref<40x128xf32, #tpu.memory_space<hbm>>) target(%arg14 : memref<40x128xf32, #tpu.memory_space<vmem>>) target_semaphore(%arg22 : memref<!tpu.dma_semaphore, #tpu.memory_space<semaphore_mem>>)
    %add3A_12 = arith.constant 40 : i32
    %add3A_13 = arith.addi %mul3A_2, %add3A_12 : i32
    %multiple_of3A_14 = tpu.assume_multiple %add3A_13, 8 : i32
    %add3A_15 = arith.constant 320000 : i32
    %add3A_16 = arith.addi %add3A_15, %multiple_of3A_14 : i32
    %dma_start3A_17 = tpu.memref_slice %arg3[%add3A_16] : memref<640000xi32, #tpu.memory_space<hbm>> -> memref<40xi32, #tpu.memory_space<hbm>>
    %dma_start3A_18 = tpu.memref_slice %arg3[%add3A_16] : memref<640000xi32, #tpu.memory_space<hbm>> -> memref<40xi32, #tpu.memory_space<hbm>>
    tpu.enqueue_dma source(%dma_start3A_18 : memref<40xi32, #tpu.memory_space<hbm>>) target(%arg7 : memref<40xi32, #tpu.memory_space<vmem>>) target_semaphore(%arg23 : memref<!tpu.dma_semaphore, #tpu.memory_space<semaphore_mem>>)
    %dma_start3A_19 = arith.constant 0 : i32
    %dma_start3A_20 = tpu.memref_slice %arg2[%multiple_of3A_14, %dma_start3A_19] : memref<320000x128xf32, #tpu.memory_space<hbm>> -> memref<40x128xf32, #tpu.memory_space<hbm>>
    %dma_start3A_21 = arith.constant 0 : i32
    %dma_start3A_22 = tpu.memref_slice %arg2[%multiple_of3A_14, %dma_start3A_21] : memref<320000x128xf32, #tpu.memory_space<hbm>> -> memref<40x128xf32, #tpu.memory_space<hbm>>
    tpu.enqueue_dma source(%dma_start3A_22 : memref<40x128xf32, #tpu.memory_space<hbm>>) target(%arg15 : memref<40x128xf32, #tpu.memory_space<vmem>>) target_semaphore(%arg23 : memref<!tpu.dma_semaphore, #tpu.memory_space<semaphore_mem>>)
    %add3A_23 = arith.constant 80 : i32
    %add3A_24 = arith.addi %mul3A_2, %add3A_23 : i32
    %multiple_of3A_25 = tpu.assume_multiple %add3A_24, 8 : i32
    %add3A_26 = arith.constant 320000 : i32
    %add3A_27 = arith.addi %add3A_26, %multiple_of3A_25 : i32
    %dma_start3A_28 = tpu.memref_slice %arg3[%add3A_27] : memref<640000xi32, #tpu.memory_space<hbm>> -> memref<40xi32, #tpu.memory_space<hbm>>
    %dma_start3A_29 = tpu.memref_slice %arg3[%add3A_27] : memref<640000xi32, #tpu.memory_space<hbm>> -> memref<40xi32, #tpu.memory_space<hbm>>
    tpu.enqueue_dma source(%dma_start3A_29 : memref<40xi32, #tpu.memory_space<hbm>>) target(%arg8 : memref<40xi32, #tpu.memory_space<vmem>>) target_semaphore(%arg24 : memref<!tpu.dma_semaphore, #tpu.memory_space<semaphore_mem>>)
    %dma_start3A_30 = arith.constant 0 : i32
    %dma_start3A_31 = tpu.memref_slice %arg2[%multiple_of3A_25, %dma_start3A_30] : memref<320000x128xf32, #tpu.memory_space<hbm>> -> memref<40x128xf32, #tpu.memory_space<hbm>>
    %dma_start3A_32 = arith.constant 0 : i32
    %dma_start3A_33 = tpu.memref_slice %arg2[%multiple_of3A_25, %dma_start3A_32] : memref<320000x128xf32, #tpu.memory_space<hbm>> -> memref<40x128xf32, #tpu.memory_space<hbm>>
    tpu.enqueue_dma source(%dma_start3A_33 : memref<40x128xf32, #tpu.memory_space<hbm>>) target(%arg16 : memref<40x128xf32, #tpu.memory_space<vmem>>) target_semaphore(%arg24 : memref<!tpu.dma_semaphore, #tpu.memory_space<semaphore_mem>>)
    %add3A_34 = arith.constant 120 : i32
    %add3A_35 = arith.addi %mul3A_2, %add3A_34 : i32
    %multiple_of3A_36 = tpu.assume_multiple %add3A_35, 8 : i32
    %add3A_37 = arith.constant 320000 : i32
    %add3A_38 = arith.addi %add3A_37, %multiple_of3A_36 : i32
    %dma_start3A_39 = tpu.memref_slice %arg3[%add3A_38] : memref<640000xi32, #tpu.memory_space<hbm>> -> memref<40xi32, #tpu.memory_space<hbm>>
    %dma_start3A_40 = tpu.memref_slice %arg3[%add3A_38] : memref<640000xi32, #tpu.memory_space<hbm>> -> memref<40xi32, #tpu.memory_space<hbm>>
    tpu.enqueue_dma source(%dma_start3A_40 : memref<40xi32, #tpu.memory_space<hbm>>) target(%arg9 : memref<40xi32, #tpu.memory_space<vmem>>) target_semaphore(%arg25 : memref<!tpu.dma_semaphore, #tpu.memory_space<semaphore_mem>>)
    %dma_start3A_41 = arith.constant 0 : i32
    %dma_start3A_42 = tpu.memref_slice %arg2[%multiple_of3A_36, %dma_start3A_41] : memref<320000x128xf32, #tpu.memory_space<hbm>> -> memref<40x128xf32, #tpu.memory_space<hbm>>
    %dma_start3A_43 = arith.constant 0 : i32
    %dma_start3A_44 = tpu.memref_slice %arg2[%multiple_of3A_36, %dma_start3A_43] : memref<320000x128xf32, #tpu.memory_space<hbm>> -> memref<40x128xf32, #tpu.memory_space<hbm>>
    tpu.enqueue_dma source(%dma_start3A_44 : memref<40x128xf32, #tpu.memory_space<hbm>>) target(%arg17 : memref<40x128xf32, #tpu.memory_space<vmem>>) target_semaphore(%arg25 : memref<!tpu.dma_semaphore, #tpu.memory_space<semaphore_mem>>)
    %add3A_45 = arith.constant 160 : i32
    %add3A_46 = arith.addi %mul3A_2, %add3A_45 : i32
    %multiple_of3A_47 = tpu.assume_multiple %add3A_46, 8 : i32
    %add3A_48 = arith.constant 320000 : i32
    %add3A_49 = arith.addi %add3A_48, %multiple_of3A_47 : i32
    %dma_start3A_50 = tpu.memref_slice %arg3[%add3A_49] : memref<640000xi32, #tpu.memory_space<hbm>> -> memref<40xi32, #tpu.memory_space<hbm>>
    %dma_start3A_51 = tpu.memref_slice %arg3[%add3A_49] : memref<640000xi32, #tpu.memory_space<hbm>> -> memref<40xi32, #tpu.memory_space<hbm>>
    tpu.enqueue_dma source(%dma_start3A_51 : memref<40xi32, #tpu.memory_space<hbm>>) target(%arg10 : memref<40xi32, #tpu.memory_space<vmem>>) target_semaphore(%arg26 : memref<!tpu.dma_semaphore, #tpu.memory_space<semaphore_mem>>)
    %dma_start3A_52 = arith.constant 0 : i32
    %dma_start3A_53 = tpu.memref_slice %arg2[%multiple_of3A_47, %dma_start3A_52] : memref<320000x128xf32, #tpu.memory_space<hbm>> -> memref<40x128xf32, #tpu.memory_space<hbm>>
    %dma_start3A_54 = arith.constant 0 : i32
    %dma_start3A_55 = tpu.memref_slice %arg2[%multiple_of3A_47, %dma_start3A_54] : memref<320000x128xf32, #tpu.memory_space<hbm>> -> memref<40x128xf32, #tpu.memory_space<hbm>>
    tpu.enqueue_dma source(%dma_start3A_55 : memref<40x128xf32, #tpu.memory_space<hbm>>) target(%arg18 : memref<40x128xf32, #tpu.memory_space<vmem>>) target_semaphore(%arg26 : memref<!tpu.dma_semaphore, #tpu.memory_space<semaphore_mem>>)
    %add3A_56 = arith.constant 200 : i32
    %add3A_57 = arith.addi %mul3A_2, %add3A_56 : i32
    %multiple_of3A_58 = tpu.assume_multiple %add3A_57, 8 : i32
    %add3A_59 = arith.constant 320000 : i32
    %add3A_60 = arith.addi %add3A_59, %multiple_of3A_58 : i32
    %dma_start3A_61 = tpu.memref_slice %arg3[%add3A_60] : memref<640000xi32, #tpu.memory_space<hbm>> -> memref<40xi32, #tpu.memory_space<hbm>>
    %dma_start3A_62 = tpu.memref_slice %arg3[%add3A_60] : memref<640000xi32, #tpu.memory_space<hbm>> -> memref<40xi32, #tpu.memory_space<hbm>>
    tpu.enqueue_dma source(%dma_start3A_62 : memref<40xi32, #tpu.memory_space<hbm>>) target(%arg11 : memref<40xi32, #tpu.memory_space<vmem>>) target_semaphore(%arg27 : memref<!tpu.dma_semaphore, #tpu.memory_space<semaphore_mem>>)
    %dma_start3A_63 = arith.constant 0 : i32
    %dma_start3A_64 = tpu.memref_slice %arg2[%multiple_of3A_58, %dma_start3A_63] : memref<320000x128xf32, #tpu.memory_space<hbm>> -> memref<40x128xf32, #tpu.memory_space<hbm>>
    %dma_start3A_65 = arith.constant 0 : i32
    %dma_start3A_66 = tpu.memref_slice %arg2[%multiple_of3A_58, %dma_start3A_65] : memref<320000x128xf32, #tpu.memory_space<hbm>> -> memref<40x128xf32, #tpu.memory_space<hbm>>
    tpu.enqueue_dma source(%dma_start3A_66 : memref<40x128xf32, #tpu.memory_space<hbm>>) target(%arg19 : memref<40x128xf32, #tpu.memory_space<vmem>>) target_semaphore(%arg27 : memref<!tpu.dma_semaphore, #tpu.memory_space<semaphore_mem>>)
    %add3A_67 = arith.constant 240 : i32
    %add3A_68 = arith.addi %mul3A_2, %add3A_67 : i32
    %multiple_of3A_69 = tpu.assume_multiple %add3A_68, 8 : i32
    %add3A_70 = arith.constant 320000 : i32
    %add3A_71 = arith.addi %add3A_70, %multiple_of3A_69 : i32
    %dma_start3A_72 = tpu.memref_slice %arg3[%add3A_71] : memref<640000xi32, #tpu.memory_space<hbm>> -> memref<40xi32, #tpu.memory_space<hbm>>
    %dma_start3A_73 = tpu.memref_slice %arg3[%add3A_71] : memref<640000xi32, #tpu.memory_space<hbm>> -> memref<40xi32, #tpu.memory_space<hbm>>
    tpu.enqueue_dma source(%dma_start3A_73 : memref<40xi32, #tpu.memory_space<hbm>>) target(%arg12 : memref<40xi32, #tpu.memory_space<vmem>>) target_semaphore(%arg28 : memref<!tpu.dma_semaphore, #tpu.memory_space<semaphore_mem>>)
    %dma_start3A_74 = arith.constant 0 : i32
    %dma_start3A_75 = tpu.memref_slice %arg2[%multiple_of3A_69, %dma_start3A_74] : memref<320000x128xf32, #tpu.memory_space<hbm>> -> memref<40x128xf32, #tpu.memory_space<hbm>>
    %dma_start3A_76 = arith.constant 0 : i32
    %dma_start3A_77 = tpu.memref_slice %arg2[%multiple_of3A_69, %dma_start3A_76] : memref<320000x128xf32, #tpu.memory_space<hbm>> -> memref<40x128xf32, #tpu.memory_space<hbm>>
    tpu.enqueue_dma source(%dma_start3A_77 : memref<40x128xf32, #tpu.memory_space<hbm>>) target(%arg20 : memref<40x128xf32, #tpu.memory_space<vmem>>) target_semaphore(%arg28 : memref<!tpu.dma_semaphore, #tpu.memory_space<semaphore_mem>>)
    %scan3A = arith.constant 0 : i32
    %scan3A_78 = arith.constant 320 : i32
    %scan3A_79 = arith.addi %scan3A, %scan3A_78 : i32
    %scan3A_80 = arith.constant 1 : i32
    scf.for %scan3A_790 = %scan3A to %scan3A_79 step %scan3A_80  : i32 {
      %jit3A = arith.constant 8 : i32
      %div3A = arith.divsi %scan3A_790, %jit3A : i32
      %sign3A = arith.constant 0 : i32
      %sign3A_791 = arith.cmpi sgt, %scan3A_790, %sign3A : i32
      %sign3A_792 = arith.extui %sign3A_791 : i1 to i32
      %sign3A_793 = arith.constant 0 : i32
      %sign3A_794 = arith.cmpi slt, %scan3A_790, %sign3A_793 : i32
      %sign3A_795 = arith.extui %sign3A_794 : i1 to i32
      %sign3A_796 = arith.subi %sign3A_792, %sign3A_795 : i32
      %sign3A_797 = arith.constant 0 : i32
      %sign3A_798 = arith.cmpi sgt, %jit3A, %sign3A_797 : i32
      %sign3A_799 = arith.extui %sign3A_798 : i1 to i32
      %sign3A_800 = arith.constant 0 : i32
      %sign3A_801 = arith.cmpi slt, %jit3A, %sign3A_800 : i32
      %sign3A_802 = arith.extui %sign3A_801 : i1 to i32
      %sign3A_803 = arith.subi %sign3A_799, %sign3A_802 : i32
      %ne3A = arith.cmpi ne, %sign3A_796, %sign3A_803 : i32
      %rem3A = arith.remsi %scan3A_790, %jit3A : i32
      %ne3A_804 = arith.constant 0 : i32
      %ne3A_805 = arith.cmpi ne, %rem3A, %ne3A_804 : i32
      %and3A = arith.andi %ne3A, %ne3A_805 : i1
      %sub3A = arith.constant 1 : i32
      %sub3A_806 = arith.subi %div3A, %sub3A : i32
      %select_n3A = arith.select %and3A, %sub3A_806, %div3A : i32
      %jit3A_807 = arith.constant 8 : i32
      %eq3A = arith.constant 0 : i32
      %eq3A_808 = arith.cmpi eq, %jit3A_807, %eq3A : i32
      %jit3A_809 = arith.constant 1 : i32
      %select_n3A_810 = arith.select %eq3A_808, %jit3A_809, %jit3A_807 : i32
      %rem3A_811 = arith.remsi %scan3A_790, %select_n3A_810 : i32
      %ne3A_812 = arith.constant 0 : i32
      %ne3A_813 = arith.cmpi ne, %rem3A_811, %ne3A_812 : i32
      %lt3A_814 = arith.constant 0 : i32
      %lt3A_815 = arith.cmpi slt, %rem3A_811, %lt3A_814 : i32
      %lt3A_816 = arith.constant 0 : i32
      %lt3A_817 = arith.cmpi slt, %select_n3A_810, %lt3A_816 : i32
      %ne3A_818 = arith.xori %lt3A_815, %lt3A_817 : i1
      %and3A_819 = arith.andi %ne3A_818, %ne3A_813 : i1
      %add3A_820 = arith.addi %rem3A_811, %select_n3A_810 : i32
      %select_n3A_821 = arith.select %and3A_819, %add3A_820, %rem3A_811 : i32
      %broadcast_in_dim3A = arith.constant 0.000000e+00 : f32
      %broadcast_in_dim3A_822 = vector.broadcast %broadcast_in_dim3A : f32 to vector<16xf32>
      %mul3A_823 = arith.constant 16 : i32
      %mul3A_824 = arith.muli %select_n3A_821, %mul3A_823 : i32
      %swap3A = arith.index_cast %select_n3A : i32 to index
      %swap3A_825 = arith.index_cast %mul3A_824 : i32 to index
      %swap3A_826 = tpu.vector_load %arg21[%swap3A, %swap3A_825] {strides = array<i32>} : memref<40x128xf32, #tpu.memory_space<vmem>>, vector<1x16xf32>,
      %swap3A_827 = vector.shape_cast %swap3A_826 : vector<1x16xf32> to vector<16xf32>
      %swap3A_828 = vector.shape_cast %broadcast_in_dim3A_822 : vector<16xf32> to vector<1x16xf32>
      tpu.vector_store %arg21[%swap3A, %swap3A_825], %swap3A_828 {strides = array<i32>} : memref<40x128xf32, #tpu.memory_space<vmem>>, vector<1x16xf32>,
    }
    %scan3A_81 = arith.constant 320 : i32
    %add3A_82 = arith.constant 0 : i32
    %add3A_83 = arith.addi %add3A_82, %arg1 : i32
    %lt3A = arith.constant 250 : i32
    %lt3A_84 = arith.cmpi slt, %add3A_83, %lt3A : i32
    %convert_element_type3A = arith.extui %lt3A_84 : i1 to i32
    %cond3A = arith.constant 0 : i32
    %cond3A_85 = arith.cmpi ne, %convert_element_type3A, %cond3A : i32
    scf.if %cond3A_85 {
      %mul3A_790 = arith.constant 40 : i32
      %mul3A_791 = arith.muli %add3A_83, %mul3A_790 : i32
      %dma_start3A_792 = arith.constant 0 : i32
      %dma_start3A_793 = tpu.memref_slice %arg5[%mul3A_791, %dma_start3A_792] : memref<10000x128xf32, #tpu.memory_space<vmem_shared>> -> memref<40x128xf32, #tpu.memory_space<vmem_shared>>
      %dma_start3A_794 = arith.constant 0 : i32
      %dma_start3A_795 = tpu.memref_slice %arg5[%mul3A_791, %dma_start3A_794] : memref<10000x128xf32, #tpu.memory_space<vmem_shared>> -> memref<40x128xf32, #tpu.memory_space<vmem_shared>>
      tpu.enqueue_dma source(%arg21 : memref<40x128xf32, #tpu.memory_space<vmem>>) target(%dma_start3A_795 : memref<40x128xf32, #tpu.memory_space<vmem_shared>>) target_semaphore(%arg30 : memref<!tpu.dma_semaphore, #tpu.memory_space<semaphore_mem>>)
    } else {
    }
    %add3A_86 = arith.constant 16 : i32
    %add3A_87 = arith.addi %add3A_86, %arg1 : i32
    %lt3A_88 = arith.constant 250 : i32
    %lt3A_89 = arith.cmpi slt, %add3A_87, %lt3A_88 : i32
    %convert_element_type3A_90 = arith.extui %lt3A_89 : i1 to i32
    %cond3A_91 = arith.constant 0 : i32
    %cond3A_92 = arith.cmpi ne, %convert_element_type3A_90, %cond3A_91 : i32
    scf.if %cond3A_92 {
      %mul3A_790 = arith.constant 40 : i32
      %mul3A_791 = arith.muli %add3A_87, %mul3A_790 : i32
      %dma_start3A_792 = arith.constant 0 : i32
      %dma_start3A_793 = tpu.memref_slice %arg5[%mul3A_791, %dma_start3A_792] : memref<10000x128xf32, #tpu.memory_space<vmem_shared>> -> memref<40x128xf32, #tpu.memory_space<vmem_shared>>
      %dma_start3A_794 = arith.constant 0 : i32
      %dma_start3A_795 = tpu.memref_slice %arg5[%mul3A_791, %dma_start3A_794] : memref<10000x128xf32, #tpu.memory_space<vmem_shared>> -> memref<40x128xf32, #tpu.memory_space<vmem_shared>>
      tpu.enqueue_dma source(%arg21 : memref<40x128xf32, #tpu.memory_space<vmem>>) target(%dma_start3A_795 : memref<40x128xf32, #tpu.memory_space<vmem_shared>>) target_semaphore(%arg31 : memref<!tpu.dma_semaphore, #tpu.memory_space<semaphore_mem>>)
    } else {
    }
    %add3A_93 = arith.constant 32 : i32
    %add3A_94 = arith.addi %add3A_93, %arg1 : i32
    %lt3A_95 = arith.constant 250 : i32
    %lt3A_96 = arith.cmpi slt, %add3A_94, %lt3A_95 : i32
    %convert_element_type3A_97 = arith.extui %lt3A_96 : i1 to i32
    %cond3A_98 = arith.constant 0 : i32
    %cond3A_99 = arith.cmpi ne, %convert_element_type3A_97, %cond3A_98 : i32
    scf.if %cond3A_99 {
      %mul3A_790 = arith.constant 40 : i32
      %mul3A_791 = arith.muli %add3A_94, %mul3A_790 : i32
      %dma_start3A_792 = arith.constant 0 : i32
      %dma_start3A_793 = tpu.memref_slice %arg5[%mul3A_791, %dma_start3A_792] : memref<10000x128xf32, #tpu.memory_space<vmem_shared>> -> memref<40x128xf32, #tpu.memory_space<vmem_shared>>
      %dma_start3A_794 = arith.constant 0 : i32
      %dma_start3A_795 = tpu.memref_slice %arg5[%mul3A_791, %dma_start3A_794] : memref<10000x128xf32, #tpu.memory_space<vmem_shared>> -> memref<40x128xf32, #tpu.memory_space<vmem_shared>>
      tpu.enqueue_dma source(%arg21 : memref<40x128xf32, #tpu.memory_space<vmem>>) target(%dma_start3A_795 : memref<40x128xf32, #tpu.memory_space<vmem_shared>>) target_semaphore(%arg32 : memref<!tpu.dma_semaphore, #tpu.memory_space<semaphore_mem>>)
    } else {
    }
    %add3A_100 = arith.constant 48 : i32
    %add3A_101 = arith.addi %add3A_100, %arg1 : i32
    %lt3A_102 = arith.constant 250 : i32
    %lt3A_103 = arith.cmpi slt, %add3A_101, %lt3A_102 : i32
    %convert_element_type3A_104 = arith.extui %lt3A_103 : i1 to i32
    %cond3A_105 = arith.constant 0 : i32
    %cond3A_106 = arith.cmpi ne, %convert_element_type3A_104, %cond3A_105 : i32
    scf.if %cond3A_106 {
      %mul3A_790 = arith.constant 40 : i32
      %mul3A_791 = arith.muli %add3A_101, %mul3A_790 : i32
      %dma_start3A_792 = arith.constant 0 : i32
      %dma_start3A_793 = tpu.memref_slice %arg5[%mul3A_791, %dma_start3A_792] : memref<10000x128xf32, #tpu.memory_space<vmem_shared>> -> memref<40x128xf32, #tpu.memory_space<vmem_shared>>
      %dma_start3A_794 = arith.constant 0 : i32
      %dma_start3A_795 = tpu.memref_slice %arg5[%mul3A_791, %dma_start3A_794] : memref<10000x128xf32, #tpu.memory_space<vmem_shared>> -> memref<40x128xf32, #tpu.memory_space<vmem_shared>>
      tpu.enqueue_dma source(%arg21 : memref<40x128xf32, #tpu.memory_space<vmem>>) target(%dma_start3A_795 : memref<40x128xf32, #tpu.memory_space<vmem_shared>>) target_semaphore(%arg33 : memref<!tpu.dma_semaphore, #tpu.memory_space<semaphore_mem>>)
    } else {
    }
    %add3A_107 = arith.constant 64 : i32
    %add3A_108 = arith.addi %add3A_107, %arg1 : i32
    %lt3A_109 = arith.constant 250 : i32
    %lt3A_110 = arith.cmpi slt, %add3A_108, %lt3A_109 : i32
    %convert_element_type3A_111 = arith.extui %lt3A_110 : i1 to i32
    %cond3A_112 = arith.constant 0 : i32
    %cond3A_113 = arith.cmpi ne, %convert_element_type3A_111, %cond3A_112 : i32
    scf.if %cond3A_113 {
      %mul3A_790 = arith.constant 40 : i32
      %mul3A_791 = arith.muli %add3A_108, %mul3A_790 : i32
      %dma_start3A_792 = arith.constant 0 : i32
      %dma_start3A_793 = tpu.memref_slice %arg5[%mul3A_791, %dma_start3A_792] : memref<10000x128xf32, #tpu.memory_space<vmem_shared>> -> memref<40x128xf32, #tpu.memory_space<vmem_shared>>
      %dma_start3A_794 = arith.constant 0 : i32
      %dma_start3A_795 = tpu.memref_slice %arg5[%mul3A_791, %dma_start3A_794] : memref<10000x128xf32, #tpu.memory_space<vmem_shared>> -> memref<40x128xf32, #tpu.memory_space<vmem_shared>>
      tpu.enqueue_dma source(%arg21 : memref<40x128xf32, #tpu.memory_space<vmem>>) target(%dma_start3A_795 : memref<40x128xf32, #tpu.memory_space<vmem_shared>>) target_semaphore(%arg34 : memref<!tpu.dma_semaphore, #tpu.memory_space<semaphore_mem>>)
    } else {
    }
    %add3A_114 = arith.constant 80 : i32
    %add3A_115 = arith.addi %add3A_114, %arg1 : i32
    %lt3A_116 = arith.constant 250 : i32
    %lt3A_117 = arith.cmpi slt, %add3A_115, %lt3A_116 : i32
    %convert_element_type3A_118 = arith.extui %lt3A_117 : i1 to i32
    %cond3A_119 = arith.constant 0 : i32
    %cond3A_120 = arith.cmpi ne, %convert_element_type3A_118, %cond3A_119 : i32
    scf.if %cond3A_120 {
      %mul3A_790 = arith.constant 40 : i32
      %mul3A_791 = arith.muli %add3A_115, %mul3A_790 : i32
      %dma_start3A_792 = arith.constant 0 : i32
      %dma_start3A_793 = tpu.memref_slice %arg5[%mul3A_791, %dma_start3A_792] : memref<10000x128xf32, #tpu.memory_space<vmem_shared>> -> memref<40x128xf32, #tpu.memory_space<vmem_shared>>
      %dma_start3A_794 = arith.constant 0 : i32
      %dma_start3A_795 = tpu.memref_slice %arg5[%mul3A_791, %dma_start3A_794] : memref<10000x128xf32, #tpu.memory_space<vmem_shared>> -> memref<40x128xf32, #tpu.memory_space<vmem_shared>>
      tpu.enqueue_dma source(%arg21 : memref<40x128xf32, #tpu.memory_space<vmem>>) target(%dma_start3A_795 : memref<40x128xf32, #tpu.memory_space<vmem_shared>>) target_semaphore(%arg35 : memref<!tpu.dma_semaphore, #tpu.memory_space<semaphore_mem>>)
    } else {
    }
    %add3A_121 = arith.constant 96 : i32
    %add3A_122 = arith.addi %add3A_121, %arg1 : i32
    %lt3A_123 = arith.constant 250 : i32
    %lt3A_124 = arith.cmpi slt, %add3A_122, %lt3A_123 : i32
    %convert_element_type3A_125 = arith.extui %lt3A_124 : i1 to i32
    %cond3A_126 = arith.constant 0 : i32
    %cond3A_127 = arith.cmpi ne, %convert_element_type3A_125, %cond3A_126 : i32
    scf.if %cond3A_127 {
      %mul3A_790 = arith.constant 40 : i32
      %mul3A_791 = arith.muli %add3A_122, %mul3A_790 : i32
      %dma_start3A_792 = arith.constant 0 : i32
      %dma_start3A_793 = tpu.memref_slice %arg5[%mul3A_791, %dma_start3A_792] : memref<10000x128xf32, #tpu.memory_space<vmem_shared>> -> memref<40x128xf32, #tpu.memory_space<vmem_shared>>
      %dma_start3A_794 = arith.constant 0 : i32
      %dma_start3A_795 = tpu.memref_slice %arg5[%mul3A_791, %dma_start3A_794] : memref<10000x128xf32, #tpu.memory_space<vmem_shared>> -> memref<40x128xf32, #tpu.memory_space<vmem_shared>>
      tpu.enqueue_dma source(%arg21 : memref<40x128xf32, #tpu.memory_space<vmem>>) target(%dma_start3A_795 : memref<40x128xf32, #tpu.memory_space<vmem_shared>>) target_semaphore(%arg36 : memref<!tpu.dma_semaphore, #tpu.memory_space<semaphore_mem>>)
    } else {
    }
    %add3A_128 = arith.constant 112 : i32
    %add3A_129 = arith.addi %add3A_128, %arg1 : i32
    %lt3A_130 = arith.constant 250 : i32
    %lt3A_131 = arith.cmpi slt, %add3A_129, %lt3A_130 : i32
    %convert_element_type3A_132 = arith.extui %lt3A_131 : i1 to i32
    %cond3A_133 = arith.constant 0 : i32
    %cond3A_134 = arith.cmpi ne, %convert_element_type3A_132, %cond3A_133 : i32
    scf.if %cond3A_134 {
      %mul3A_790 = arith.constant 40 : i32
      %mul3A_791 = arith.muli %add3A_129, %mul3A_790 : i32
      %dma_start3A_792 = arith.constant 0 : i32
      %dma_start3A_793 = tpu.memref_slice %arg5[%mul3A_791, %dma_start3A_792] : memref<10000x128xf32, #tpu.memory_space<vmem_shared>> -> memref<40x128xf32, #tpu.memory_space<vmem_shared>>
      %dma_start3A_794 = arith.constant 0 : i32
      %dma_start3A_795 = tpu.memref_slice %arg5[%mul3A_791, %dma_start3A_794] : memref<10000x128xf32, #tpu.memory_space<vmem_shared>> -> memref<40x128xf32, #tpu.memory_space<vmem_shared>>
      tpu.enqueue_dma source(%arg21 : memref<40x128xf32, #tpu.memory_space<vmem>>) target(%dma_start3A_795 : memref<40x128xf32, #tpu.memory_space<vmem_shared>>) target_semaphore(%arg37 : memref<!tpu.dma_semaphore, #tpu.memory_space<semaphore_mem>>)
    } else {
    }
    %add3A_135 = arith.constant 128 : i32
    %add3A_136 = arith.addi %add3A_135, %arg1 : i32
    %lt3A_137 = arith.constant 250 : i32
    %lt3A_138 = arith.cmpi slt, %add3A_136, %lt3A_137 : i32
    %convert_element_type3A_139 = arith.extui %lt3A_138 : i1 to i32
    %cond3A_140 = arith.constant 0 : i32
    %cond3A_141 = arith.cmpi ne, %convert_element_type3A_139, %cond3A_140 : i32
    scf.if %cond3A_141 {
      %mul3A_790 = arith.constant 40 : i32
      %mul3A_791 = arith.muli %add3A_136, %mul3A_790 : i32
      %dma_start3A_792 = arith.constant 0 : i32
      %dma_start3A_793 = tpu.memref_slice %arg5[%mul3A_791, %dma_start3A_792] : memref<10000x128xf32, #tpu.memory_space<vmem_shared>> -> memref<40x128xf32, #tpu.memory_space<vmem_shared>>
      %dma_start3A_794 = arith.constant 0 : i32
      %dma_start3A_795 = tpu.memref_slice %arg5[%mul3A_791, %dma_start3A_794] : memref<10000x128xf32, #tpu.memory_space<vmem_shared>> -> memref<40x128xf32, #tpu.memory_space<vmem_shared>>
      tpu.enqueue_dma source(%arg21 : memref<40x128xf32, #tpu.memory_space<vmem>>) target(%dma_start3A_795 : memref<40x128xf32, #tpu.memory_space<vmem_shared>>) target_semaphore(%arg30 : memref<!tpu.dma_semaphore, #tpu.memory_space<semaphore_mem>>)
    } else {
    }
    %add3A_142 = arith.constant 144 : i32
    %add3A_143 = arith.addi %add3A_142, %arg1 : i32
    %lt3A_144 = arith.constant 250 : i32
    %lt3A_145 = arith.cmpi slt, %add3A_143, %lt3A_144 : i32
    %convert_element_type3A_146 = arith.extui %lt3A_145 : i1 to i32
    %cond3A_147 = arith.constant 0 : i32
    %cond3A_148 = arith.cmpi ne, %convert_element_type3A_146, %cond3A_147 : i32
    scf.if %cond3A_148 {
      %mul3A_790 = arith.constant 40 : i32
      %mul3A_791 = arith.muli %add3A_143, %mul3A_790 : i32
      %dma_start3A_792 = arith.constant 0 : i32
      %dma_start3A_793 = tpu.memref_slice %arg5[%mul3A_791, %dma_start3A_792] : memref<10000x128xf32, #tpu.memory_space<vmem_shared>> -> memref<40x128xf32, #tpu.memory_space<vmem_shared>>
      %dma_start3A_794 = arith.constant 0 : i32
      %dma_start3A_795 = tpu.memref_slice %arg5[%mul3A_791, %dma_start3A_794] : memref<10000x128xf32, #tpu.memory_space<vmem_shared>> -> memref<40x128xf32, #tpu.memory_space<vmem_shared>>
      tpu.enqueue_dma source(%arg21 : memref<40x128xf32, #tpu.memory_space<vmem>>) target(%dma_start3A_795 : memref<40x128xf32, #tpu.memory_space<vmem_shared>>) target_semaphore(%arg31 : memref<!tpu.dma_semaphore, #tpu.memory_space<semaphore_mem>>)
    } else {
    }
    %add3A_149 = arith.constant 160 : i32
    %add3A_150 = arith.addi %add3A_149, %arg1 : i32
    %lt3A_151 = arith.constant 250 : i32
    %lt3A_152 = arith.cmpi slt, %add3A_150, %lt3A_151 : i32
    %convert_element_type3A_153 = arith.extui %lt3A_152 : i1 to i32
    %cond3A_154 = arith.constant 0 : i32
    %cond3A_155 = arith.cmpi ne, %convert_element_type3A_153, %cond3A_154 : i32
    scf.if %cond3A_155 {
      %mul3A_790 = arith.constant 40 : i32
      %mul3A_791 = arith.muli %add3A_150, %mul3A_790 : i32
      %dma_start3A_792 = arith.constant 0 : i32
      %dma_start3A_793 = tpu.memref_slice %arg5[%mul3A_791, %dma_start3A_792] : memref<10000x128xf32, #tpu.memory_space<vmem_shared>> -> memref<40x128xf32, #tpu.memory_space<vmem_shared>>
      %dma_start3A_794 = arith.constant 0 : i32
      %dma_start3A_795 = tpu.memref_slice %arg5[%mul3A_791, %dma_start3A_794] : memref<10000x128xf32, #tpu.memory_space<vmem_shared>> -> memref<40x128xf32, #tpu.memory_space<vmem_shared>>
      tpu.enqueue_dma source(%arg21 : memref<40x128xf32, #tpu.memory_space<vmem>>) target(%dma_start3A_795 : memref<40x128xf32, #tpu.memory_space<vmem_shared>>) target_semaphore(%arg32 : memref<!tpu.dma_semaphore, #tpu.memory_space<semaphore_mem>>)
    } else {
    }
    %add3A_156 = arith.constant 176 : i32
    %add3A_157 = arith.addi %add3A_156, %arg1 : i32
    %lt3A_158 = arith.constant 250 : i32
    %lt3A_159 = arith.cmpi slt, %add3A_157, %lt3A_158 : i32
    %convert_element_type3A_160 = arith.extui %lt3A_159 : i1 to i32
    %cond3A_161 = arith.constant 0 : i32
    %cond3A_162 = arith.cmpi ne, %convert_element_type3A_160, %cond3A_161 : i32
    scf.if %cond3A_162 {
      %mul3A_790 = arith.constant 40 : i32
      %mul3A_791 = arith.muli %add3A_157, %mul3A_790 : i32
      %dma_start3A_792 = arith.constant 0 : i32
      %dma_start3A_793 = tpu.memref_slice %arg5[%mul3A_791, %dma_start3A_792] : memref<10000x128xf32, #tpu.memory_space<vmem_shared>> -> memref<40x128xf32, #tpu.memory_space<vmem_shared>>
      %dma_start3A_794 = arith.constant 0 : i32
      %dma_start3A_795 = tpu.memref_slice %arg5[%mul3A_791, %dma_start3A_794] : memref<10000x128xf32, #tpu.memory_space<vmem_shared>> -> memref<40x128xf32, #tpu.memory_space<vmem_shared>>
      tpu.enqueue_dma source(%arg21 : memref<40x128xf32, #tpu.memory_space<vmem>>) target(%dma_start3A_795 : memref<40x128xf32, #tpu.memory_space<vmem_shared>>) target_semaphore(%arg33 : memref<!tpu.dma_semaphore, #tpu.memory_space<semaphore_mem>>)
    } else {
    }
    %add3A_163 = arith.constant 192 : i32
    %add3A_164 = arith.addi %add3A_163, %arg1 : i32
    %lt3A_165 = arith.constant 250 : i32
    %lt3A_166 = arith.cmpi slt, %add3A_164, %lt3A_165 : i32
    %convert_element_type3A_167 = arith.extui %lt3A_166 : i1 to i32
    %cond3A_168 = arith.constant 0 : i32
    %cond3A_169 = arith.cmpi ne, %convert_element_type3A_167, %cond3A_168 : i32
    scf.if %cond3A_169 {
      %mul3A_790 = arith.constant 40 : i32
      %mul3A_791 = arith.muli %add3A_164, %mul3A_790 : i32
      %dma_start3A_792 = arith.constant 0 : i32
      %dma_start3A_793 = tpu.memref_slice %arg5[%mul3A_791, %dma_start3A_792] : memref<10000x128xf32, #tpu.memory_space<vmem_shared>> -> memref<40x128xf32, #tpu.memory_space<vmem_shared>>
      %dma_start3A_794 = arith.constant 0 : i32
      %dma_start3A_795 = tpu.memref_slice %arg5[%mul3A_791, %dma_start3A_794] : memref<10000x128xf32, #tpu.memory_space<vmem_shared>> -> memref<40x128xf32, #tpu.memory_space<vmem_shared>>
      tpu.enqueue_dma source(%arg21 : memref<40x128xf32, #tpu.memory_space<vmem>>) target(%dma_start3A_795 : memref<40x128xf32, #tpu.memory_space<vmem_shared>>) target_semaphore(%arg34 : memref<!tpu.dma_semaphore, #tpu.memory_space<semaphore_mem>>)
    } else {
    }
    %add3A_170 = arith.constant 208 : i32
    %add3A_171 = arith.addi %add3A_170, %arg1 : i32
    %lt3A_172 = arith.constant 250 : i32
    %lt3A_173 = arith.cmpi slt, %add3A_171, %lt3A_172 : i32
    %convert_element_type3A_174 = arith.extui %lt3A_173 : i1 to i32
    %cond3A_175 = arith.constant 0 : i32
    %cond3A_176 = arith.cmpi ne, %convert_element_type3A_174, %cond3A_175 : i32
    scf.if %cond3A_176 {
      %mul3A_790 = arith.constant 40 : i32
      %mul3A_791 = arith.muli %add3A_171, %mul3A_790 : i32
      %dma_start3A_792 = arith.constant 0 : i32
      %dma_start3A_793 = tpu.memref_slice %arg5[%mul3A_791, %dma_start3A_792] : memref<10000x128xf32, #tpu.memory_space<vmem_shared>> -> memref<40x128xf32, #tpu.memory_space<vmem_shared>>
      %dma_start3A_794 = arith.constant 0 : i32
      %dma_start3A_795 = tpu.memref_slice %arg5[%mul3A_791, %dma_start3A_794] : memref<10000x128xf32, #tpu.memory_space<vmem_shared>> -> memref<40x128xf32, #tpu.memory_space<vmem_shared>>
      tpu.enqueue_dma source(%arg21 : memref<40x128xf32, #tpu.memory_space<vmem>>) target(%dma_start3A_795 : memref<40x128xf32, #tpu.memory_space<vmem_shared>>) target_semaphore(%arg35 : memref<!tpu.dma_semaphore, #tpu.memory_space<semaphore_mem>>)
    } else {
    }
    %add3A_177 = arith.constant 224 : i32
    %add3A_178 = arith.addi %add3A_177, %arg1 : i32
    %lt3A_179 = arith.constant 250 : i32
    %lt3A_180 = arith.cmpi slt, %add3A_178, %lt3A_179 : i32
    %convert_element_type3A_181 = arith.extui %lt3A_180 : i1 to i32
    %cond3A_182 = arith.constant 0 : i32
    %cond3A_183 = arith.cmpi ne, %convert_element_type3A_181, %cond3A_182 : i32
    scf.if %cond3A_183 {
      %mul3A_790 = arith.constant 40 : i32
      %mul3A_791 = arith.muli %add3A_178, %mul3A_790 : i32
      %dma_start3A_792 = arith.constant 0 : i32
      %dma_start3A_793 = tpu.memref_slice %arg5[%mul3A_791, %dma_start3A_792] : memref<10000x128xf32, #tpu.memory_space<vmem_shared>> -> memref<40x128xf32, #tpu.memory_space<vmem_shared>>
      %dma_start3A_794 = arith.constant 0 : i32
      %dma_start3A_795 = tpu.memref_slice %arg5[%mul3A_791, %dma_start3A_794] : memref<10000x128xf32, #tpu.memory_space<vmem_shared>> -> memref<40x128xf32, #tpu.memory_space<vmem_shared>>
      tpu.enqueue_dma source(%arg21 : memref<40x128xf32, #tpu.memory_space<vmem>>) target(%dma_start3A_795 : memref<40x128xf32, #tpu.memory_space<vmem_shared>>) target_semaphore(%arg36 : memref<!tpu.dma_semaphore, #tpu.memory_space<semaphore_mem>>)
    } else {
    }
    %add3A_184 = arith.constant 240 : i32
    %add3A_185 = arith.addi %add3A_184, %arg1 : i32
    %lt3A_186 = arith.constant 250 : i32
    %lt3A_187 = arith.cmpi slt, %add3A_185, %lt3A_186 : i32
    %convert_element_type3A_188 = arith.extui %lt3A_187 : i1 to i32
    %cond3A_189 = arith.constant 0 : i32
    %cond3A_190 = arith.cmpi ne, %convert_element_type3A_188, %cond3A_189 : i32
    scf.if %cond3A_190 {
      %mul3A_790 = arith.constant 40 : i32
      %mul3A_791 = arith.muli %add3A_185, %mul3A_790 : i32
      %dma_start3A_792 = arith.constant 0 : i32
      %dma_start3A_793 = tpu.memref_slice %arg5[%mul3A_791, %dma_start3A_792] : memref<10000x128xf32, #tpu.memory_space<vmem_shared>> -> memref<40x128xf32, #tpu.memory_space<vmem_shared>>
      %dma_start3A_794 = arith.constant 0 : i32
      %dma_start3A_795 = tpu.memref_slice %arg5[%mul3A_791, %dma_start3A_794] : memref<10000x128xf32, #tpu.memory_space<vmem_shared>> -> memref<40x128xf32, #tpu.memory_space<vmem_shared>>
      tpu.enqueue_dma source(%arg21 : memref<40x128xf32, #tpu.memory_space<vmem>>) target(%dma_start3A_795 : memref<40x128xf32, #tpu.memory_space<vmem_shared>>) target_semaphore(%arg37 : memref<!tpu.dma_semaphore, #tpu.memory_space<semaphore_mem>>)
    } else {
    }
    %add3A_191 = arith.constant 0 : i32
    %add3A_192 = arith.addi %add3A_191, %arg1 : i32
    %lt3A_193 = arith.constant 250 : i32
    %lt3A_194 = arith.cmpi slt, %add3A_192, %lt3A_193 : i32
    %convert_element_type3A_195 = arith.extui %lt3A_194 : i1 to i32
    %cond3A_196 = arith.constant 0 : i32
    %cond3A_197 = arith.cmpi ne, %convert_element_type3A_195, %cond3A_196 : i32
    scf.if %cond3A_197 {
      %mul3A_790 = arith.constant 40 : i32
      %mul3A_791 = arith.muli %add3A_192, %mul3A_790 : i32
      %dma_wait3A_792 = arith.constant 0 : i32
      %dma_wait3A_793 = tpu.memref_slice %arg5[%mul3A_791, %dma_wait3A_792] : memref<10000x128xf32, #tpu.memory_space<vmem_shared>> -> memref<40x128xf32, #tpu.memory_space<vmem_shared>>
      %dma_wait3A_794 = arith.constant 0 : i32
      %dma_wait3A_795 = tpu.memref_slice %arg5[%mul3A_791, %dma_wait3A_794] : memref<10000x128xf32, #tpu.memory_space<vmem_shared>> -> memref<40x128xf32, #tpu.memory_space<vmem_shared>>
      tpu.wait_dma2 semaphore(%arg30 : memref<!tpu.dma_semaphore, #tpu.memory_space<semaphore_mem>>) src(%arg21 : memref<40x128xf32, #tpu.memory_space<vmem>>) dst(%dma_wait3A_795 : memref<40x128xf32, #tpu.memory_space<vmem_shared>>)
    } else {
    }
    %add3A_198 = arith.constant 16 : i32
    %add3A_199 = arith.addi %add3A_198, %arg1 : i32
    %lt3A_200 = arith.constant 250 : i32
    %lt3A_201 = arith.cmpi slt, %add3A_199, %lt3A_200 : i32
    %convert_element_type3A_202 = arith.extui %lt3A_201 : i1 to i32
    %cond3A_203 = arith.constant 0 : i32
    %cond3A_204 = arith.cmpi ne, %convert_element_type3A_202, %cond3A_203 : i32
    scf.if %cond3A_204 {
      %mul3A_790 = arith.constant 40 : i32
      %mul3A_791 = arith.muli %add3A_199, %mul3A_790 : i32
      %dma_wait3A_792 = arith.constant 0 : i32
      %dma_wait3A_793 = tpu.memref_slice %arg5[%mul3A_791, %dma_wait3A_792] : memref<10000x128xf32, #tpu.memory_space<vmem_shared>> -> memref<40x128xf32, #tpu.memory_space<vmem_shared>>
      %dma_wait3A_794 = arith.constant 0 : i32
      %dma_wait3A_795 = tpu.memref_slice %arg5[%mul3A_791, %dma_wait3A_794] : memref<10000x128xf32, #tpu.memory_space<vmem_shared>> -> memref<40x128xf32, #tpu.memory_space<vmem_shared>>
      tpu.wait_dma2 semaphore(%arg31 : memref<!tpu.dma_semaphore, #tpu.memory_space<semaphore_mem>>) src(%arg21 : memref<40x128xf32, #tpu.memory_space<vmem>>) dst(%dma_wait3A_795 : memref<40x128xf32, #tpu.memory_space<vmem_shared>>)
    } else {
    }
    %add3A_205 = arith.constant 32 : i32
    %add3A_206 = arith.addi %add3A_205, %arg1 : i32
    %lt3A_207 = arith.constant 250 : i32
    %lt3A_208 = arith.cmpi slt, %add3A_206, %lt3A_207 : i32
    %convert_element_type3A_209 = arith.extui %lt3A_208 : i1 to i32
    %cond3A_210 = arith.constant 0 : i32
    %cond3A_211 = arith.cmpi ne, %convert_element_type3A_209, %cond3A_210 : i32
    scf.if %cond3A_211 {
      %mul3A_790 = arith.constant 40 : i32
      %mul3A_791 = arith.muli %add3A_206, %mul3A_790 : i32
      %dma_wait3A_792 = arith.constant 0 : i32
      %dma_wait3A_793 = tpu.memref_slice %arg5[%mul3A_791, %dma_wait3A_792] : memref<10000x128xf32, #tpu.memory_space<vmem_shared>> -> memref<40x128xf32, #tpu.memory_space<vmem_shared>>
      %dma_wait3A_794 = arith.constant 0 : i32
      %dma_wait3A_795 = tpu.memref_slice %arg5[%mul3A_791, %dma_wait3A_794] : memref<10000x128xf32, #tpu.memory_space<vmem_shared>> -> memref<40x128xf32, #tpu.memory_space<vmem_shared>>
      tpu.wait_dma2 semaphore(%arg32 : memref<!tpu.dma_semaphore, #tpu.memory_space<semaphore_mem>>) src(%arg21 : memref<40x128xf32, #tpu.memory_space<vmem>>) dst(%dma_wait3A_795 : memref<40x128xf32, #tpu.memory_space<vmem_shared>>)
    } else {
    }
    %add3A_212 = arith.constant 48 : i32
    %add3A_213 = arith.addi %add3A_212, %arg1 : i32
    %lt3A_214 = arith.constant 250 : i32
    %lt3A_215 = arith.cmpi slt, %add3A_213, %lt3A_214 : i32
    %convert_element_type3A_216 = arith.extui %lt3A_215 : i1 to i32
    %cond3A_217 = arith.constant 0 : i32
    %cond3A_218 = arith.cmpi ne, %convert_element_type3A_216, %cond3A_217 : i32
    scf.if %cond3A_218 {
      %mul3A_790 = arith.constant 40 : i32
      %mul3A_791 = arith.muli %add3A_213, %mul3A_790 : i32
      %dma_wait3A_792 = arith.constant 0 : i32
      %dma_wait3A_793 = tpu.memref_slice %arg5[%mul3A_791, %dma_wait3A_792] : memref<10000x128xf32, #tpu.memory_space<vmem_shared>> -> memref<40x128xf32, #tpu.memory_space<vmem_shared>>
      %dma_wait3A_794 = arith.constant 0 : i32
      %dma_wait3A_795 = tpu.memref_slice %arg5[%mul3A_791, %dma_wait3A_794] : memref<10000x128xf32, #tpu.memory_space<vmem_shared>> -> memref<40x128xf32, #tpu.memory_space<vmem_shared>>
      tpu.wait_dma2 semaphore(%arg33 : memref<!tpu.dma_semaphore, #tpu.memory_space<semaphore_mem>>) src(%arg21 : memref<40x128xf32, #tpu.memory_space<vmem>>) dst(%dma_wait3A_795 : memref<40x128xf32, #tpu.memory_space<vmem_shared>>)
    } else {
    }
    %add3A_219 = arith.constant 64 : i32
    %add3A_220 = arith.addi %add3A_219, %arg1 : i32
    %lt3A_221 = arith.constant 250 : i32
    %lt3A_222 = arith.cmpi slt, %add3A_220, %lt3A_221 : i32
    %convert_element_type3A_223 = arith.extui %lt3A_222 : i1 to i32
    %cond3A_224 = arith.constant 0 : i32
    %cond3A_225 = arith.cmpi ne, %convert_element_type3A_223, %cond3A_224 : i32
    scf.if %cond3A_225 {
      %mul3A_790 = arith.constant 40 : i32
      %mul3A_791 = arith.muli %add3A_220, %mul3A_790 : i32
      %dma_wait3A_792 = arith.constant 0 : i32
      %dma_wait3A_793 = tpu.memref_slice %arg5[%mul3A_791, %dma_wait3A_792] : memref<10000x128xf32, #tpu.memory_space<vmem_shared>> -> memref<40x128xf32, #tpu.memory_space<vmem_shared>>
      %dma_wait3A_794 = arith.constant 0 : i32
      %dma_wait3A_795 = tpu.memref_slice %arg5[%mul3A_791, %dma_wait3A_794] : memref<10000x128xf32, #tpu.memory_space<vmem_shared>> -> memref<40x128xf32, #tpu.memory_space<vmem_shared>>
      tpu.wait_dma2 semaphore(%arg34 : memref<!tpu.dma_semaphore, #tpu.memory_space<semaphore_mem>>) src(%arg21 : memref<40x128xf32, #tpu.memory_space<vmem>>) dst(%dma_wait3A_795 : memref<40x128xf32, #tpu.memory_space<vmem_shared>>)
    } else {
    }
    %add3A_226 = arith.constant 80 : i32
    %add3A_227 = arith.addi %add3A_226, %arg1 : i32
    %lt3A_228 = arith.constant 250 : i32
    %lt3A_229 = arith.cmpi slt, %add3A_227, %lt3A_228 : i32
    %convert_element_type3A_230 = arith.extui %lt3A_229 : i1 to i32
    %cond3A_231 = arith.constant 0 : i32
    %cond3A_232 = arith.cmpi ne, %convert_element_type3A_230, %cond3A_231 : i32
    scf.if %cond3A_232 {
      %mul3A_790 = arith.constant 40 : i32
      %mul3A_791 = arith.muli %add3A_227, %mul3A_790 : i32
      %dma_wait3A_792 = arith.constant 0 : i32
      %dma_wait3A_793 = tpu.memref_slice %arg5[%mul3A_791, %dma_wait3A_792] : memref<10000x128xf32, #tpu.memory_space<vmem_shared>> -> memref<40x128xf32, #tpu.memory_space<vmem_shared>>
      %dma_wait3A_794 = arith.constant 0 : i32
      %dma_wait3A_795 = tpu.memref_slice %arg5[%mul3A_791, %dma_wait3A_794] : memref<10000x128xf32, #tpu.memory_space<vmem_shared>> -> memref<40x128xf32, #tpu.memory_space<vmem_shared>>
      tpu.wait_dma2 semaphore(%arg35 : memref<!tpu.dma_semaphore, #tpu.memory_space<semaphore_mem>>) src(%arg21 : memref<40x128xf32, #tpu.memory_space<vmem>>) dst(%dma_wait3A_795 : memref<40x128xf32, #tpu.memory_space<vmem_shared>>)
    } else {
    }
    %add3A_233 = arith.constant 96 : i32
    %add3A_234 = arith.addi %add3A_233, %arg1 : i32
    %lt3A_235 = arith.constant 250 : i32
    %lt3A_236 = arith.cmpi slt, %add3A_234, %lt3A_235 : i32
    %convert_element_type3A_237 = arith.extui %lt3A_236 : i1 to i32
    %cond3A_238 = arith.constant 0 : i32
    %cond3A_239 = arith.cmpi ne, %convert_element_type3A_237, %cond3A_238 : i32
    scf.if %cond3A_239 {
      %mul3A_790 = arith.constant 40 : i32
      %mul3A_791 = arith.muli %add3A_234, %mul3A_790 : i32
      %dma_wait3A_792 = arith.constant 0 : i32
      %dma_wait3A_793 = tpu.memref_slice %arg5[%mul3A_791, %dma_wait3A_792] : memref<10000x128xf32, #tpu.memory_space<vmem_shared>> -> memref<40x128xf32, #tpu.memory_space<vmem_shared>>
      %dma_wait3A_794 = arith.constant 0 : i32
      %dma_wait3A_795 = tpu.memref_slice %arg5[%mul3A_791, %dma_wait3A_794] : memref<10000x128xf32, #tpu.memory_space<vmem_shared>> -> memref<40x128xf32, #tpu.memory_space<vmem_shared>>
      tpu.wait_dma2 semaphore(%arg36 : memref<!tpu.dma_semaphore, #tpu.memory_space<semaphore_mem>>) src(%arg21 : memref<40x128xf32, #tpu.memory_space<vmem>>) dst(%dma_wait3A_795 : memref<40x128xf32, #tpu.memory_space<vmem_shared>>)
    } else {
    }
    %add3A_240 = arith.constant 112 : i32
    %add3A_241 = arith.addi %add3A_240, %arg1 : i32
    %lt3A_242 = arith.constant 250 : i32
    %lt3A_243 = arith.cmpi slt, %add3A_241, %lt3A_242 : i32
    %convert_element_type3A_244 = arith.extui %lt3A_243 : i1 to i32
    %cond3A_245 = arith.constant 0 : i32
    %cond3A_246 = arith.cmpi ne, %convert_element_type3A_244, %cond3A_245 : i32
    scf.if %cond3A_246 {
      %mul3A_790 = arith.constant 40 : i32
      %mul3A_791 = arith.muli %add3A_241, %mul3A_790 : i32
      %dma_wait3A_792 = arith.constant 0 : i32
      %dma_wait3A_793 = tpu.memref_slice %arg5[%mul3A_791, %dma_wait3A_792] : memref<10000x128xf32, #tpu.memory_space<vmem_shared>> -> memref<40x128xf32, #tpu.memory_space<vmem_shared>>
      %dma_wait3A_794 = arith.constant 0 : i32
      %dma_wait3A_795 = tpu.memref_slice %arg5[%mul3A_791, %dma_wait3A_794] : memref<10000x128xf32, #tpu.memory_space<vmem_shared>> -> memref<40x128xf32, #tpu.memory_space<vmem_shared>>
      tpu.wait_dma2 semaphore(%arg37 : memref<!tpu.dma_semaphore, #tpu.memory_space<semaphore_mem>>) src(%arg21 : memref<40x128xf32, #tpu.memory_space<vmem>>) dst(%dma_wait3A_795 : memref<40x128xf32, #tpu.memory_space<vmem_shared>>)
    } else {
    }
    %add3A_247 = arith.constant 128 : i32
    %add3A_248 = arith.addi %add3A_247, %arg1 : i32
    %lt3A_249 = arith.constant 250 : i32
    %lt3A_250 = arith.cmpi slt, %add3A_248, %lt3A_249 : i32
    %convert_element_type3A_251 = arith.extui %lt3A_250 : i1 to i32
    %cond3A_252 = arith.constant 0 : i32
    %cond3A_253 = arith.cmpi ne, %convert_element_type3A_251, %cond3A_252 : i32
    scf.if %cond3A_253 {
      %mul3A_790 = arith.constant 40 : i32
      %mul3A_791 = arith.muli %add3A_248, %mul3A_790 : i32
      %dma_wait3A_792 = arith.constant 0 : i32
      %dma_wait3A_793 = tpu.memref_slice %arg5[%mul3A_791, %dma_wait3A_792] : memref<10000x128xf32, #tpu.memory_space<vmem_shared>> -> memref<40x128xf32, #tpu.memory_space<vmem_shared>>
      %dma_wait3A_794 = arith.constant 0 : i32
      %dma_wait3A_795 = tpu.memref_slice %arg5[%mul3A_791, %dma_wait3A_794] : memref<10000x128xf32, #tpu.memory_space<vmem_shared>> -> memref<40x128xf32, #tpu.memory_space<vmem_shared>>
      tpu.wait_dma2 semaphore(%arg30 : memref<!tpu.dma_semaphore, #tpu.memory_space<semaphore_mem>>) src(%arg21 : memref<40x128xf32, #tpu.memory_space<vmem>>) dst(%dma_wait3A_795 : memref<40x128xf32, #tpu.memory_space<vmem_shared>>)
    } else {
    }
    %add3A_254 = arith.constant 144 : i32
    %add3A_255 = arith.addi %add3A_254, %arg1 : i32
    %lt3A_256 = arith.constant 250 : i32
    %lt3A_257 = arith.cmpi slt, %add3A_255, %lt3A_256 : i32
    %convert_element_type3A_258 = arith.extui %lt3A_257 : i1 to i32
    %cond3A_259 = arith.constant 0 : i32
    %cond3A_260 = arith.cmpi ne, %convert_element_type3A_258, %cond3A_259 : i32
    scf.if %cond3A_260 {
      %mul3A_790 = arith.constant 40 : i32
      %mul3A_791 = arith.muli %add3A_255, %mul3A_790 : i32
      %dma_wait3A_792 = arith.constant 0 : i32
      %dma_wait3A_793 = tpu.memref_slice %arg5[%mul3A_791, %dma_wait3A_792] : memref<10000x128xf32, #tpu.memory_space<vmem_shared>> -> memref<40x128xf32, #tpu.memory_space<vmem_shared>>
      %dma_wait3A_794 = arith.constant 0 : i32
      %dma_wait3A_795 = tpu.memref_slice %arg5[%mul3A_791, %dma_wait3A_794] : memref<10000x128xf32, #tpu.memory_space<vmem_shared>> -> memref<40x128xf32, #tpu.memory_space<vmem_shared>>
      tpu.wait_dma2 semaphore(%arg31 : memref<!tpu.dma_semaphore, #tpu.memory_space<semaphore_mem>>) src(%arg21 : memref<40x128xf32, #tpu.memory_space<vmem>>) dst(%dma_wait3A_795 : memref<40x128xf32, #tpu.memory_space<vmem_shared>>)
    } else {
    }
    %add3A_261 = arith.constant 160 : i32
    %add3A_262 = arith.addi %add3A_261, %arg1 : i32
    %lt3A_263 = arith.constant 250 : i32
    %lt3A_264 = arith.cmpi slt, %add3A_262, %lt3A_263 : i32
    %convert_element_type3A_265 = arith.extui %lt3A_264 : i1 to i32
    %cond3A_266 = arith.constant 0 : i32
    %cond3A_267 = arith.cmpi ne, %convert_element_type3A_265, %cond3A_266 : i32
    scf.if %cond3A_267 {
      %mul3A_790 = arith.constant 40 : i32
      %mul3A_791 = arith.muli %add3A_262, %mul3A_790 : i32
      %dma_wait3A_792 = arith.constant 0 : i32
      %dma_wait3A_793 = tpu.memref_slice %arg5[%mul3A_791, %dma_wait3A_792] : memref<10000x128xf32, #tpu.memory_space<vmem_shared>> -> memref<40x128xf32, #tpu.memory_space<vmem_shared>>
      %dma_wait3A_794 = arith.constant 0 : i32
      %dma_wait3A_795 = tpu.memref_slice %arg5[%mul3A_791, %dma_wait3A_794] : memref<10000x128xf32, #tpu.memory_space<vmem_shared>> -> memref<40x128xf32, #tpu.memory_space<vmem_shared>>
      tpu.wait_dma2 semaphore(%arg32 : memref<!tpu.dma_semaphore, #tpu.memory_space<semaphore_mem>>) src(%arg21 : memref<40x128xf32, #tpu.memory_space<vmem>>) dst(%dma_wait3A_795 : memref<40x128xf32, #tpu.memory_space<vmem_shared>>)
    } else {
    }
    %add3A_268 = arith.constant 176 : i32
    %add3A_269 = arith.addi %add3A_268, %arg1 : i32
    %lt3A_270 = arith.constant 250 : i32
    %lt3A_271 = arith.cmpi slt, %add3A_269, %lt3A_270 : i32
    %convert_element_type3A_272 = arith.extui %lt3A_271 : i1 to i32
    %cond3A_273 = arith.constant 0 : i32
    %cond3A_274 = arith.cmpi ne, %convert_element_type3A_272, %cond3A_273 : i32
    scf.if %cond3A_274 {
      %mul3A_790 = arith.constant 40 : i32
      %mul3A_791 = arith.muli %add3A_269, %mul3A_790 : i32
      %dma_wait3A_792 = arith.constant 0 : i32
      %dma_wait3A_793 = tpu.memref_slice %arg5[%mul3A_791, %dma_wait3A_792] : memref<10000x128xf32, #tpu.memory_space<vmem_shared>> -> memref<40x128xf32, #tpu.memory_space<vmem_shared>>
      %dma_wait3A_794 = arith.constant 0 : i32
      %dma_wait3A_795 = tpu.memref_slice %arg5[%mul3A_791, %dma_wait3A_794] : memref<10000x128xf32, #tpu.memory_space<vmem_shared>> -> memref<40x128xf32, #tpu.memory_space<vmem_shared>>
      tpu.wait_dma2 semaphore(%arg33 : memref<!tpu.dma_semaphore, #tpu.memory_space<semaphore_mem>>) src(%arg21 : memref<40x128xf32, #tpu.memory_space<vmem>>) dst(%dma_wait3A_795 : memref<40x128xf32, #tpu.memory_space<vmem_shared>>)
    } else {
    }
    %add3A_275 = arith.constant 192 : i32
    %add3A_276 = arith.addi %add3A_275, %arg1 : i32
    %lt3A_277 = arith.constant 250 : i32
    %lt3A_278 = arith.cmpi slt, %add3A_276, %lt3A_277 : i32
    %convert_element_type3A_279 = arith.extui %lt3A_278 : i1 to i32
    %cond3A_280 = arith.constant 0 : i32
    %cond3A_281 = arith.cmpi ne, %convert_element_type3A_279, %cond3A_280 : i32
    scf.if %cond3A_281 {
      %mul3A_790 = arith.constant 40 : i32
      %mul3A_791 = arith.muli %add3A_276, %mul3A_790 : i32
      %dma_wait3A_792 = arith.constant 0 : i32
      %dma_wait3A_793 = tpu.memref_slice %arg5[%mul3A_791, %dma_wait3A_792] : memref<10000x128xf32, #tpu.memory_space<vmem_shared>> -> memref<40x128xf32, #tpu.memory_space<vmem_shared>>
      %dma_wait3A_794 = arith.constant 0 : i32
      %dma_wait3A_795 = tpu.memref_slice %arg5[%mul3A_791, %dma_wait3A_794] : memref<10000x128xf32, #tpu.memory_space<vmem_shared>> -> memref<40x128xf32, #tpu.memory_space<vmem_shared>>
      tpu.wait_dma2 semaphore(%arg34 : memref<!tpu.dma_semaphore, #tpu.memory_space<semaphore_mem>>) src(%arg21 : memref<40x128xf32, #tpu.memory_space<vmem>>) dst(%dma_wait3A_795 : memref<40x128xf32, #tpu.memory_space<vmem_shared>>)
    } else {
    }
    %add3A_282 = arith.constant 208 : i32
    %add3A_283 = arith.addi %add3A_282, %arg1 : i32
    %lt3A_284 = arith.constant 250 : i32
    %lt3A_285 = arith.cmpi slt, %add3A_283, %lt3A_284 : i32
    %convert_element_type3A_286 = arith.extui %lt3A_285 : i1 to i32
    %cond3A_287 = arith.constant 0 : i32
    %cond3A_288 = arith.cmpi ne, %convert_element_type3A_286, %cond3A_287 : i32
    scf.if %cond3A_288 {
      %mul3A_790 = arith.constant 40 : i32
      %mul3A_791 = arith.muli %add3A_283, %mul3A_790 : i32
      %dma_wait3A_792 = arith.constant 0 : i32
      %dma_wait3A_793 = tpu.memref_slice %arg5[%mul3A_791, %dma_wait3A_792] : memref<10000x128xf32, #tpu.memory_space<vmem_shared>> -> memref<40x128xf32, #tpu.memory_space<vmem_shared>>
      %dma_wait3A_794 = arith.constant 0 : i32
      %dma_wait3A_795 = tpu.memref_slice %arg5[%mul3A_791, %dma_wait3A_794] : memref<10000x128xf32, #tpu.memory_space<vmem_shared>> -> memref<40x128xf32, #tpu.memory_space<vmem_shared>>
      tpu.wait_dma2 semaphore(%arg35 : memref<!tpu.dma_semaphore, #tpu.memory_space<semaphore_mem>>) src(%arg21 : memref<40x128xf32, #tpu.memory_space<vmem>>) dst(%dma_wait3A_795 : memref<40x128xf32, #tpu.memory_space<vmem_shared>>)
    } else {
    }
    %add3A_289 = arith.constant 224 : i32
    %add3A_290 = arith.addi %add3A_289, %arg1 : i32
    %lt3A_291 = arith.constant 250 : i32
    %lt3A_292 = arith.cmpi slt, %add3A_290, %lt3A_291 : i32
    %convert_element_type3A_293 = arith.extui %lt3A_292 : i1 to i32
    %cond3A_294 = arith.constant 0 : i32
    %cond3A_295 = arith.cmpi ne, %convert_element_type3A_293, %cond3A_294 : i32
    scf.if %cond3A_295 {
      %mul3A_790 = arith.constant 40 : i32
      %mul3A_791 = arith.muli %add3A_290, %mul3A_790 : i32
      %dma_wait3A_792 = arith.constant 0 : i32
      %dma_wait3A_793 = tpu.memref_slice %arg5[%mul3A_791, %dma_wait3A_792] : memref<10000x128xf32, #tpu.memory_space<vmem_shared>> -> memref<40x128xf32, #tpu.memory_space<vmem_shared>>
      %dma_wait3A_794 = arith.constant 0 : i32
      %dma_wait3A_795 = tpu.memref_slice %arg5[%mul3A_791, %dma_wait3A_794] : memref<10000x128xf32, #tpu.memory_space<vmem_shared>> -> memref<40x128xf32, #tpu.memory_space<vmem_shared>>
      tpu.wait_dma2 semaphore(%arg36 : memref<!tpu.dma_semaphore, #tpu.memory_space<semaphore_mem>>) src(%arg21 : memref<40x128xf32, #tpu.memory_space<vmem>>) dst(%dma_wait3A_795 : memref<40x128xf32, #tpu.memory_space<vmem_shared>>)
    } else {
    }
    %add3A_296 = arith.constant 240 : i32
    %add3A_297 = arith.addi %add3A_296, %arg1 : i32
    %lt3A_298 = arith.constant 250 : i32
    %lt3A_299 = arith.cmpi slt, %add3A_297, %lt3A_298 : i32
    %convert_element_type3A_300 = arith.extui %lt3A_299 : i1 to i32
    %cond3A_301 = arith.constant 0 : i32
    %cond3A_302 = arith.cmpi ne, %convert_element_type3A_300, %cond3A_301 : i32
    scf.if %cond3A_302 {
      %mul3A_790 = arith.constant 40 : i32
      %mul3A_791 = arith.muli %add3A_297, %mul3A_790 : i32
      %dma_wait3A_792 = arith.constant 0 : i32
      %dma_wait3A_793 = tpu.memref_slice %arg5[%mul3A_791, %dma_wait3A_792] : memref<10000x128xf32, #tpu.memory_space<vmem_shared>> -> memref<40x128xf32, #tpu.memory_space<vmem_shared>>
      %dma_wait3A_794 = arith.constant 0 : i32
      %dma_wait3A_795 = tpu.memref_slice %arg5[%mul3A_791, %dma_wait3A_794] : memref<10000x128xf32, #tpu.memory_space<vmem_shared>> -> memref<40x128xf32, #tpu.memory_space<vmem_shared>>
      tpu.wait_dma2 semaphore(%arg37 : memref<!tpu.dma_semaphore, #tpu.memory_space<semaphore_mem>>) src(%arg21 : memref<40x128xf32, #tpu.memory_space<vmem>>) dst(%dma_wait3A_795 : memref<40x128xf32, #tpu.memory_space<vmem_shared>>)
    } else {
    }
    %barrier3A = arith.constant 0 : index
    tpu.barrier barrier_id(%barrier3A)
    %add3A_303 = arith.constant 0 : i32
    %add3A_304 = arith.addi %mul3A_2, %add3A_303 : i32
    %multiple_of3A_305 = tpu.assume_multiple %add3A_304, 8 : i32
    %add3A_306 = arith.constant 320000 : i32
    %add3A_307 = arith.addi %add3A_306, %multiple_of3A_305 : i32
    %dma_wait3A = tpu.memref_slice %arg3[%add3A_307] : memref<640000xi32, #tpu.memory_space<hbm>> -> memref<40xi32, #tpu.memory_space<hbm>>
    %dma_wait3A_308 = tpu.memref_slice %arg3[%add3A_307] : memref<640000xi32, #tpu.memory_space<hbm>> -> memref<40xi32, #tpu.memory_space<hbm>>
    tpu.wait_dma2 semaphore(%arg22 : memref<!tpu.dma_semaphore, #tpu.memory_space<semaphore_mem>>) src(%dma_wait3A_308 : memref<40xi32, #tpu.memory_space<hbm>>) dst(%arg6 : memref<40xi32, #tpu.memory_space<vmem>>)
    %dma_wait3A_309 = arith.constant 0 : i32
    %dma_wait3A_310 = tpu.memref_slice %arg2[%multiple_of3A_305, %dma_wait3A_309] : memref<320000x128xf32, #tpu.memory_space<hbm>> -> memref<40x128xf32, #tpu.memory_space<hbm>>
    %dma_wait3A_311 = arith.constant 0 : i32
    %dma_wait3A_312 = tpu.memref_slice %arg2[%multiple_of3A_305, %dma_wait3A_311] : memref<320000x128xf32, #tpu.memory_space<hbm>> -> memref<40x128xf32, #tpu.memory_space<hbm>>
    tpu.wait_dma2 semaphore(%arg22 : memref<!tpu.dma_semaphore, #tpu.memory_space<semaphore_mem>>) src(%dma_wait3A_312 : memref<40x128xf32, #tpu.memory_space<hbm>>) dst(%arg14 : memref<40x128xf32, #tpu.memory_space<vmem>>)
    %dma_start3A_313 = arith.constant 0 : i32
    %dma_start3A_314 = arith.constant 0 : i32
    %dma_start3A_315 = tpu.memref_slice %arg5[%dma_start3A_313, %dma_start3A_314] : memref<10000x128xf32, #tpu.memory_space<vmem_shared>> -> memref<10000x128xf32, #tpu.memory_space<vmem_shared>>
    tpu.enqueue_indirect_dma source(%arg14 : memref<40x128xf32, #tpu.memory_space<vmem>>) target(%dma_start3A_315 : memref<10000x128xf32, #tpu.memory_space<vmem_shared>>) offsets(%arg6 : memref<40xi32, #tpu.memory_space<vmem>>) semaphore(%arg30 : memref<!tpu.dma_semaphore, #tpu.memory_space<semaphore_mem>>) {add = true}
    %add3A_316 = arith.constant 280 : i32
    %add3A_317 = arith.addi %mul3A_2, %add3A_316 : i32
    %multiple_of3A_318 = tpu.assume_multiple %add3A_317, 8 : i32
    %add3A_319 = arith.constant 320000 : i32
    %add3A_320 = arith.addi %add3A_319, %multiple_of3A_318 : i32
    %dma_start3A_321 = tpu.memref_slice %arg3[%add3A_320] : memref<640000xi32, #tpu.memory_space<hbm>> -> memref<40xi32, #tpu.memory_space<hbm>>
    %dma_start3A_322 = tpu.memref_slice %arg3[%add3A_320] : memref<640000xi32, #tpu.memory_space<hbm>> -> memref<40xi32, #tpu.memory_space<hbm>>
    tpu.enqueue_dma source(%dma_start3A_322 : memref<40xi32, #tpu.memory_space<hbm>>) target(%arg13 : memref<40xi32, #tpu.memory_space<vmem>>) target_semaphore(%arg29 : memref<!tpu.dma_semaphore, #tpu.memory_space<semaphore_mem>>)
    %dma_start3A_323 = arith.constant 0 : i32
    %dma_start3A_324 = tpu.memref_slice %arg2[%multiple_of3A_318, %dma_start3A_323] : memref<320000x128xf32, #tpu.memory_space<hbm>> -> memref<40x128xf32, #tpu.memory_space<hbm>>
    %dma_start3A_325 = arith.constant 0 : i32
    %dma_start3A_326 = tpu.memref_slice %arg2[%multiple_of3A_318, %dma_start3A_325] : memref<320000x128xf32, #tpu.memory_space<hbm>> -> memref<40x128xf32, #tpu.memory_space<hbm>>
    tpu.enqueue_dma source(%dma_start3A_326 : memref<40x128xf32, #tpu.memory_space<hbm>>) target(%arg21 : memref<40x128xf32, #tpu.memory_space<vmem>>) target_semaphore(%arg29 : memref<!tpu.dma_semaphore, #tpu.memory_space<semaphore_mem>>)
    %add3A_327 = arith.constant 40 : i32
    %add3A_328 = arith.addi %mul3A_2, %add3A_327 : i32
    %multiple_of3A_329 = tpu.assume_multiple %add3A_328, 8 : i32
    %add3A_330 = arith.constant 320000 : i32
    %add3A_331 = arith.addi %add3A_330, %multiple_of3A_329 : i32
    %dma_wait3A_332 = tpu.memref_slice %arg3[%add3A_331] : memref<640000xi32, #tpu.memory_space<hbm>> -> memref<40xi32, #tpu.memory_space<hbm>>
    %dma_wait3A_333 = tpu.memref_slice %arg3[%add3A_331] : memref<640000xi32, #tpu.memory_space<hbm>> -> memref<40xi32, #tpu.memory_space<hbm>>
    tpu.wait_dma2 semaphore(%arg23 : memref<!tpu.dma_semaphore, #tpu.memory_space<semaphore_mem>>) src(%dma_wait3A_333 : memref<40xi32, #tpu.memory_space<hbm>>) dst(%arg7 : memref<40xi32, #tpu.memory_space<vmem>>)
    %dma_wait3A_334 = arith.constant 0 : i32
    %dma_wait3A_335 = tpu.memref_slice %arg2[%multiple_of3A_329, %dma_wait3A_334] : memref<320000x128xf32, #tpu.memory_space<hbm>> -> memref<40x128xf32, #tpu.memory_space<hbm>>
    %dma_wait3A_336 = arith.constant 0 : i32
    %dma_wait3A_337 = tpu.memref_slice %arg2[%multiple_of3A_329, %dma_wait3A_336] : memref<320000x128xf32, #tpu.memory_space<hbm>> -> memref<40x128xf32, #tpu.memory_space<hbm>>
    tpu.wait_dma2 semaphore(%arg23 : memref<!tpu.dma_semaphore, #tpu.memory_space<semaphore_mem>>) src(%dma_wait3A_337 : memref<40x128xf32, #tpu.memory_space<hbm>>) dst(%arg15 : memref<40x128xf32, #tpu.memory_space<vmem>>)
    %dma_wait3A_338 = arith.constant 0 : i32
    %dma_wait3A_339 = arith.constant 0 : i32
    %dma_wait3A_340 = tpu.memref_slice %arg5[%dma_wait3A_338, %dma_wait3A_339] : memref<10000x128xf32, #tpu.memory_space<vmem_shared>> -> memref<10000x128xf32, #tpu.memory_space<vmem_shared>>
    tpu.wait_indirect_dma semaphore(%arg30 : memref<!tpu.dma_semaphore, #tpu.memory_space<semaphore_mem>>) src(%arg14 : memref<40x128xf32, #tpu.memory_space<vmem>>) dst(%dma_wait3A_340 : memref<10000x128xf32, #tpu.memory_space<vmem_shared>>)
    %dma_start3A_341 = arith.constant 0 : i32
    %dma_start3A_342 = arith.constant 0 : i32
    %dma_start3A_343 = tpu.memref_slice %arg5[%dma_start3A_341, %dma_start3A_342] : memref<10000x128xf32, #tpu.memory_space<vmem_shared>> -> memref<10000x128xf32, #tpu.memory_space<vmem_shared>>
    tpu.enqueue_indirect_dma source(%arg15 : memref<40x128xf32, #tpu.memory_space<vmem>>) target(%dma_start3A_343 : memref<10000x128xf32, #tpu.memory_space<vmem_shared>>) offsets(%arg7 : memref<40xi32, #tpu.memory_space<vmem>>) semaphore(%arg31 : memref<!tpu.dma_semaphore, #tpu.memory_space<semaphore_mem>>) {add = true}
    %add3A_344 = arith.constant 320 : i32
    %add3A_345 = arith.addi %mul3A_2, %add3A_344 : i32
    %multiple_of3A_346 = tpu.assume_multiple %add3A_345, 8 : i32
    %add3A_347 = arith.constant 320000 : i32
    %add3A_348 = arith.addi %add3A_347, %multiple_of3A_346 : i32
    %dma_start3A_349 = tpu.memref_slice %arg3[%add3A_348] : memref<640000xi32, #tpu.memory_space<hbm>> -> memref<40xi32, #tpu.memory_space<hbm>>
    %dma_start3A_350 = tpu.memref_slice %arg3[%add3A_348] : memref<640000xi32, #tpu.memory_space<hbm>> -> memref<40xi32, #tpu.memory_space<hbm>>
    tpu.enqueue_dma source(%dma_start3A_350 : memref<40xi32, #tpu.memory_space<hbm>>) target(%arg6 : memref<40xi32, #tpu.memory_space<vmem>>) target_semaphore(%arg22 : memref<!tpu.dma_semaphore, #tpu.memory_space<semaphore_mem>>)
    %dma_start3A_351 = arith.constant 0 : i32
    %dma_start3A_352 = tpu.memref_slice %arg2[%multiple_of3A_346, %dma_start3A_351] : memref<320000x128xf32, #tpu.memory_space<hbm>> -> memref<40x128xf32, #tpu.memory_space<hbm>>
    %dma_start3A_353 = arith.constant 0 : i32
    %dma_start3A_354 = tpu.memref_slice %arg2[%multiple_of3A_346, %dma_start3A_353] : memref<320000x128xf32, #tpu.memory_space<hbm>> -> memref<40x128xf32, #tpu.memory_space<hbm>>
    tpu.enqueue_dma source(%dma_start3A_354 : memref<40x128xf32, #tpu.memory_space<hbm>>) target(%arg14 : memref<40x128xf32, #tpu.memory_space<vmem>>) target_semaphore(%arg22 : memref<!tpu.dma_semaphore, #tpu.memory_space<semaphore_mem>>)
    %add3A_355 = arith.constant 80 : i32
    %add3A_356 = arith.addi %mul3A_2, %add3A_355 : i32
    %multiple_of3A_357 = tpu.assume_multiple %add3A_356, 8 : i32
    %add3A_358 = arith.constant 320000 : i32
    %add3A_359 = arith.addi %add3A_358, %multiple_of3A_357 : i32
    %dma_wait3A_360 = tpu.memref_slice %arg3[%add3A_359] : memref<640000xi32, #tpu.memory_space<hbm>> -> memref<40xi32, #tpu.memory_space<hbm>>
    %dma_wait3A_361 = tpu.memref_slice %arg3[%add3A_359] : memref<640000xi32, #tpu.memory_space<hbm>> -> memref<40xi32, #tpu.memory_space<hbm>>
    tpu.wait_dma2 semaphore(%arg24 : memref<!tpu.dma_semaphore, #tpu.memory_space<semaphore_mem>>) src(%dma_wait3A_361 : memref<40xi32, #tpu.memory_space<hbm>>) dst(%arg8 : memref<40xi32, #tpu.memory_space<vmem>>)
    %dma_wait3A_362 = arith.constant 0 : i32
    %dma_wait3A_363 = tpu.memref_slice %arg2[%multiple_of3A_357, %dma_wait3A_362] : memref<320000x128xf32, #tpu.memory_space<hbm>> -> memref<40x128xf32, #tpu.memory_space<hbm>>
    %dma_wait3A_364 = arith.constant 0 : i32
    %dma_wait3A_365 = tpu.memref_slice %arg2[%multiple_of3A_357, %dma_wait3A_364] : memref<320000x128xf32, #tpu.memory_space<hbm>> -> memref<40x128xf32, #tpu.memory_space<hbm>>
    tpu.wait_dma2 semaphore(%arg24 : memref<!tpu.dma_semaphore, #tpu.memory_space<semaphore_mem>>) src(%dma_wait3A_365 : memref<40x128xf32, #tpu.memory_space<hbm>>) dst(%arg16 : memref<40x128xf32, #tpu.memory_space<vmem>>)
    %dma_wait3A_366 = arith.constant 0 : i32
    %dma_wait3A_367 = arith.constant 0 : i32
    %dma_wait3A_368 = tpu.memref_slice %arg5[%dma_wait3A_366, %dma_wait3A_367] : memref<10000x128xf32, #tpu.memory_space<vmem_shared>> -> memref<10000x128xf32, #tpu.memory_space<vmem_shared>>
    tpu.wait_indirect_dma semaphore(%arg31 : memref<!tpu.dma_semaphore, #tpu.memory_space<semaphore_mem>>) src(%arg15 : memref<40x128xf32, #tpu.memory_space<vmem>>) dst(%dma_wait3A_368 : memref<10000x128xf32, #tpu.memory_space<vmem_shared>>)
    %dma_start3A_369 = arith.constant 0 : i32
    %dma_start3A_370 = arith.constant 0 : i32
    %dma_start3A_371 = tpu.memref_slice %arg5[%dma_start3A_369, %dma_start3A_370] : memref<10000x128xf32, #tpu.memory_space<vmem_shared>> -> memref<10000x128xf32, #tpu.memory_space<vmem_shared>>
    tpu.enqueue_indirect_dma source(%arg16 : memref<40x128xf32, #tpu.memory_space<vmem>>) target(%dma_start3A_371 : memref<10000x128xf32, #tpu.memory_space<vmem_shared>>) offsets(%arg8 : memref<40xi32, #tpu.memory_space<vmem>>) semaphore(%arg32 : memref<!tpu.dma_semaphore, #tpu.memory_space<semaphore_mem>>) {add = true}
    %add3A_372 = arith.constant 360 : i32
    %add3A_373 = arith.addi %mul3A_2, %add3A_372 : i32
    %multiple_of3A_374 = tpu.assume_multiple %add3A_373, 8 : i32
    %add3A_375 = arith.constant 320000 : i32
    %add3A_376 = arith.addi %add3A_375, %multiple_of3A_374 : i32
    %dma_start3A_377 = tpu.memref_slice %arg3[%add3A_376] : memref<640000xi32, #tpu.memory_space<hbm>> -> memref<40xi32, #tpu.memory_space<hbm>>
    %dma_start3A_378 = tpu.memref_slice %arg3[%add3A_376] : memref<640000xi32, #tpu.memory_space<hbm>> -> memref<40xi32, #tpu.memory_space<hbm>>
    tpu.enqueue_dma source(%dma_start3A_378 : memref<40xi32, #tpu.memory_space<hbm>>) target(%arg7 : memref<40xi32, #tpu.memory_space<vmem>>) target_semaphore(%arg23 : memref<!tpu.dma_semaphore, #tpu.memory_space<semaphore_mem>>)
    %dma_start3A_379 = arith.constant 0 : i32
    %dma_start3A_380 = tpu.memref_slice %arg2[%multiple_of3A_374, %dma_start3A_379] : memref<320000x128xf32, #tpu.memory_space<hbm>> -> memref<40x128xf32, #tpu.memory_space<hbm>>
    %dma_start3A_381 = arith.constant 0 : i32
    %dma_start3A_382 = tpu.memref_slice %arg2[%multiple_of3A_374, %dma_start3A_381] : memref<320000x128xf32, #tpu.memory_space<hbm>> -> memref<40x128xf32, #tpu.memory_space<hbm>>
    tpu.enqueue_dma source(%dma_start3A_382 : memref<40x128xf32, #tpu.memory_space<hbm>>) target(%arg15 : memref<40x128xf32, #tpu.memory_space<vmem>>) target_semaphore(%arg23 : memref<!tpu.dma_semaphore, #tpu.memory_space<semaphore_mem>>)
    %add3A_383 = arith.constant 120 : i32
    %add3A_384 = arith.addi %mul3A_2, %add3A_383 : i32
    %multiple_of3A_385 = tpu.assume_multiple %add3A_384, 8 : i32
    %add3A_386 = arith.constant 320000 : i32
    %add3A_387 = arith.addi %add3A_386, %multiple_of3A_385 : i32
    %dma_wait3A_388 = tpu.memref_slice %arg3[%add3A_387] : memref<640000xi32, #tpu.memory_space<hbm>> -> memref<40xi32, #tpu.memory_space<hbm>>
    %dma_wait3A_389 = tpu.memref_slice %arg3[%add3A_387] : memref<640000xi32, #tpu.memory_space<hbm>> -> memref<40xi32, #tpu.memory_space<hbm>>
    tpu.wait_dma2 semaphore(%arg25 : memref<!tpu.dma_semaphore, #tpu.memory_space<semaphore_mem>>) src(%dma_wait3A_389 : memref<40xi32, #tpu.memory_space<hbm>>) dst(%arg9 : memref<40xi32, #tpu.memory_space<vmem>>)
    %dma_wait3A_390 = arith.constant 0 : i32
    %dma_wait3A_391 = tpu.memref_slice %arg2[%multiple_of3A_385, %dma_wait3A_390] : memref<320000x128xf32, #tpu.memory_space<hbm>> -> memref<40x128xf32, #tpu.memory_space<hbm>>
    %dma_wait3A_392 = arith.constant 0 : i32
    %dma_wait3A_393 = tpu.memref_slice %arg2[%multiple_of3A_385, %dma_wait3A_392] : memref<320000x128xf32, #tpu.memory_space<hbm>> -> memref<40x128xf32, #tpu.memory_space<hbm>>
    tpu.wait_dma2 semaphore(%arg25 : memref<!tpu.dma_semaphore, #tpu.memory_space<semaphore_mem>>) src(%dma_wait3A_393 : memref<40x128xf32, #tpu.memory_space<hbm>>) dst(%arg17 : memref<40x128xf32, #tpu.memory_space<vmem>>)
    %dma_wait3A_394 = arith.constant 0 : i32
    %dma_wait3A_395 = arith.constant 0 : i32
    %dma_wait3A_396 = tpu.memref_slice %arg5[%dma_wait3A_394, %dma_wait3A_395] : memref<10000x128xf32, #tpu.memory_space<vmem_shared>> -> memref<10000x128xf32, #tpu.memory_space<vmem_shared>>
    tpu.wait_indirect_dma semaphore(%arg32 : memref<!tpu.dma_semaphore, #tpu.memory_space<semaphore_mem>>) src(%arg16 : memref<40x128xf32, #tpu.memory_space<vmem>>) dst(%dma_wait3A_396 : memref<10000x128xf32, #tpu.memory_space<vmem_shared>>)
    %dma_start3A_397 = arith.constant 0 : i32
    %dma_start3A_398 = arith.constant 0 : i32
    %dma_start3A_399 = tpu.memref_slice %arg5[%dma_start3A_397, %dma_start3A_398] : memref<10000x128xf32, #tpu.memory_space<vmem_shared>> -> memref<10000x128xf32, #tpu.memory_space<vmem_shared>>
    tpu.enqueue_indirect_dma source(%arg17 : memref<40x128xf32, #tpu.memory_space<vmem>>) target(%dma_start3A_399 : memref<10000x128xf32, #tpu.memory_space<vmem_shared>>) offsets(%arg9 : memref<40xi32, #tpu.memory_space<vmem>>) semaphore(%arg33 : memref<!tpu.dma_semaphore, #tpu.memory_space<semaphore_mem>>) {add = true}
    %add3A_400 = arith.constant 400 : i32
    %add3A_401 = arith.addi %mul3A_2, %add3A_400 : i32
    %multiple_of3A_402 = tpu.assume_multiple %add3A_401, 8 : i32
    %add3A_403 = arith.constant 320000 : i32
    %add3A_404 = arith.addi %add3A_403, %multiple_of3A_402 : i32
    %dma_start3A_405 = tpu.memref_slice %arg3[%add3A_404] : memref<640000xi32, #tpu.memory_space<hbm>> -> memref<40xi32, #tpu.memory_space<hbm>>
    %dma_start3A_406 = tpu.memref_slice %arg3[%add3A_404] : memref<640000xi32, #tpu.memory_space<hbm>> -> memref<40xi32, #tpu.memory_space<hbm>>
    tpu.enqueue_dma source(%dma_start3A_406 : memref<40xi32, #tpu.memory_space<hbm>>) target(%arg8 : memref<40xi32, #tpu.memory_space<vmem>>) target_semaphore(%arg24 : memref<!tpu.dma_semaphore, #tpu.memory_space<semaphore_mem>>)
    %dma_start3A_407 = arith.constant 0 : i32
    %dma_start3A_408 = tpu.memref_slice %arg2[%multiple_of3A_402, %dma_start3A_407] : memref<320000x128xf32, #tpu.memory_space<hbm>> -> memref<40x128xf32, #tpu.memory_space<hbm>>
    %dma_start3A_409 = arith.constant 0 : i32
    %dma_start3A_410 = tpu.memref_slice %arg2[%multiple_of3A_402, %dma_start3A_409] : memref<320000x128xf32, #tpu.memory_space<hbm>> -> memref<40x128xf32, #tpu.memory_space<hbm>>
    tpu.enqueue_dma source(%dma_start3A_410 : memref<40x128xf32, #tpu.memory_space<hbm>>) target(%arg16 : memref<40x128xf32, #tpu.memory_space<vmem>>) target_semaphore(%arg24 : memref<!tpu.dma_semaphore, #tpu.memory_space<semaphore_mem>>)
    %add3A_411 = arith.constant 160 : i32
    %add3A_412 = arith.addi %mul3A_2, %add3A_411 : i32
    %multiple_of3A_413 = tpu.assume_multiple %add3A_412, 8 : i32
    %add3A_414 = arith.constant 320000 : i32
    %add3A_415 = arith.addi %add3A_414, %multiple_of3A_413 : i32
    %dma_wait3A_416 = tpu.memref_slice %arg3[%add3A_415] : memref<640000xi32, #tpu.memory_space<hbm>> -> memref<40xi32, #tpu.memory_space<hbm>>
    %dma_wait3A_417 = tpu.memref_slice %arg3[%add3A_415] : memref<640000xi32, #tpu.memory_space<hbm>> -> memref<40xi32, #tpu.memory_space<hbm>>
    tpu.wait_dma2 semaphore(%arg26 : memref<!tpu.dma_semaphore, #tpu.memory_space<semaphore_mem>>) src(%dma_wait3A_417 : memref<40xi32, #tpu.memory_space<hbm>>) dst(%arg10 : memref<40xi32, #tpu.memory_space<vmem>>)
    %dma_wait3A_418 = arith.constant 0 : i32
    %dma_wait3A_419 = tpu.memref_slice %arg2[%multiple_of3A_413, %dma_wait3A_418] : memref<320000x128xf32, #tpu.memory_space<hbm>> -> memref<40x128xf32, #tpu.memory_space<hbm>>
    %dma_wait3A_420 = arith.constant 0 : i32
    %dma_wait3A_421 = tpu.memref_slice %arg2[%multiple_of3A_413, %dma_wait3A_420] : memref<320000x128xf32, #tpu.memory_space<hbm>> -> memref<40x128xf32, #tpu.memory_space<hbm>>
    tpu.wait_dma2 semaphore(%arg26 : memref<!tpu.dma_semaphore, #tpu.memory_space<semaphore_mem>>) src(%dma_wait3A_421 : memref<40x128xf32, #tpu.memory_space<hbm>>) dst(%arg18 : memref<40x128xf32, #tpu.memory_space<vmem>>)
    %dma_wait3A_422 = arith.constant 0 : i32
    %dma_wait3A_423 = arith.constant 0 : i32
    %dma_wait3A_424 = tpu.memref_slice %arg5[%dma_wait3A_422, %dma_wait3A_423] : memref<10000x128xf32, #tpu.memory_space<vmem_shared>> -> memref<10000x128xf32, #tpu.memory_space<vmem_shared>>
    tpu.wait_indirect_dma semaphore(%arg33 : memref<!tpu.dma_semaphore, #tpu.memory_space<semaphore_mem>>) src(%arg17 : memref<40x128xf32, #tpu.memory_space<vmem>>) dst(%dma_wait3A_424 : memref<10000x128xf32, #tpu.memory_space<vmem_shared>>)
    %dma_start3A_425 = arith.constant 0 : i32
    %dma_start3A_426 = arith.constant 0 : i32
    %dma_start3A_427 = tpu.memref_slice %arg5[%dma_start3A_425, %dma_start3A_426] : memref<10000x128xf32, #tpu.memory_space<vmem_shared>> -> memref<10000x128xf32, #tpu.memory_space<vmem_shared>>
    tpu.enqueue_indirect_dma source(%arg18 : memref<40x128xf32, #tpu.memory_space<vmem>>) target(%dma_start3A_427 : memref<10000x128xf32, #tpu.memory_space<vmem_shared>>) offsets(%arg10 : memref<40xi32, #tpu.memory_space<vmem>>) semaphore(%arg34 : memref<!tpu.dma_semaphore, #tpu.memory_space<semaphore_mem>>) {add = true}
    %add3A_428 = arith.constant 440 : i32
    %add3A_429 = arith.addi %mul3A_2, %add3A_428 : i32
    %multiple_of3A_430 = tpu.assume_multiple %add3A_429, 8 : i32
    %add3A_431 = arith.constant 320000 : i32
    %add3A_432 = arith.addi %add3A_431, %multiple_of3A_430 : i32
    %dma_start3A_433 = tpu.memref_slice %arg3[%add3A_432] : memref<640000xi32, #tpu.memory_space<hbm>> -> memref<40xi32, #tpu.memory_space<hbm>>
    %dma_start3A_434 = tpu.memref_slice %arg3[%add3A_432] : memref<640000xi32, #tpu.memory_space<hbm>> -> memref<40xi32, #tpu.memory_space<hbm>>
    tpu.enqueue_dma source(%dma_start3A_434 : memref<40xi32, #tpu.memory_space<hbm>>) target(%arg9 : memref<40xi32, #tpu.memory_space<vmem>>) target_semaphore(%arg25 : memref<!tpu.dma_semaphore, #tpu.memory_space<semaphore_mem>>)
    %dma_start3A_435 = arith.constant 0 : i32
    %dma_start3A_436 = tpu.memref_slice %arg2[%multiple_of3A_430, %dma_start3A_435] : memref<320000x128xf32, #tpu.memory_space<hbm>> -> memref<40x128xf32, #tpu.memory_space<hbm>>
    %dma_start3A_437 = arith.constant 0 : i32
    %dma_start3A_438 = tpu.memref_slice %arg2[%multiple_of3A_430, %dma_start3A_437] : memref<320000x128xf32, #tpu.memory_space<hbm>> -> memref<40x128xf32, #tpu.memory_space<hbm>>
    tpu.enqueue_dma source(%dma_start3A_438 : memref<40x128xf32, #tpu.memory_space<hbm>>) target(%arg17 : memref<40x128xf32, #tpu.memory_space<vmem>>) target_semaphore(%arg25 : memref<!tpu.dma_semaphore, #tpu.memory_space<semaphore_mem>>)
    %add3A_439 = arith.constant 200 : i32
    %add3A_440 = arith.addi %mul3A_2, %add3A_439 : i32
    %multiple_of3A_441 = tpu.assume_multiple %add3A_440, 8 : i32
    %add3A_442 = arith.constant 320000 : i32
    %add3A_443 = arith.addi %add3A_442, %multiple_of3A_441 : i32
    %dma_wait3A_444 = tpu.memref_slice %arg3[%add3A_443] : memref<640000xi32, #tpu.memory_space<hbm>> -> memref<40xi32, #tpu.memory_space<hbm>>
    %dma_wait3A_445 = tpu.memref_slice %arg3[%add3A_443] : memref<640000xi32, #tpu.memory_space<hbm>> -> memref<40xi32, #tpu.memory_space<hbm>>
    tpu.wait_dma2 semaphore(%arg27 : memref<!tpu.dma_semaphore, #tpu.memory_space<semaphore_mem>>) src(%dma_wait3A_445 : memref<40xi32, #tpu.memory_space<hbm>>) dst(%arg11 : memref<40xi32, #tpu.memory_space<vmem>>)
    %dma_wait3A_446 = arith.constant 0 : i32
    %dma_wait3A_447 = tpu.memref_slice %arg2[%multiple_of3A_441, %dma_wait3A_446] : memref<320000x128xf32, #tpu.memory_space<hbm>> -> memref<40x128xf32, #tpu.memory_space<hbm>>
    %dma_wait3A_448 = arith.constant 0 : i32
    %dma_wait3A_449 = tpu.memref_slice %arg2[%multiple_of3A_441, %dma_wait3A_448] : memref<320000x128xf32, #tpu.memory_space<hbm>> -> memref<40x128xf32, #tpu.memory_space<hbm>>
    tpu.wait_dma2 semaphore(%arg27 : memref<!tpu.dma_semaphore, #tpu.memory_space<semaphore_mem>>) src(%dma_wait3A_449 : memref<40x128xf32, #tpu.memory_space<hbm>>) dst(%arg19 : memref<40x128xf32, #tpu.memory_space<vmem>>)
    %dma_wait3A_450 = arith.constant 0 : i32
    %dma_wait3A_451 = arith.constant 0 : i32
    %dma_wait3A_452 = tpu.memref_slice %arg5[%dma_wait3A_450, %dma_wait3A_451] : memref<10000x128xf32, #tpu.memory_space<vmem_shared>> -> memref<10000x128xf32, #tpu.memory_space<vmem_shared>>
    tpu.wait_indirect_dma semaphore(%arg34 : memref<!tpu.dma_semaphore, #tpu.memory_space<semaphore_mem>>) src(%arg18 : memref<40x128xf32, #tpu.memory_space<vmem>>) dst(%dma_wait3A_452 : memref<10000x128xf32, #tpu.memory_space<vmem_shared>>)
    %dma_start3A_453 = arith.constant 0 : i32
    %dma_start3A_454 = arith.constant 0 : i32
    %dma_start3A_455 = tpu.memref_slice %arg5[%dma_start3A_453, %dma_start3A_454] : memref<10000x128xf32, #tpu.memory_space<vmem_shared>> -> memref<10000x128xf32, #tpu.memory_space<vmem_shared>>
    tpu.enqueue_indirect_dma source(%arg19 : memref<40x128xf32, #tpu.memory_space<vmem>>) target(%dma_start3A_455 : memref<10000x128xf32, #tpu.memory_space<vmem_shared>>) offsets(%arg11 : memref<40xi32, #tpu.memory_space<vmem>>) semaphore(%arg35 : memref<!tpu.dma_semaphore, #tpu.memory_space<semaphore_mem>>) {add = true}
    %add3A_456 = arith.constant 480 : i32
    %add3A_457 = arith.addi %mul3A_2, %add3A_456 : i32
    %multiple_of3A_458 = tpu.assume_multiple %add3A_457, 8 : i32
    %add3A_459 = arith.constant 320000 : i32
    %add3A_460 = arith.addi %add3A_459, %multiple_of3A_458 : i32
    %dma_start3A_461 = tpu.memref_slice %arg3[%add3A_460] : memref<640000xi32, #tpu.memory_space<hbm>> -> memref<40xi32, #tpu.memory_space<hbm>>
    %dma_start3A_462 = tpu.memref_slice %arg3[%add3A_460] : memref<640000xi32, #tpu.memory_space<hbm>> -> memref<40xi32, #tpu.memory_space<hbm>>
    tpu.enqueue_dma source(%dma_start3A_462 : memref<40xi32, #tpu.memory_space<hbm>>) target(%arg10 : memref<40xi32, #tpu.memory_space<vmem>>) target_semaphore(%arg26 : memref<!tpu.dma_semaphore, #tpu.memory_space<semaphore_mem>>)
    %dma_start3A_463 = arith.constant 0 : i32
    %dma_start3A_464 = tpu.memref_slice %arg2[%multiple_of3A_458, %dma_start3A_463] : memref<320000x128xf32, #tpu.memory_space<hbm>> -> memref<40x128xf32, #tpu.memory_space<hbm>>
    %dma_start3A_465 = arith.constant 0 : i32
    %dma_start3A_466 = tpu.memref_slice %arg2[%multiple_of3A_458, %dma_start3A_465] : memref<320000x128xf32, #tpu.memory_space<hbm>> -> memref<40x128xf32, #tpu.memory_space<hbm>>
    tpu.enqueue_dma source(%dma_start3A_466 : memref<40x128xf32, #tpu.memory_space<hbm>>) target(%arg18 : memref<40x128xf32, #tpu.memory_space<vmem>>) target_semaphore(%arg26 : memref<!tpu.dma_semaphore, #tpu.memory_space<semaphore_mem>>)
    %add3A_467 = arith.constant 240 : i32
    %add3A_468 = arith.addi %mul3A_2, %add3A_467 : i32
    %multiple_of3A_469 = tpu.assume_multiple %add3A_468, 8 : i32
    %add3A_470 = arith.constant 320000 : i32
    %add3A_471 = arith.addi %add3A_470, %multiple_of3A_469 : i32
    %dma_wait3A_472 = tpu.memref_slice %arg3[%add3A_471] : memref<640000xi32, #tpu.memory_space<hbm>> -> memref<40xi32, #tpu.memory_space<hbm>>
    %dma_wait3A_473 = tpu.memref_slice %arg3[%add3A_471] : memref<640000xi32, #tpu.memory_space<hbm>> -> memref<40xi32, #tpu.memory_space<hbm>>
    tpu.wait_dma2 semaphore(%arg28 : memref<!tpu.dma_semaphore, #tpu.memory_space<semaphore_mem>>) src(%dma_wait3A_473 : memref<40xi32, #tpu.memory_space<hbm>>) dst(%arg12 : memref<40xi32, #tpu.memory_space<vmem>>)
    %dma_wait3A_474 = arith.constant 0 : i32
    %dma_wait3A_475 = tpu.memref_slice %arg2[%multiple_of3A_469, %dma_wait3A_474] : memref<320000x128xf32, #tpu.memory_space<hbm>> -> memref<40x128xf32, #tpu.memory_space<hbm>>
    %dma_wait3A_476 = arith.constant 0 : i32
    %dma_wait3A_477 = tpu.memref_slice %arg2[%multiple_of3A_469, %dma_wait3A_476] : memref<320000x128xf32, #tpu.memory_space<hbm>> -> memref<40x128xf32, #tpu.memory_space<hbm>>
    tpu.wait_dma2 semaphore(%arg28 : memref<!tpu.dma_semaphore, #tpu.memory_space<semaphore_mem>>) src(%dma_wait3A_477 : memref<40x128xf32, #tpu.memory_space<hbm>>) dst(%arg20 : memref<40x128xf32, #tpu.memory_space<vmem>>)
    %dma_wait3A_478 = arith.constant 0 : i32
    %dma_wait3A_479 = arith.constant 0 : i32
    %dma_wait3A_480 = tpu.memref_slice %arg5[%dma_wait3A_478, %dma_wait3A_479] : memref<10000x128xf32, #tpu.memory_space<vmem_shared>> -> memref<10000x128xf32, #tpu.memory_space<vmem_shared>>
    tpu.wait_indirect_dma semaphore(%arg35 : memref<!tpu.dma_semaphore, #tpu.memory_space<semaphore_mem>>) src(%arg19 : memref<40x128xf32, #tpu.memory_space<vmem>>) dst(%dma_wait3A_480 : memref<10000x128xf32, #tpu.memory_space<vmem_shared>>)
    %dma_start3A_481 = arith.constant 0 : i32
    %dma_start3A_482 = arith.constant 0 : i32
    %dma_start3A_483 = tpu.memref_slice %arg5[%dma_start3A_481, %dma_start3A_482] : memref<10000x128xf32, #tpu.memory_space<vmem_shared>> -> memref<10000x128xf32, #tpu.memory_space<vmem_shared>>
    tpu.enqueue_indirect_dma source(%arg20 : memref<40x128xf32, #tpu.memory_space<vmem>>) target(%dma_start3A_483 : memref<10000x128xf32, #tpu.memory_space<vmem_shared>>) offsets(%arg12 : memref<40xi32, #tpu.memory_space<vmem>>) semaphore(%arg36 : memref<!tpu.dma_semaphore, #tpu.memory_space<semaphore_mem>>) {add = true}
    %add3A_484 = arith.constant 520 : i32
    %add3A_485 = arith.addi %mul3A_2, %add3A_484 : i32
    %multiple_of3A_486 = tpu.assume_multiple %add3A_485, 8 : i32
    %add3A_487 = arith.constant 320000 : i32
    %add3A_488 = arith.addi %add3A_487, %multiple_of3A_486 : i32
    %dma_start3A_489 = tpu.memref_slice %arg3[%add3A_488] : memref<640000xi32, #tpu.memory_space<hbm>> -> memref<40xi32, #tpu.memory_space<hbm>>
    %dma_start3A_490 = tpu.memref_slice %arg3[%add3A_488] : memref<640000xi32, #tpu.memory_space<hbm>> -> memref<40xi32, #tpu.memory_space<hbm>>
    tpu.enqueue_dma source(%dma_start3A_490 : memref<40xi32, #tpu.memory_space<hbm>>) target(%arg11 : memref<40xi32, #tpu.memory_space<vmem>>) target_semaphore(%arg27 : memref<!tpu.dma_semaphore, #tpu.memory_space<semaphore_mem>>)
    %dma_start3A_491 = arith.constant 0 : i32
    %dma_start3A_492 = tpu.memref_slice %arg2[%multiple_of3A_486, %dma_start3A_491] : memref<320000x128xf32, #tpu.memory_space<hbm>> -> memref<40x128xf32, #tpu.memory_space<hbm>>
    %dma_start3A_493 = arith.constant 0 : i32
    %dma_start3A_494 = tpu.memref_slice %arg2[%multiple_of3A_486, %dma_start3A_493] : memref<320000x128xf32, #tpu.memory_space<hbm>> -> memref<40x128xf32, #tpu.memory_space<hbm>>
    tpu.enqueue_dma source(%dma_start3A_494 : memref<40x128xf32, #tpu.memory_space<hbm>>) target(%arg19 : memref<40x128xf32, #tpu.memory_space<vmem>>) target_semaphore(%arg27 : memref<!tpu.dma_semaphore, #tpu.memory_space<semaphore_mem>>)
    %add3A_495 = arith.constant 280 : i32
    %add3A_496 = arith.addi %mul3A_2, %add3A_495 : i32
    %multiple_of3A_497 = tpu.assume_multiple %add3A_496, 8 : i32
    %add3A_498 = arith.constant 320000 : i32
    %add3A_499 = arith.addi %add3A_498, %multiple_of3A_497 : i32
    %dma_wait3A_500 = tpu.memref_slice %arg3[%add3A_499] : memref<640000xi32, #tpu.memory_space<hbm>> -> memref<40xi32, #tpu.memory_space<hbm>>
    %dma_wait3A_501 = tpu.memref_slice %arg3[%add3A_499] : memref<640000xi32, #tpu.memory_space<hbm>> -> memref<40xi32, #tpu.memory_space<hbm>>
    tpu.wait_dma2 semaphore(%arg29 : memref<!tpu.dma_semaphore, #tpu.memory_space<semaphore_mem>>) src(%dma_wait3A_501 : memref<40xi32, #tpu.memory_space<hbm>>) dst(%arg13 : memref<40xi32, #tpu.memory_space<vmem>>)
    %dma_wait3A_502 = arith.constant 0 : i32
    %dma_wait3A_503 = tpu.memref_slice %arg2[%multiple_of3A_497, %dma_wait3A_502] : memref<320000x128xf32, #tpu.memory_space<hbm>> -> memref<40x128xf32, #tpu.memory_space<hbm>>
    %dma_wait3A_504 = arith.constant 0 : i32
    %dma_wait3A_505 = tpu.memref_slice %arg2[%multiple_of3A_497, %dma_wait3A_504] : memref<320000x128xf32, #tpu.memory_space<hbm>> -> memref<40x128xf32, #tpu.memory_space<hbm>>
    tpu.wait_dma2 semaphore(%arg29 : memref<!tpu.dma_semaphore, #tpu.memory_space<semaphore_mem>>) src(%dma_wait3A_505 : memref<40x128xf32, #tpu.memory_space<hbm>>) dst(%arg21 : memref<40x128xf32, #tpu.memory_space<vmem>>)
    %dma_wait3A_506 = arith.constant 0 : i32
    %dma_wait3A_507 = arith.constant 0 : i32
    %dma_wait3A_508 = tpu.memref_slice %arg5[%dma_wait3A_506, %dma_wait3A_507] : memref<10000x128xf32, #tpu.memory_space<vmem_shared>> -> memref<10000x128xf32, #tpu.memory_space<vmem_shared>>
    tpu.wait_indirect_dma semaphore(%arg36 : memref<!tpu.dma_semaphore, #tpu.memory_space<semaphore_mem>>) src(%arg20 : memref<40x128xf32, #tpu.memory_space<vmem>>) dst(%dma_wait3A_508 : memref<10000x128xf32, #tpu.memory_space<vmem_shared>>)
    %dma_start3A_509 = arith.constant 0 : i32
    %dma_start3A_510 = arith.constant 0 : i32
    %dma_start3A_511 = tpu.memref_slice %arg5[%dma_start3A_509, %dma_start3A_510] : memref<10000x128xf32, #tpu.memory_space<vmem_shared>> -> memref<10000x128xf32, #tpu.memory_space<vmem_shared>>
    tpu.enqueue_indirect_dma source(%arg21 : memref<40x128xf32, #tpu.memory_space<vmem>>) target(%dma_start3A_511 : memref<10000x128xf32, #tpu.memory_space<vmem_shared>>) offsets(%arg13 : memref<40xi32, #tpu.memory_space<vmem>>) semaphore(%arg37 : memref<!tpu.dma_semaphore, #tpu.memory_space<semaphore_mem>>) {add = true}
    %add3A_512 = arith.constant 560 : i32
    %add3A_513 = arith.addi %mul3A_2, %add3A_512 : i32
    %multiple_of3A_514 = tpu.assume_multiple %add3A_513, 8 : i32
    %add3A_515 = arith.constant 320000 : i32
    %add3A_516 = arith.addi %add3A_515, %multiple_of3A_514 : i32
    %dma_start3A_517 = tpu.memref_slice %arg3[%add3A_516] : memref<640000xi32, #tpu.memory_space<hbm>> -> memref<40xi32, #tpu.memory_space<hbm>>
    %dma_start3A_518 = tpu.memref_slice %arg3[%add3A_516] : memref<640000xi32, #tpu.memory_space<hbm>> -> memref<40xi32, #tpu.memory_space<hbm>>
    tpu.enqueue_dma source(%dma_start3A_518 : memref<40xi32, #tpu.memory_space<hbm>>) target(%arg12 : memref<40xi32, #tpu.memory_space<vmem>>) target_semaphore(%arg28 : memref<!tpu.dma_semaphore, #tpu.memory_space<semaphore_mem>>)
    %dma_start3A_519 = arith.constant 0 : i32
    %dma_start3A_520 = tpu.memref_slice %arg2[%multiple_of3A_514, %dma_start3A_519] : memref<320000x128xf32, #tpu.memory_space<hbm>> -> memref<40x128xf32, #tpu.memory_space<hbm>>
    %dma_start3A_521 = arith.constant 0 : i32
    %dma_start3A_522 = tpu.memref_slice %arg2[%multiple_of3A_514, %dma_start3A_521] : memref<320000x128xf32, #tpu.memory_space<hbm>> -> memref<40x128xf32, #tpu.memory_space<hbm>>
    tpu.enqueue_dma source(%dma_start3A_522 : memref<40x128xf32, #tpu.memory_space<hbm>>) target(%arg20 : memref<40x128xf32, #tpu.memory_space<vmem>>) target_semaphore(%arg28 : memref<!tpu.dma_semaphore, #tpu.memory_space<semaphore_mem>>)
    %scan3A_523 = arith.constant 1 : i32
    %scan3A_524 = arith.constant 30 : i32
    %scan3A_525 = arith.addi %scan3A_523, %scan3A_524 : i32
    %scan3A_526 = arith.constant 1 : i32
    scf.for %scan3A_790 = %scan3A_523 to %scan3A_525 step %scan3A_526  : i32 {
      %mul3A_791 = arith.constant 8 : i32
      %mul3A_792 = arith.muli %mul3A_791, %scan3A_790 : i32
      %add3A_793 = arith.constant 0 : i32
      %add3A_794 = arith.addi %mul3A_792, %add3A_793 : i32
      %mul3A_795 = arith.constant 40 : i32
      %mul3A_796 = arith.muli %add3A_794, %mul3A_795 : i32
      %add3A_797 = arith.addi %mul3A_2, %mul3A_796 : i32
      %multiple_of3A_798 = tpu.assume_multiple %add3A_797, 8 : i32
      %add3A_799 = arith.constant 320000 : i32
      %add3A_800 = arith.addi %add3A_799, %multiple_of3A_798 : i32
      %dma_wait3A_801 = tpu.memref_slice %arg3[%add3A_800] : memref<640000xi32, #tpu.memory_space<hbm>> -> memref<40xi32, #tpu.memory_space<hbm>>
      %dma_wait3A_802 = tpu.memref_slice %arg3[%add3A_800] : memref<640000xi32, #tpu.memory_space<hbm>> -> memref<40xi32, #tpu.memory_space<hbm>>
      tpu.wait_dma2 semaphore(%arg22 : memref<!tpu.dma_semaphore, #tpu.memory_space<semaphore_mem>>) src(%dma_wait3A_802 : memref<40xi32, #tpu.memory_space<hbm>>) dst(%arg6 : memref<40xi32, #tpu.memory_space<vmem>>)
      %dma_wait3A_803 = arith.constant 0 : i32
      %dma_wait3A_804 = tpu.memref_slice %arg2[%multiple_of3A_798, %dma_wait3A_803] : memref<320000x128xf32, #tpu.memory_space<hbm>> -> memref<40x128xf32, #tpu.memory_space<hbm>>
      %dma_wait3A_805 = arith.constant 0 : i32
      %dma_wait3A_806 = tpu.memref_slice %arg2[%multiple_of3A_798, %dma_wait3A_805] : memref<320000x128xf32, #tpu.memory_space<hbm>> -> memref<40x128xf32, #tpu.memory_space<hbm>>
      tpu.wait_dma2 semaphore(%arg22 : memref<!tpu.dma_semaphore, #tpu.memory_space<semaphore_mem>>) src(%dma_wait3A_806 : memref<40x128xf32, #tpu.memory_space<hbm>>) dst(%arg14 : memref<40x128xf32, #tpu.memory_space<vmem>>)
      %dma_wait3A_807 = arith.constant 0 : i32
      %dma_wait3A_808 = arith.constant 0 : i32
      %dma_wait3A_809 = tpu.memref_slice %arg5[%dma_wait3A_807, %dma_wait3A_808] : memref<10000x128xf32, #tpu.memory_space<vmem_shared>> -> memref<10000x128xf32, #tpu.memory_space<vmem_shared>>
      tpu.wait_indirect_dma semaphore(%arg37 : memref<!tpu.dma_semaphore, #tpu.memory_space<semaphore_mem>>) src(%arg21 : memref<40x128xf32, #tpu.memory_space<vmem>>) dst(%dma_wait3A_809 : memref<10000x128xf32, #tpu.memory_space<vmem_shared>>)
      %dma_start3A_810 = arith.constant 0 : i32
      %dma_start3A_811 = arith.constant 0 : i32
      %dma_start3A_812 = tpu.memref_slice %arg5[%dma_start3A_810, %dma_start3A_811] : memref<10000x128xf32, #tpu.memory_space<vmem_shared>> -> memref<10000x128xf32, #tpu.memory_space<vmem_shared>>
      tpu.enqueue_indirect_dma source(%arg14 : memref<40x128xf32, #tpu.memory_space<vmem>>) target(%dma_start3A_812 : memref<10000x128xf32, #tpu.memory_space<vmem_shared>>) offsets(%arg6 : memref<40xi32, #tpu.memory_space<vmem>>) semaphore(%arg30 : memref<!tpu.dma_semaphore, #tpu.memory_space<semaphore_mem>>) {add = true}
      %add3A_813 = arith.constant 8 : i32
      %add3A_814 = arith.addi %add3A_794, %add3A_813 : i32
      %sub3A = arith.constant 1 : i32
      %sub3A_815 = arith.subi %add3A_814, %sub3A : i32
      %lt3A_816 = arith.constant 250 : i32
      %lt3A_817 = arith.cmpi slt, %sub3A_815, %lt3A_816 : i32
      %convert_element_type3A_818 = arith.extui %lt3A_817 : i1 to i32
      %cond3A_819 = arith.constant 0 : i32
      %cond3A_820 = arith.cmpi ne, %convert_element_type3A_818, %cond3A_819 : i32
      scf.if %cond3A_820 {
        %add3A_1038 = arith.constant 8 : i32
        %add3A_1039 = arith.addi %add3A_794, %add3A_1038 : i32
        %sub3A_1040 = arith.constant 1 : i32
        %sub3A_1041 = arith.subi %add3A_1039, %sub3A_1040 : i32
        %mul3A_1042 = arith.constant 40 : i32
        %mul3A_1043 = arith.muli %sub3A_1041, %mul3A_1042 : i32
        %add3A_1044 = arith.addi %mul3A_2, %mul3A_1043 : i32
        %multiple_of3A_1045 = tpu.assume_multiple %add3A_1044, 8 : i32
        %add3A_1046 = arith.constant 320000 : i32
        %add3A_1047 = arith.addi %add3A_1046, %multiple_of3A_1045 : i32
        %dma_start3A_1048 = tpu.memref_slice %arg3[%add3A_1047] : memref<640000xi32, #tpu.memory_space<hbm>> -> memref<40xi32, #tpu.memory_space<hbm>>
        %dma_start3A_1049 = tpu.memref_slice %arg3[%add3A_1047] : memref<640000xi32, #tpu.memory_space<hbm>> -> memref<40xi32, #tpu.memory_space<hbm>>
        tpu.enqueue_dma source(%dma_start3A_1049 : memref<40xi32, #tpu.memory_space<hbm>>) target(%arg13 : memref<40xi32, #tpu.memory_space<vmem>>) target_semaphore(%arg29 : memref<!tpu.dma_semaphore, #tpu.memory_space<semaphore_mem>>)
        %dma_start3A_1050 = arith.constant 0 : i32
        %dma_start3A_1051 = tpu.memref_slice %arg2[%multiple_of3A_1045, %dma_start3A_1050] : memref<320000x128xf32, #tpu.memory_space<hbm>> -> memref<40x128xf32, #tpu.memory_space<hbm>>
        %dma_start3A_1052 = arith.constant 0 : i32
        %dma_start3A_1053 = tpu.memref_slice %arg2[%multiple_of3A_1045, %dma_start3A_1052] : memref<320000x128xf32, #tpu.memory_space<hbm>> -> memref<40x128xf32, #tpu.memory_space<hbm>>
        tpu.enqueue_dma source(%dma_start3A_1053 : memref<40x128xf32, #tpu.memory_space<hbm>>) target(%arg21 : memref<40x128xf32, #tpu.memory_space<vmem>>) target_semaphore(%arg29 : memref<!tpu.dma_semaphore, #tpu.memory_space<semaphore_mem>>)
      } else {
      }
      %mul3A_821 = arith.constant 8 : i32
      %mul3A_822 = arith.muli %mul3A_821, %scan3A_790 : i32
      %add3A_823 = arith.constant 1 : i32
      %add3A_824 = arith.addi %mul3A_822, %add3A_823 : i32
      %mul3A_825 = arith.constant 40 : i32
      %mul3A_826 = arith.muli %add3A_824, %mul3A_825 : i32
      %add3A_827 = arith.addi %mul3A_2, %mul3A_826 : i32
      %multiple_of3A_828 = tpu.assume_multiple %add3A_827, 8 : i32
      %add3A_829 = arith.constant 320000 : i32
      %add3A_830 = arith.addi %add3A_829, %multiple_of3A_828 : i32
      %dma_wait3A_831 = tpu.memref_slice %arg3[%add3A_830] : memref<640000xi32, #tpu.memory_space<hbm>> -> memref<40xi32, #tpu.memory_space<hbm>>
      %dma_wait3A_832 = tpu.memref_slice %arg3[%add3A_830] : memref<640000xi32, #tpu.memory_space<hbm>> -> memref<40xi32, #tpu.memory_space<hbm>>
      tpu.wait_dma2 semaphore(%arg23 : memref<!tpu.dma_semaphore, #tpu.memory_space<semaphore_mem>>) src(%dma_wait3A_832 : memref<40xi32, #tpu.memory_space<hbm>>) dst(%arg7 : memref<40xi32, #tpu.memory_space<vmem>>)
      %dma_wait3A_833 = arith.constant 0 : i32
      %dma_wait3A_834 = tpu.memref_slice %arg2[%multiple_of3A_828, %dma_wait3A_833] : memref<320000x128xf32, #tpu.memory_space<hbm>> -> memref<40x128xf32, #tpu.memory_space<hbm>>
      %dma_wait3A_835 = arith.constant 0 : i32
      %dma_wait3A_836 = tpu.memref_slice %arg2[%multiple_of3A_828, %dma_wait3A_835] : memref<320000x128xf32, #tpu.memory_space<hbm>> -> memref<40x128xf32, #tpu.memory_space<hbm>>
      tpu.wait_dma2 semaphore(%arg23 : memref<!tpu.dma_semaphore, #tpu.memory_space<semaphore_mem>>) src(%dma_wait3A_836 : memref<40x128xf32, #tpu.memory_space<hbm>>) dst(%arg15 : memref<40x128xf32, #tpu.memory_space<vmem>>)
      %dma_wait3A_837 = arith.constant 0 : i32
      %dma_wait3A_838 = arith.constant 0 : i32
      %dma_wait3A_839 = tpu.memref_slice %arg5[%dma_wait3A_837, %dma_wait3A_838] : memref<10000x128xf32, #tpu.memory_space<vmem_shared>> -> memref<10000x128xf32, #tpu.memory_space<vmem_shared>>
      tpu.wait_indirect_dma semaphore(%arg30 : memref<!tpu.dma_semaphore, #tpu.memory_space<semaphore_mem>>) src(%arg14 : memref<40x128xf32, #tpu.memory_space<vmem>>) dst(%dma_wait3A_839 : memref<10000x128xf32, #tpu.memory_space<vmem_shared>>)
      %dma_start3A_840 = arith.constant 0 : i32
      %dma_start3A_841 = arith.constant 0 : i32
      %dma_start3A_842 = tpu.memref_slice %arg5[%dma_start3A_840, %dma_start3A_841] : memref<10000x128xf32, #tpu.memory_space<vmem_shared>> -> memref<10000x128xf32, #tpu.memory_space<vmem_shared>>
      tpu.enqueue_indirect_dma source(%arg15 : memref<40x128xf32, #tpu.memory_space<vmem>>) target(%dma_start3A_842 : memref<10000x128xf32, #tpu.memory_space<vmem_shared>>) offsets(%arg7 : memref<40xi32, #tpu.memory_space<vmem>>) semaphore(%arg31 : memref<!tpu.dma_semaphore, #tpu.memory_space<semaphore_mem>>) {add = true}
      %add3A_843 = arith.constant 8 : i32
      %add3A_844 = arith.addi %add3A_824, %add3A_843 : i32
      %sub3A_845 = arith.constant 1 : i32
      %sub3A_846 = arith.subi %add3A_844, %sub3A_845 : i32
      %lt3A_847 = arith.constant 250 : i32
      %lt3A_848 = arith.cmpi slt, %sub3A_846, %lt3A_847 : i32
      %convert_element_type3A_849 = arith.extui %lt3A_848 : i1 to i32
      %cond3A_850 = arith.constant 0 : i32
      %cond3A_851 = arith.cmpi ne, %convert_element_type3A_849, %cond3A_850 : i32
      scf.if %cond3A_851 {
        %add3A_1038 = arith.constant 8 : i32
        %add3A_1039 = arith.addi %add3A_824, %add3A_1038 : i32
        %sub3A_1040 = arith.constant 1 : i32
        %sub3A_1041 = arith.subi %add3A_1039, %sub3A_1040 : i32
        %mul3A_1042 = arith.constant 40 : i32
        %mul3A_1043 = arith.muli %sub3A_1041, %mul3A_1042 : i32
        %add3A_1044 = arith.addi %mul3A_2, %mul3A_1043 : i32
        %multiple_of3A_1045 = tpu.assume_multiple %add3A_1044, 8 : i32
        %add3A_1046 = arith.constant 320000 : i32
        %add3A_1047 = arith.addi %add3A_1046, %multiple_of3A_1045 : i32
        %dma_start3A_1048 = tpu.memref_slice %arg3[%add3A_1047] : memref<640000xi32, #tpu.memory_space<hbm>> -> memref<40xi32, #tpu.memory_space<hbm>>
        %dma_start3A_1049 = tpu.memref_slice %arg3[%add3A_1047] : memref<640000xi32, #tpu.memory_space<hbm>> -> memref<40xi32, #tpu.memory_space<hbm>>
        tpu.enqueue_dma source(%dma_start3A_1049 : memref<40xi32, #tpu.memory_space<hbm>>) target(%arg6 : memref<40xi32, #tpu.memory_space<vmem>>) target_semaphore(%arg22 : memref<!tpu.dma_semaphore, #tpu.memory_space<semaphore_mem>>)
        %dma_start3A_1050 = arith.constant 0 : i32
        %dma_start3A_1051 = tpu.memref_slice %arg2[%multiple_of3A_1045, %dma_start3A_1050] : memref<320000x128xf32, #tpu.memory_space<hbm>> -> memref<40x128xf32, #tpu.memory_space<hbm>>
        %dma_start3A_1052 = arith.constant 0 : i32
        %dma_start3A_1053 = tpu.memref_slice %arg2[%multiple_of3A_1045, %dma_start3A_1052] : memref<320000x128xf32, #tpu.memory_space<hbm>> -> memref<40x128xf32, #tpu.memory_space<hbm>>
        tpu.enqueue_dma source(%dma_start3A_1053 : memref<40x128xf32, #tpu.memory_space<hbm>>) target(%arg14 : memref<40x128xf32, #tpu.memory_space<vmem>>) target_semaphore(%arg22 : memref<!tpu.dma_semaphore, #tpu.memory_space<semaphore_mem>>)
      } else {
      }
      %mul3A_852 = arith.constant 8 : i32
      %mul3A_853 = arith.muli %mul3A_852, %scan3A_790 : i32
      %add3A_854 = arith.constant 2 : i32
      %add3A_855 = arith.addi %mul3A_853, %add3A_854 : i32
      %mul3A_856 = arith.constant 40 : i32
      %mul3A_857 = arith.muli %add3A_855, %mul3A_856 : i32
      %add3A_858 = arith.addi %mul3A_2, %mul3A_857 : i32
      %multiple_of3A_859 = tpu.assume_multiple %add3A_858, 8 : i32
      %add3A_860 = arith.constant 320000 : i32
      %add3A_861 = arith.addi %add3A_860, %multiple_of3A_859 : i32
      %dma_wait3A_862 = tpu.memref_slice %arg3[%add3A_861] : memref<640000xi32, #tpu.memory_space<hbm>> -> memref<40xi32, #tpu.memory_space<hbm>>
      %dma_wait3A_863 = tpu.memref_slice %arg3[%add3A_861] : memref<640000xi32, #tpu.memory_space<hbm>> -> memref<40xi32, #tpu.memory_space<hbm>>
      tpu.wait_dma2 semaphore(%arg24 : memref<!tpu.dma_semaphore, #tpu.memory_space<semaphore_mem>>) src(%dma_wait3A_863 : memref<40xi32, #tpu.memory_space<hbm>>) dst(%arg8 : memref<40xi32, #tpu.memory_space<vmem>>)
      %dma_wait3A_864 = arith.constant 0 : i32
      %dma_wait3A_865 = tpu.memref_slice %arg2[%multiple_of3A_859, %dma_wait3A_864] : memref<320000x128xf32, #tpu.memory_space<hbm>> -> memref<40x128xf32, #tpu.memory_space<hbm>>
      %dma_wait3A_866 = arith.constant 0 : i32
      %dma_wait3A_867 = tpu.memref_slice %arg2[%multiple_of3A_859, %dma_wait3A_866] : memref<320000x128xf32, #tpu.memory_space<hbm>> -> memref<40x128xf32, #tpu.memory_space<hbm>>
      tpu.wait_dma2 semaphore(%arg24 : memref<!tpu.dma_semaphore, #tpu.memory_space<semaphore_mem>>) src(%dma_wait3A_867 : memref<40x128xf32, #tpu.memory_space<hbm>>) dst(%arg16 : memref<40x128xf32, #tpu.memory_space<vmem>>)
      %dma_wait3A_868 = arith.constant 0 : i32
      %dma_wait3A_869 = arith.constant 0 : i32
      %dma_wait3A_870 = tpu.memref_slice %arg5[%dma_wait3A_868, %dma_wait3A_869] : memref<10000x128xf32, #tpu.memory_space<vmem_shared>> -> memref<10000x128xf32, #tpu.memory_space<vmem_shared>>
      tpu.wait_indirect_dma semaphore(%arg31 : memref<!tpu.dma_semaphore, #tpu.memory_space<semaphore_mem>>) src(%arg15 : memref<40x128xf32, #tpu.memory_space<vmem>>) dst(%dma_wait3A_870 : memref<10000x128xf32, #tpu.memory_space<vmem_shared>>)
      %dma_start3A_871 = arith.constant 0 : i32
      %dma_start3A_872 = arith.constant 0 : i32
      %dma_start3A_873 = tpu.memref_slice %arg5[%dma_start3A_871, %dma_start3A_872] : memref<10000x128xf32, #tpu.memory_space<vmem_shared>> -> memref<10000x128xf32, #tpu.memory_space<vmem_shared>>
      tpu.enqueue_indirect_dma source(%arg16 : memref<40x128xf32, #tpu.memory_space<vmem>>) target(%dma_start3A_873 : memref<10000x128xf32, #tpu.memory_space<vmem_shared>>) offsets(%arg8 : memref<40xi32, #tpu.memory_space<vmem>>) semaphore(%arg32 : memref<!tpu.dma_semaphore, #tpu.memory_space<semaphore_mem>>) {add = true}
      %add3A_874 = arith.constant 8 : i32
      %add3A_875 = arith.addi %add3A_855, %add3A_874 : i32
      %sub3A_876 = arith.constant 1 : i32
      %sub3A_877 = arith.subi %add3A_875, %sub3A_876 : i32
      %lt3A_878 = arith.constant 250 : i32
      %lt3A_879 = arith.cmpi slt, %sub3A_877, %lt3A_878 : i32
      %convert_element_type3A_880 = arith.extui %lt3A_879 : i1 to i32
      %cond3A_881 = arith.constant 0 : i32
      %cond3A_882 = arith.cmpi ne, %convert_element_type3A_880, %cond3A_881 : i32
      scf.if %cond3A_882 {
        %add3A_1038 = arith.constant 8 : i32
        %add3A_1039 = arith.addi %add3A_855, %add3A_1038 : i32
        %sub3A_1040 = arith.constant 1 : i32
        %sub3A_1041 = arith.subi %add3A_1039, %sub3A_1040 : i32
        %mul3A_1042 = arith.constant 40 : i32
        %mul3A_1043 = arith.muli %sub3A_1041, %mul3A_1042 : i32
        %add3A_1044 = arith.addi %mul3A_2, %mul3A_1043 : i32
        %multiple_of3A_1045 = tpu.assume_multiple %add3A_1044, 8 : i32
        %add3A_1046 = arith.constant 320000 : i32
        %add3A_1047 = arith.addi %add3A_1046, %multiple_of3A_1045 : i32
        %dma_start3A_1048 = tpu.memref_slice %arg3[%add3A_1047] : memref<640000xi32, #tpu.memory_space<hbm>> -> memref<40xi32, #tpu.memory_space<hbm>>
        %dma_start3A_1049 = tpu.memref_slice %arg3[%add3A_1047] : memref<640000xi32, #tpu.memory_space<hbm>> -> memref<40xi32, #tpu.memory_space<hbm>>
        tpu.enqueue_dma source(%dma_start3A_1049 : memref<40xi32, #tpu.memory_space<hbm>>) target(%arg7 : memref<40xi32, #tpu.memory_space<vmem>>) target_semaphore(%arg23 : memref<!tpu.dma_semaphore, #tpu.memory_space<semaphore_mem>>)
        %dma_start3A_1050 = arith.constant 0 : i32
        %dma_start3A_1051 = tpu.memref_slice %arg2[%multiple_of3A_1045, %dma_start3A_1050] : memref<320000x128xf32, #tpu.memory_space<hbm>> -> memref<40x128xf32, #tpu.memory_space<hbm>>
        %dma_start3A_1052 = arith.constant 0 : i32
        %dma_start3A_1053 = tpu.memref_slice %arg2[%multiple_of3A_1045, %dma_start3A_1052] : memref<320000x128xf32, #tpu.memory_space<hbm>> -> memref<40x128xf32, #tpu.memory_space<hbm>>
        tpu.enqueue_dma source(%dma_start3A_1053 : memref<40x128xf32, #tpu.memory_space<hbm>>) target(%arg15 : memref<40x128xf32, #tpu.memory_space<vmem>>) target_semaphore(%arg23 : memref<!tpu.dma_semaphore, #tpu.memory_space<semaphore_mem>>)
      } else {
      }
      %mul3A_883 = arith.constant 8 : i32
      %mul3A_884 = arith.muli %mul3A_883, %scan3A_790 : i32
      %add3A_885 = arith.constant 3 : i32
      %add3A_886 = arith.addi %mul3A_884, %add3A_885 : i32
      %mul3A_887 = arith.constant 40 : i32
      %mul3A_888 = arith.muli %add3A_886, %mul3A_887 : i32
      %add3A_889 = arith.addi %mul3A_2, %mul3A_888 : i32
      %multiple_of3A_890 = tpu.assume_multiple %add3A_889, 8 : i32
      %add3A_891 = arith.constant 320000 : i32
      %add3A_892 = arith.addi %add3A_891, %multiple_of3A_890 : i32
      %dma_wait3A_893 = tpu.memref_slice %arg3[%add3A_892] : memref<640000xi32, #tpu.memory_space<hbm>> -> memref<40xi32, #tpu.memory_space<hbm>>
      %dma_wait3A_894 = tpu.memref_slice %arg3[%add3A_892] : memref<640000xi32, #tpu.memory_space<hbm>> -> memref<40xi32, #tpu.memory_space<hbm>>
      tpu.wait_dma2 semaphore(%arg25 : memref<!tpu.dma_semaphore, #tpu.memory_space<semaphore_mem>>) src(%dma_wait3A_894 : memref<40xi32, #tpu.memory_space<hbm>>) dst(%arg9 : memref<40xi32, #tpu.memory_space<vmem>>)
      %dma_wait3A_895 = arith.constant 0 : i32
      %dma_wait3A_896 = tpu.memref_slice %arg2[%multiple_of3A_890, %dma_wait3A_895] : memref<320000x128xf32, #tpu.memory_space<hbm>> -> memref<40x128xf32, #tpu.memory_space<hbm>>
      %dma_wait3A_897 = arith.constant 0 : i32
      %dma_wait3A_898 = tpu.memref_slice %arg2[%multiple_of3A_890, %dma_wait3A_897] : memref<320000x128xf32, #tpu.memory_space<hbm>> -> memref<40x128xf32, #tpu.memory_space<hbm>>
      tpu.wait_dma2 semaphore(%arg25 : memref<!tpu.dma_semaphore, #tpu.memory_space<semaphore_mem>>) src(%dma_wait3A_898 : memref<40x128xf32, #tpu.memory_space<hbm>>) dst(%arg17 : memref<40x128xf32, #tpu.memory_space<vmem>>)
      %dma_wait3A_899 = arith.constant 0 : i32
      %dma_wait3A_900 = arith.constant 0 : i32
      %dma_wait3A_901 = tpu.memref_slice %arg5[%dma_wait3A_899, %dma_wait3A_900] : memref<10000x128xf32, #tpu.memory_space<vmem_shared>> -> memref<10000x128xf32, #tpu.memory_space<vmem_shared>>
      tpu.wait_indirect_dma semaphore(%arg32 : memref<!tpu.dma_semaphore, #tpu.memory_space<semaphore_mem>>) src(%arg16 : memref<40x128xf32, #tpu.memory_space<vmem>>) dst(%dma_wait3A_901 : memref<10000x128xf32, #tpu.memory_space<vmem_shared>>)
      %dma_start3A_902 = arith.constant 0 : i32
      %dma_start3A_903 = arith.constant 0 : i32
      %dma_start3A_904 = tpu.memref_slice %arg5[%dma_start3A_902, %dma_start3A_903] : memref<10000x128xf32, #tpu.memory_space<vmem_shared>> -> memref<10000x128xf32, #tpu.memory_space<vmem_shared>>
      tpu.enqueue_indirect_dma source(%arg17 : memref<40x128xf32, #tpu.memory_space<vmem>>) target(%dma_start3A_904 : memref<10000x128xf32, #tpu.memory_space<vmem_shared>>) offsets(%arg9 : memref<40xi32, #tpu.memory_space<vmem>>) semaphore(%arg33 : memref<!tpu.dma_semaphore, #tpu.memory_space<semaphore_mem>>) {add = true}
      %add3A_905 = arith.constant 8 : i32
      %add3A_906 = arith.addi %add3A_886, %add3A_905 : i32
      %sub3A_907 = arith.constant 1 : i32
      %sub3A_908 = arith.subi %add3A_906, %sub3A_907 : i32
      %lt3A_909 = arith.constant 250 : i32
      %lt3A_910 = arith.cmpi slt, %sub3A_908, %lt3A_909 : i32
      %convert_element_type3A_911 = arith.extui %lt3A_910 : i1 to i32
      %cond3A_912 = arith.constant 0 : i32
      %cond3A_913 = arith.cmpi ne, %convert_element_type3A_911, %cond3A_912 : i32
      scf.if %cond3A_913 {
        %add3A_1038 = arith.constant 8 : i32
        %add3A_1039 = arith.addi %add3A_886, %add3A_1038 : i32
        %sub3A_1040 = arith.constant 1 : i32
        %sub3A_1041 = arith.subi %add3A_1039, %sub3A_1040 : i32
        %mul3A_1042 = arith.constant 40 : i32
        %mul3A_1043 = arith.muli %sub3A_1041, %mul3A_1042 : i32
        %add3A_1044 = arith.addi %mul3A_2, %mul3A_1043 : i32
        %multiple_of3A_1045 = tpu.assume_multiple %add3A_1044, 8 : i32
        %add3A_1046 = arith.constant 320000 : i32
        %add3A_1047 = arith.addi %add3A_1046, %multiple_of3A_1045 : i32
        %dma_start3A_1048 = tpu.memref_slice %arg3[%add3A_1047] : memref<640000xi32, #tpu.memory_space<hbm>> -> memref<40xi32, #tpu.memory_space<hbm>>
        %dma_start3A_1049 = tpu.memref_slice %arg3[%add3A_1047] : memref<640000xi32, #tpu.memory_space<hbm>> -> memref<40xi32, #tpu.memory_space<hbm>>
        tpu.enqueue_dma source(%dma_start3A_1049 : memref<40xi32, #tpu.memory_space<hbm>>) target(%arg8 : memref<40xi32, #tpu.memory_space<vmem>>) target_semaphore(%arg24 : memref<!tpu.dma_semaphore, #tpu.memory_space<semaphore_mem>>)
        %dma_start3A_1050 = arith.constant 0 : i32
        %dma_start3A_1051 = tpu.memref_slice %arg2[%multiple_of3A_1045, %dma_start3A_1050] : memref<320000x128xf32, #tpu.memory_space<hbm>> -> memref<40x128xf32, #tpu.memory_space<hbm>>
        %dma_start3A_1052 = arith.constant 0 : i32
        %dma_start3A_1053 = tpu.memref_slice %arg2[%multiple_of3A_1045, %dma_start3A_1052] : memref<320000x128xf32, #tpu.memory_space<hbm>> -> memref<40x128xf32, #tpu.memory_space<hbm>>
        tpu.enqueue_dma source(%dma_start3A_1053 : memref<40x128xf32, #tpu.memory_space<hbm>>) target(%arg16 : memref<40x128xf32, #tpu.memory_space<vmem>>) target_semaphore(%arg24 : memref<!tpu.dma_semaphore, #tpu.memory_space<semaphore_mem>>)
      } else {
      }
      %mul3A_914 = arith.constant 8 : i32
      %mul3A_915 = arith.muli %mul3A_914, %scan3A_790 : i32
      %add3A_916 = arith.constant 4 : i32
      %add3A_917 = arith.addi %mul3A_915, %add3A_916 : i32
      %mul3A_918 = arith.constant 40 : i32
      %mul3A_919 = arith.muli %add3A_917, %mul3A_918 : i32
      %add3A_920 = arith.addi %mul3A_2, %mul3A_919 : i32
      %multiple_of3A_921 = tpu.assume_multiple %add3A_920, 8 : i32
      %add3A_922 = arith.constant 320000 : i32
      %add3A_923 = arith.addi %add3A_922, %multiple_of3A_921 : i32
      %dma_wait3A_924 = tpu.memref_slice %arg3[%add3A_923] : memref<640000xi32, #tpu.memory_space<hbm>> -> memref<40xi32, #tpu.memory_space<hbm>>
      %dma_wait3A_925 = tpu.memref_slice %arg3[%add3A_923] : memref<640000xi32, #tpu.memory_space<hbm>> -> memref<40xi32, #tpu.memory_space<hbm>>
      tpu.wait_dma2 semaphore(%arg26 : memref<!tpu.dma_semaphore, #tpu.memory_space<semaphore_mem>>) src(%dma_wait3A_925 : memref<40xi32, #tpu.memory_space<hbm>>) dst(%arg10 : memref<40xi32, #tpu.memory_space<vmem>>)
      %dma_wait3A_926 = arith.constant 0 : i32
      %dma_wait3A_927 = tpu.memref_slice %arg2[%multiple_of3A_921, %dma_wait3A_926] : memref<320000x128xf32, #tpu.memory_space<hbm>> -> memref<40x128xf32, #tpu.memory_space<hbm>>
      %dma_wait3A_928 = arith.constant 0 : i32
      %dma_wait3A_929 = tpu.memref_slice %arg2[%multiple_of3A_921, %dma_wait3A_928] : memref<320000x128xf32, #tpu.memory_space<hbm>> -> memref<40x128xf32, #tpu.memory_space<hbm>>
      tpu.wait_dma2 semaphore(%arg26 : memref<!tpu.dma_semaphore, #tpu.memory_space<semaphore_mem>>) src(%dma_wait3A_929 : memref<40x128xf32, #tpu.memory_space<hbm>>) dst(%arg18 : memref<40x128xf32, #tpu.memory_space<vmem>>)
      %dma_wait3A_930 = arith.constant 0 : i32
      %dma_wait3A_931 = arith.constant 0 : i32
      %dma_wait3A_932 = tpu.memref_slice %arg5[%dma_wait3A_930, %dma_wait3A_931] : memref<10000x128xf32, #tpu.memory_space<vmem_shared>> -> memref<10000x128xf32, #tpu.memory_space<vmem_shared>>
      tpu.wait_indirect_dma semaphore(%arg33 : memref<!tpu.dma_semaphore, #tpu.memory_space<semaphore_mem>>) src(%arg17 : memref<40x128xf32, #tpu.memory_space<vmem>>) dst(%dma_wait3A_932 : memref<10000x128xf32, #tpu.memory_space<vmem_shared>>)
      %dma_start3A_933 = arith.constant 0 : i32
      %dma_start3A_934 = arith.constant 0 : i32
      %dma_start3A_935 = tpu.memref_slice %arg5[%dma_start3A_933, %dma_start3A_934] : memref<10000x128xf32, #tpu.memory_space<vmem_shared>> -> memref<10000x128xf32, #tpu.memory_space<vmem_shared>>
      tpu.enqueue_indirect_dma source(%arg18 : memref<40x128xf32, #tpu.memory_space<vmem>>) target(%dma_start3A_935 : memref<10000x128xf32, #tpu.memory_space<vmem_shared>>) offsets(%arg10 : memref<40xi32, #tpu.memory_space<vmem>>) semaphore(%arg34 : memref<!tpu.dma_semaphore, #tpu.memory_space<semaphore_mem>>) {add = true}
      %add3A_936 = arith.constant 8 : i32
      %add3A_937 = arith.addi %add3A_917, %add3A_936 : i32
      %sub3A_938 = arith.constant 1 : i32
      %sub3A_939 = arith.subi %add3A_937, %sub3A_938 : i32
      %lt3A_940 = arith.constant 250 : i32
      %lt3A_941 = arith.cmpi slt, %sub3A_939, %lt3A_940 : i32
      %convert_element_type3A_942 = arith.extui %lt3A_941 : i1 to i32
      %cond3A_943 = arith.constant 0 : i32
      %cond3A_944 = arith.cmpi ne, %convert_element_type3A_942, %cond3A_943 : i32
      scf.if %cond3A_944 {
        %add3A_1038 = arith.constant 8 : i32
        %add3A_1039 = arith.addi %add3A_917, %add3A_1038 : i32
        %sub3A_1040 = arith.constant 1 : i32
        %sub3A_1041 = arith.subi %add3A_1039, %sub3A_1040 : i32
        %mul3A_1042 = arith.constant 40 : i32
        %mul3A_1043 = arith.muli %sub3A_1041, %mul3A_1042 : i32
        %add3A_1044 = arith.addi %mul3A_2, %mul3A_1043 : i32
        %multiple_of3A_1045 = tpu.assume_multiple %add3A_1044, 8 : i32
        %add3A_1046 = arith.constant 320000 : i32
        %add3A_1047 = arith.addi %add3A_1046, %multiple_of3A_1045 : i32
        %dma_start3A_1048 = tpu.memref_slice %arg3[%add3A_1047] : memref<640000xi32, #tpu.memory_space<hbm>> -> memref<40xi32, #tpu.memory_space<hbm>>
        %dma_start3A_1049 = tpu.memref_slice %arg3[%add3A_1047] : memref<640000xi32, #tpu.memory_space<hbm>> -> memref<40xi32, #tpu.memory_space<hbm>>
        tpu.enqueue_dma source(%dma_start3A_1049 : memref<40xi32, #tpu.memory_space<hbm>>) target(%arg9 : memref<40xi32, #tpu.memory_space<vmem>>) target_semaphore(%arg25 : memref<!tpu.dma_semaphore, #tpu.memory_space<semaphore_mem>>)
        %dma_start3A_1050 = arith.constant 0 : i32
        %dma_start3A_1051 = tpu.memref_slice %arg2[%multiple_of3A_1045, %dma_start3A_1050] : memref<320000x128xf32, #tpu.memory_space<hbm>> -> memref<40x128xf32, #tpu.memory_space<hbm>>
        %dma_start3A_1052 = arith.constant 0 : i32
        %dma_start3A_1053 = tpu.memref_slice %arg2[%multiple_of3A_1045, %dma_start3A_1052] : memref<320000x128xf32, #tpu.memory_space<hbm>> -> memref<40x128xf32, #tpu.memory_space<hbm>>
        tpu.enqueue_dma source(%dma_start3A_1053 : memref<40x128xf32, #tpu.memory_space<hbm>>) target(%arg17 : memref<40x128xf32, #tpu.memory_space<vmem>>) target_semaphore(%arg25 : memref<!tpu.dma_semaphore, #tpu.memory_space<semaphore_mem>>)
      } else {
      }
      %mul3A_945 = arith.constant 8 : i32
      %mul3A_946 = arith.muli %mul3A_945, %scan3A_790 : i32
      %add3A_947 = arith.constant 5 : i32
      %add3A_948 = arith.addi %mul3A_946, %add3A_947 : i32
      %mul3A_949 = arith.constant 40 : i32
      %mul3A_950 = arith.muli %add3A_948, %mul3A_949 : i32
      %add3A_951 = arith.addi %mul3A_2, %mul3A_950 : i32
      %multiple_of3A_952 = tpu.assume_multiple %add3A_951, 8 : i32
      %add3A_953 = arith.constant 320000 : i32
      %add3A_954 = arith.addi %add3A_953, %multiple_of3A_952 : i32
      %dma_wait3A_955 = tpu.memref_slice %arg3[%add3A_954] : memref<640000xi32, #tpu.memory_space<hbm>> -> memref<40xi32, #tpu.memory_space<hbm>>
      %dma_wait3A_956 = tpu.memref_slice %arg3[%add3A_954] : memref<640000xi32, #tpu.memory_space<hbm>> -> memref<40xi32, #tpu.memory_space<hbm>>
      tpu.wait_dma2 semaphore(%arg27 : memref<!tpu.dma_semaphore, #tpu.memory_space<semaphore_mem>>) src(%dma_wait3A_956 : memref<40xi32, #tpu.memory_space<hbm>>) dst(%arg11 : memref<40xi32, #tpu.memory_space<vmem>>)
      %dma_wait3A_957 = arith.constant 0 : i32
      %dma_wait3A_958 = tpu.memref_slice %arg2[%multiple_of3A_952, %dma_wait3A_957] : memref<320000x128xf32, #tpu.memory_space<hbm>> -> memref<40x128xf32, #tpu.memory_space<hbm>>
      %dma_wait3A_959 = arith.constant 0 : i32
      %dma_wait3A_960 = tpu.memref_slice %arg2[%multiple_of3A_952, %dma_wait3A_959] : memref<320000x128xf32, #tpu.memory_space<hbm>> -> memref<40x128xf32, #tpu.memory_space<hbm>>
      tpu.wait_dma2 semaphore(%arg27 : memref<!tpu.dma_semaphore, #tpu.memory_space<semaphore_mem>>) src(%dma_wait3A_960 : memref<40x128xf32, #tpu.memory_space<hbm>>) dst(%arg19 : memref<40x128xf32, #tpu.memory_space<vmem>>)
      %dma_wait3A_961 = arith.constant 0 : i32
      %dma_wait3A_962 = arith.constant 0 : i32
      %dma_wait3A_963 = tpu.memref_slice %arg5[%dma_wait3A_961, %dma_wait3A_962] : memref<10000x128xf32, #tpu.memory_space<vmem_shared>> -> memref<10000x128xf32, #tpu.memory_space<vmem_shared>>
      tpu.wait_indirect_dma semaphore(%arg34 : memref<!tpu.dma_semaphore, #tpu.memory_space<semaphore_mem>>) src(%arg18 : memref<40x128xf32, #tpu.memory_space<vmem>>) dst(%dma_wait3A_963 : memref<10000x128xf32, #tpu.memory_space<vmem_shared>>)
      %dma_start3A_964 = arith.constant 0 : i32
      %dma_start3A_965 = arith.constant 0 : i32
      %dma_start3A_966 = tpu.memref_slice %arg5[%dma_start3A_964, %dma_start3A_965] : memref<10000x128xf32, #tpu.memory_space<vmem_shared>> -> memref<10000x128xf32, #tpu.memory_space<vmem_shared>>
      tpu.enqueue_indirect_dma source(%arg19 : memref<40x128xf32, #tpu.memory_space<vmem>>) target(%dma_start3A_966 : memref<10000x128xf32, #tpu.memory_space<vmem_shared>>) offsets(%arg11 : memref<40xi32, #tpu.memory_space<vmem>>) semaphore(%arg35 : memref<!tpu.dma_semaphore, #tpu.memory_space<semaphore_mem>>) {add = true}
      %add3A_967 = arith.constant 8 : i32
      %add3A_968 = arith.addi %add3A_948, %add3A_967 : i32
      %sub3A_969 = arith.constant 1 : i32
      %sub3A_970 = arith.subi %add3A_968, %sub3A_969 : i32
      %lt3A_971 = arith.constant 250 : i32
      %lt3A_972 = arith.cmpi slt, %sub3A_970, %lt3A_971 : i32
      %convert_element_type3A_973 = arith.extui %lt3A_972 : i1 to i32
      %cond3A_974 = arith.constant 0 : i32
      %cond3A_975 = arith.cmpi ne, %convert_element_type3A_973, %cond3A_974 : i32
      scf.if %cond3A_975 {
        %add3A_1038 = arith.constant 8 : i32
        %add3A_1039 = arith.addi %add3A_948, %add3A_1038 : i32
        %sub3A_1040 = arith.constant 1 : i32
        %sub3A_1041 = arith.subi %add3A_1039, %sub3A_1040 : i32
        %mul3A_1042 = arith.constant 40 : i32
        %mul3A_1043 = arith.muli %sub3A_1041, %mul3A_1042 : i32
        %add3A_1044 = arith.addi %mul3A_2, %mul3A_1043 : i32
        %multiple_of3A_1045 = tpu.assume_multiple %add3A_1044, 8 : i32
        %add3A_1046 = arith.constant 320000 : i32
        %add3A_1047 = arith.addi %add3A_1046, %multiple_of3A_1045 : i32
        %dma_start3A_1048 = tpu.memref_slice %arg3[%add3A_1047] : memref<640000xi32, #tpu.memory_space<hbm>> -> memref<40xi32, #tpu.memory_space<hbm>>
        %dma_start3A_1049 = tpu.memref_slice %arg3[%add3A_1047] : memref<640000xi32, #tpu.memory_space<hbm>> -> memref<40xi32, #tpu.memory_space<hbm>>
        tpu.enqueue_dma source(%dma_start3A_1049 : memref<40xi32, #tpu.memory_space<hbm>>) target(%arg10 : memref<40xi32, #tpu.memory_space<vmem>>) target_semaphore(%arg26 : memref<!tpu.dma_semaphore, #tpu.memory_space<semaphore_mem>>)
        %dma_start3A_1050 = arith.constant 0 : i32
        %dma_start3A_1051 = tpu.memref_slice %arg2[%multiple_of3A_1045, %dma_start3A_1050] : memref<320000x128xf32, #tpu.memory_space<hbm>> -> memref<40x128xf32, #tpu.memory_space<hbm>>
        %dma_start3A_1052 = arith.constant 0 : i32
        %dma_start3A_1053 = tpu.memref_slice %arg2[%multiple_of3A_1045, %dma_start3A_1052] : memref<320000x128xf32, #tpu.memory_space<hbm>> -> memref<40x128xf32, #tpu.memory_space<hbm>>
        tpu.enqueue_dma source(%dma_start3A_1053 : memref<40x128xf32, #tpu.memory_space<hbm>>) target(%arg18 : memref<40x128xf32, #tpu.memory_space<vmem>>) target_semaphore(%arg26 : memref<!tpu.dma_semaphore, #tpu.memory_space<semaphore_mem>>)
      } else {
      }
      %mul3A_976 = arith.constant 8 : i32
      %mul3A_977 = arith.muli %mul3A_976, %scan3A_790 : i32
      %add3A_978 = arith.constant 6 : i32
      %add3A_979 = arith.addi %mul3A_977, %add3A_978 : i32
      %mul3A_980 = arith.constant 40 : i32
      %mul3A_981 = arith.muli %add3A_979, %mul3A_980 : i32
      %add3A_982 = arith.addi %mul3A_2, %mul3A_981 : i32
      %multiple_of3A_983 = tpu.assume_multiple %add3A_982, 8 : i32
      %add3A_984 = arith.constant 320000 : i32
      %add3A_985 = arith.addi %add3A_984, %multiple_of3A_983 : i32
      %dma_wait3A_986 = tpu.memref_slice %arg3[%add3A_985] : memref<640000xi32, #tpu.memory_space<hbm>> -> memref<40xi32, #tpu.memory_space<hbm>>
      %dma_wait3A_987 = tpu.memref_slice %arg3[%add3A_985] : memref<640000xi32, #tpu.memory_space<hbm>> -> memref<40xi32, #tpu.memory_space<hbm>>
      tpu.wait_dma2 semaphore(%arg28 : memref<!tpu.dma_semaphore, #tpu.memory_space<semaphore_mem>>) src(%dma_wait3A_987 : memref<40xi32, #tpu.memory_space<hbm>>) dst(%arg12 : memref<40xi32, #tpu.memory_space<vmem>>)
      %dma_wait3A_988 = arith.constant 0 : i32
      %dma_wait3A_989 = tpu.memref_slice %arg2[%multiple_of3A_983, %dma_wait3A_988] : memref<320000x128xf32, #tpu.memory_space<hbm>> -> memref<40x128xf32, #tpu.memory_space<hbm>>
      %dma_wait3A_990 = arith.constant 0 : i32
      %dma_wait3A_991 = tpu.memref_slice %arg2[%multiple_of3A_983, %dma_wait3A_990] : memref<320000x128xf32, #tpu.memory_space<hbm>> -> memref<40x128xf32, #tpu.memory_space<hbm>>
      tpu.wait_dma2 semaphore(%arg28 : memref<!tpu.dma_semaphore, #tpu.memory_space<semaphore_mem>>) src(%dma_wait3A_991 : memref<40x128xf32, #tpu.memory_space<hbm>>) dst(%arg20 : memref<40x128xf32, #tpu.memory_space<vmem>>)
      %dma_wait3A_992 = arith.constant 0 : i32
      %dma_wait3A_993 = arith.constant 0 : i32
      %dma_wait3A_994 = tpu.memref_slice %arg5[%dma_wait3A_992, %dma_wait3A_993] : memref<10000x128xf32, #tpu.memory_space<vmem_shared>> -> memref<10000x128xf32, #tpu.memory_space<vmem_shared>>
      tpu.wait_indirect_dma semaphore(%arg35 : memref<!tpu.dma_semaphore, #tpu.memory_space<semaphore_mem>>) src(%arg19 : memref<40x128xf32, #tpu.memory_space<vmem>>) dst(%dma_wait3A_994 : memref<10000x128xf32, #tpu.memory_space<vmem_shared>>)
      %dma_start3A_995 = arith.constant 0 : i32
      %dma_start3A_996 = arith.constant 0 : i32
      %dma_start3A_997 = tpu.memref_slice %arg5[%dma_start3A_995, %dma_start3A_996] : memref<10000x128xf32, #tpu.memory_space<vmem_shared>> -> memref<10000x128xf32, #tpu.memory_space<vmem_shared>>
      tpu.enqueue_indirect_dma source(%arg20 : memref<40x128xf32, #tpu.memory_space<vmem>>) target(%dma_start3A_997 : memref<10000x128xf32, #tpu.memory_space<vmem_shared>>) offsets(%arg12 : memref<40xi32, #tpu.memory_space<vmem>>) semaphore(%arg36 : memref<!tpu.dma_semaphore, #tpu.memory_space<semaphore_mem>>) {add = true}
      %add3A_998 = arith.constant 8 : i32
      %add3A_999 = arith.addi %add3A_979, %add3A_998 : i32
      %sub3A_1000 = arith.constant 1 : i32
      %sub3A_1001 = arith.subi %add3A_999, %sub3A_1000 : i32
      %lt3A_1002 = arith.constant 250 : i32
      %lt3A_1003 = arith.cmpi slt, %sub3A_1001, %lt3A_1002 : i32
      %convert_element_type3A_1004 = arith.extui %lt3A_1003 : i1 to i32
      %cond3A_1005 = arith.constant 0 : i32
      %cond3A_1006 = arith.cmpi ne, %convert_element_type3A_1004, %cond3A_1005 : i32
      scf.if %cond3A_1006 {
        %add3A_1038 = arith.constant 8 : i32
        %add3A_1039 = arith.addi %add3A_979, %add3A_1038 : i32
        %sub3A_1040 = arith.constant 1 : i32
        %sub3A_1041 = arith.subi %add3A_1039, %sub3A_1040 : i32
        %mul3A_1042 = arith.constant 40 : i32
        %mul3A_1043 = arith.muli %sub3A_1041, %mul3A_1042 : i32
        %add3A_1044 = arith.addi %mul3A_2, %mul3A_1043 : i32
        %multiple_of3A_1045 = tpu.assume_multiple %add3A_1044, 8 : i32
        %add3A_1046 = arith.constant 320000 : i32
        %add3A_1047 = arith.addi %add3A_1046, %multiple_of3A_1045 : i32
        %dma_start3A_1048 = tpu.memref_slice %arg3[%add3A_1047] : memref<640000xi32, #tpu.memory_space<hbm>> -> memref<40xi32, #tpu.memory_space<hbm>>
        %dma_start3A_1049 = tpu.memref_slice %arg3[%add3A_1047] : memref<640000xi32, #tpu.memory_space<hbm>> -> memref<40xi32, #tpu.memory_space<hbm>>
        tpu.enqueue_dma source(%dma_start3A_1049 : memref<40xi32, #tpu.memory_space<hbm>>) target(%arg11 : memref<40xi32, #tpu.memory_space<vmem>>) target_semaphore(%arg27 : memref<!tpu.dma_semaphore, #tpu.memory_space<semaphore_mem>>)
        %dma_start3A_1050 = arith.constant 0 : i32
        %dma_start3A_1051 = tpu.memref_slice %arg2[%multiple_of3A_1045, %dma_start3A_1050] : memref<320000x128xf32, #tpu.memory_space<hbm>> -> memref<40x128xf32, #tpu.memory_space<hbm>>
        %dma_start3A_1052 = arith.constant 0 : i32
        %dma_start3A_1053 = tpu.memref_slice %arg2[%multiple_of3A_1045, %dma_start3A_1052] : memref<320000x128xf32, #tpu.memory_space<hbm>> -> memref<40x128xf32, #tpu.memory_space<hbm>>
        tpu.enqueue_dma source(%dma_start3A_1053 : memref<40x128xf32, #tpu.memory_space<hbm>>) target(%arg19 : memref<40x128xf32, #tpu.memory_space<vmem>>) target_semaphore(%arg27 : memref<!tpu.dma_semaphore, #tpu.memory_space<semaphore_mem>>)
      } else {
      }
      %mul3A_1007 = arith.constant 8 : i32
      %mul3A_1008 = arith.muli %mul3A_1007, %scan3A_790 : i32
      %add3A_1009 = arith.constant 7 : i32
      %add3A_1010 = arith.addi %mul3A_1008, %add3A_1009 : i32
      %mul3A_1011 = arith.constant 40 : i32
      %mul3A_1012 = arith.muli %add3A_1010, %mul3A_1011 : i32
      %add3A_1013 = arith.addi %mul3A_2, %mul3A_1012 : i32
      %multiple_of3A_1014 = tpu.assume_multiple %add3A_1013, 8 : i32
      %add3A_1015 = arith.constant 320000 : i32
      %add3A_1016 = arith.addi %add3A_1015, %multiple_of3A_1014 : i32
      %dma_wait3A_1017 = tpu.memref_slice %arg3[%add3A_1016] : memref<640000xi32, #tpu.memory_space<hbm>> -> memref<40xi32, #tpu.memory_space<hbm>>
      %dma_wait3A_1018 = tpu.memref_slice %arg3[%add3A_1016] : memref<640000xi32, #tpu.memory_space<hbm>> -> memref<40xi32, #tpu.memory_space<hbm>>
      tpu.wait_dma2 semaphore(%arg29 : memref<!tpu.dma_semaphore, #tpu.memory_space<semaphore_mem>>) src(%dma_wait3A_1018 : memref<40xi32, #tpu.memory_space<hbm>>) dst(%arg13 : memref<40xi32, #tpu.memory_space<vmem>>)
      %dma_wait3A_1019 = arith.constant 0 : i32
      %dma_wait3A_1020 = tpu.memref_slice %arg2[%multiple_of3A_1014, %dma_wait3A_1019] : memref<320000x128xf32, #tpu.memory_space<hbm>> -> memref<40x128xf32, #tpu.memory_space<hbm>>
      %dma_wait3A_1021 = arith.constant 0 : i32
      %dma_wait3A_1022 = tpu.memref_slice %arg2[%multiple_of3A_1014, %dma_wait3A_1021] : memref<320000x128xf32, #tpu.memory_space<hbm>> -> memref<40x128xf32, #tpu.memory_space<hbm>>
      tpu.wait_dma2 semaphore(%arg29 : memref<!tpu.dma_semaphore, #tpu.memory_space<semaphore_mem>>) src(%dma_wait3A_1022 : memref<40x128xf32, #tpu.memory_space<hbm>>) dst(%arg21 : memref<40x128xf32, #tpu.memory_space<vmem>>)
      %dma_wait3A_1023 = arith.constant 0 : i32
      %dma_wait3A_1024 = arith.constant 0 : i32
      %dma_wait3A_1025 = tpu.memref_slice %arg5[%dma_wait3A_1023, %dma_wait3A_1024] : memref<10000x128xf32, #tpu.memory_space<vmem_shared>> -> memref<10000x128xf32, #tpu.memory_space<vmem_shared>>
      tpu.wait_indirect_dma semaphore(%arg36 : memref<!tpu.dma_semaphore, #tpu.memory_space<semaphore_mem>>) src(%arg20 : memref<40x128xf32, #tpu.memory_space<vmem>>) dst(%dma_wait3A_1025 : memref<10000x128xf32, #tpu.memory_space<vmem_shared>>)
      %dma_start3A_1026 = arith.constant 0 : i32
      %dma_start3A_1027 = arith.constant 0 : i32
      %dma_start3A_1028 = tpu.memref_slice %arg5[%dma_start3A_1026, %dma_start3A_1027] : memref<10000x128xf32, #tpu.memory_space<vmem_shared>> -> memref<10000x128xf32, #tpu.memory_space<vmem_shared>>
      tpu.enqueue_indirect_dma source(%arg21 : memref<40x128xf32, #tpu.memory_space<vmem>>) target(%dma_start3A_1028 : memref<10000x128xf32, #tpu.memory_space<vmem_shared>>) offsets(%arg13 : memref<40xi32, #tpu.memory_space<vmem>>) semaphore(%arg37 : memref<!tpu.dma_semaphore, #tpu.memory_space<semaphore_mem>>) {add = true}
      %add3A_1029 = arith.constant 8 : i32
      %add3A_1030 = arith.addi %add3A_1010, %add3A_1029 : i32
      %sub3A_1031 = arith.constant 1 : i32
      %sub3A_1032 = arith.subi %add3A_1030, %sub3A_1031 : i32
      %lt3A_1033 = arith.constant 250 : i32
      %lt3A_1034 = arith.cmpi slt, %sub3A_1032, %lt3A_1033 : i32
      %convert_element_type3A_1035 = arith.extui %lt3A_1034 : i1 to i32
      %cond3A_1036 = arith.constant 0 : i32
      %cond3A_1037 = arith.cmpi ne, %convert_element_type3A_1035, %cond3A_1036 : i32
      scf.if %cond3A_1037 {
        %add3A_1038 = arith.constant 8 : i32
        %add3A_1039 = arith.addi %add3A_1010, %add3A_1038 : i32
        %sub3A_1040 = arith.constant 1 : i32
        %sub3A_1041 = arith.subi %add3A_1039, %sub3A_1040 : i32
        %mul3A_1042 = arith.constant 40 : i32
        %mul3A_1043 = arith.muli %sub3A_1041, %mul3A_1042 : i32
        %add3A_1044 = arith.addi %mul3A_2, %mul3A_1043 : i32
        %multiple_of3A_1045 = tpu.assume_multiple %add3A_1044, 8 : i32
        %add3A_1046 = arith.constant 320000 : i32
        %add3A_1047 = arith.addi %add3A_1046, %multiple_of3A_1045 : i32
        %dma_start3A_1048 = tpu.memref_slice %arg3[%add3A_1047] : memref<640000xi32, #tpu.memory_space<hbm>> -> memref<40xi32, #tpu.memory_space<hbm>>
        %dma_start3A_1049 = tpu.memref_slice %arg3[%add3A_1047] : memref<640000xi32, #tpu.memory_space<hbm>> -> memref<40xi32, #tpu.memory_space<hbm>>
        tpu.enqueue_dma source(%dma_start3A_1049 : memref<40xi32, #tpu.memory_space<hbm>>) target(%arg12 : memref<40xi32, #tpu.memory_space<vmem>>) target_semaphore(%arg28 : memref<!tpu.dma_semaphore, #tpu.memory_space<semaphore_mem>>)
        %dma_start3A_1050 = arith.constant 0 : i32
        %dma_start3A_1051 = tpu.memref_slice %arg2[%multiple_of3A_1045, %dma_start3A_1050] : memref<320000x128xf32, #tpu.memory_space<hbm>> -> memref<40x128xf32, #tpu.memory_space<hbm>>
        %dma_start3A_1052 = arith.constant 0 : i32
        %dma_start3A_1053 = tpu.memref_slice %arg2[%multiple_of3A_1045, %dma_start3A_1052] : memref<320000x128xf32, #tpu.memory_space<hbm>> -> memref<40x128xf32, #tpu.memory_space<hbm>>
        tpu.enqueue_dma source(%dma_start3A_1053 : memref<40x128xf32, #tpu.memory_space<hbm>>) target(%arg20 : memref<40x128xf32, #tpu.memory_space<vmem>>) target_semaphore(%arg28 : memref<!tpu.dma_semaphore, #tpu.memory_space<semaphore_mem>>)
      } else {
      }
    }
    %scan3A_527 = arith.constant 30 : i32
    %add3A_528 = arith.constant 9920 : i32
    %add3A_529 = arith.addi %mul3A_2, %add3A_528 : i32
    %multiple_of3A_530 = tpu.assume_multiple %add3A_529, 8 : i32
    %add3A_531 = arith.constant 320000 : i32
    %add3A_532 = arith.addi %add3A_531, %multiple_of3A_530 : i32
    %dma_wait3A_533 = tpu.memref_slice %arg3[%add3A_532] : memref<640000xi32, #tpu.memory_space<hbm>> -> memref<40xi32, #tpu.memory_space<hbm>>
    %dma_wait3A_534 = tpu.memref_slice %arg3[%add3A_532] : memref<640000xi32, #tpu.memory_space<hbm>> -> memref<40xi32, #tpu.memory_space<hbm>>
    tpu.wait_dma2 semaphore(%arg22 : memref<!tpu.dma_semaphore, #tpu.memory_space<semaphore_mem>>) src(%dma_wait3A_534 : memref<40xi32, #tpu.memory_space<hbm>>) dst(%arg6 : memref<40xi32, #tpu.memory_space<vmem>>)
    %dma_wait3A_535 = arith.constant 0 : i32
    %dma_wait3A_536 = tpu.memref_slice %arg2[%multiple_of3A_530, %dma_wait3A_535] : memref<320000x128xf32, #tpu.memory_space<hbm>> -> memref<40x128xf32, #tpu.memory_space<hbm>>
    %dma_wait3A_537 = arith.constant 0 : i32
    %dma_wait3A_538 = tpu.memref_slice %arg2[%multiple_of3A_530, %dma_wait3A_537] : memref<320000x128xf32, #tpu.memory_space<hbm>> -> memref<40x128xf32, #tpu.memory_space<hbm>>
    tpu.wait_dma2 semaphore(%arg22 : memref<!tpu.dma_semaphore, #tpu.memory_space<semaphore_mem>>) src(%dma_wait3A_538 : memref<40x128xf32, #tpu.memory_space<hbm>>) dst(%arg14 : memref<40x128xf32, #tpu.memory_space<vmem>>)
    %dma_wait3A_539 = arith.constant 0 : i32
    %dma_wait3A_540 = arith.constant 0 : i32
    %dma_wait3A_541 = tpu.memref_slice %arg5[%dma_wait3A_539, %dma_wait3A_540] : memref<10000x128xf32, #tpu.memory_space<vmem_shared>> -> memref<10000x128xf32, #tpu.memory_space<vmem_shared>>
    tpu.wait_indirect_dma semaphore(%arg37 : memref<!tpu.dma_semaphore, #tpu.memory_space<semaphore_mem>>) src(%arg21 : memref<40x128xf32, #tpu.memory_space<vmem>>) dst(%dma_wait3A_541 : memref<10000x128xf32, #tpu.memory_space<vmem_shared>>)
    %dma_start3A_542 = arith.constant 0 : i32
    %dma_start3A_543 = arith.constant 0 : i32
    %dma_start3A_544 = tpu.memref_slice %arg5[%dma_start3A_542, %dma_start3A_543] : memref<10000x128xf32, #tpu.memory_space<vmem_shared>> -> memref<10000x128xf32, #tpu.memory_space<vmem_shared>>
    tpu.enqueue_indirect_dma source(%arg14 : memref<40x128xf32, #tpu.memory_space<vmem>>) target(%dma_start3A_544 : memref<10000x128xf32, #tpu.memory_space<vmem_shared>>) offsets(%arg6 : memref<40xi32, #tpu.memory_space<vmem>>) semaphore(%arg30 : memref<!tpu.dma_semaphore, #tpu.memory_space<semaphore_mem>>) {add = true}
    %add3A_545 = arith.constant 9960 : i32
    %add3A_546 = arith.addi %mul3A_2, %add3A_545 : i32
    %multiple_of3A_547 = tpu.assume_multiple %add3A_546, 8 : i32
    %add3A_548 = arith.constant 320000 : i32
    %add3A_549 = arith.addi %add3A_548, %multiple_of3A_547 : i32
    %dma_wait3A_550 = tpu.memref_slice %arg3[%add3A_549] : memref<640000xi32, #tpu.memory_space<hbm>> -> memref<40xi32, #tpu.memory_space<hbm>>
    %dma_wait3A_551 = tpu.memref_slice %arg3[%add3A_549] : memref<640000xi32, #tpu.memory_space<hbm>> -> memref<40xi32, #tpu.memory_space<hbm>>
    tpu.wait_dma2 semaphore(%arg23 : memref<!tpu.dma_semaphore, #tpu.memory_space<semaphore_mem>>) src(%dma_wait3A_551 : memref<40xi32, #tpu.memory_space<hbm>>) dst(%arg7 : memref<40xi32, #tpu.memory_space<vmem>>)
    %dma_wait3A_552 = arith.constant 0 : i32
    %dma_wait3A_553 = tpu.memref_slice %arg2[%multiple_of3A_547, %dma_wait3A_552] : memref<320000x128xf32, #tpu.memory_space<hbm>> -> memref<40x128xf32, #tpu.memory_space<hbm>>
    %dma_wait3A_554 = arith.constant 0 : i32
    %dma_wait3A_555 = tpu.memref_slice %arg2[%multiple_of3A_547, %dma_wait3A_554] : memref<320000x128xf32, #tpu.memory_space<hbm>> -> memref<40x128xf32, #tpu.memory_space<hbm>>
    tpu.wait_dma2 semaphore(%arg23 : memref<!tpu.dma_semaphore, #tpu.memory_space<semaphore_mem>>) src(%dma_wait3A_555 : memref<40x128xf32, #tpu.memory_space<hbm>>) dst(%arg15 : memref<40x128xf32, #tpu.memory_space<vmem>>)
    %dma_wait3A_556 = arith.constant 0 : i32
    %dma_wait3A_557 = arith.constant 0 : i32
    %dma_wait3A_558 = tpu.memref_slice %arg5[%dma_wait3A_556, %dma_wait3A_557] : memref<10000x128xf32, #tpu.memory_space<vmem_shared>> -> memref<10000x128xf32, #tpu.memory_space<vmem_shared>>
    tpu.wait_indirect_dma semaphore(%arg30 : memref<!tpu.dma_semaphore, #tpu.memory_space<semaphore_mem>>) src(%arg14 : memref<40x128xf32, #tpu.memory_space<vmem>>) dst(%dma_wait3A_558 : memref<10000x128xf32, #tpu.memory_space<vmem_shared>>)
    %dma_start3A_559 = arith.constant 0 : i32
    %dma_start3A_560 = arith.constant 0 : i32
    %dma_start3A_561 = tpu.memref_slice %arg5[%dma_start3A_559, %dma_start3A_560] : memref<10000x128xf32, #tpu.memory_space<vmem_shared>> -> memref<10000x128xf32, #tpu.memory_space<vmem_shared>>
    tpu.enqueue_indirect_dma source(%arg15 : memref<40x128xf32, #tpu.memory_space<vmem>>) target(%dma_start3A_561 : memref<10000x128xf32, #tpu.memory_space<vmem_shared>>) offsets(%arg7 : memref<40xi32, #tpu.memory_space<vmem>>) semaphore(%arg31 : memref<!tpu.dma_semaphore, #tpu.memory_space<semaphore_mem>>) {add = true}
    %dma_wait3A_562 = arith.constant 0 : i32
    %dma_wait3A_563 = arith.constant 0 : i32
    %dma_wait3A_564 = tpu.memref_slice %arg5[%dma_wait3A_562, %dma_wait3A_563] : memref<10000x128xf32, #tpu.memory_space<vmem_shared>> -> memref<10000x128xf32, #tpu.memory_space<vmem_shared>>
    tpu.wait_indirect_dma semaphore(%arg31 : memref<!tpu.dma_semaphore, #tpu.memory_space<semaphore_mem>>) src(%arg15 : memref<40x128xf32, #tpu.memory_space<vmem>>) dst(%dma_wait3A_564 : memref<10000x128xf32, #tpu.memory_space<vmem_shared>>)
    %barrier3A_565 = arith.constant 0 : index
    tpu.barrier barrier_id(%barrier3A_565)
    %add3A_566 = arith.constant 0 : i32
    %add3A_567 = arith.addi %add3A_566, %arg1 : i32
    %lt3A_568 = arith.constant 250 : i32
    %lt3A_569 = arith.cmpi slt, %add3A_567, %lt3A_568 : i32
    %convert_element_type3A_570 = arith.extui %lt3A_569 : i1 to i32
    %cond3A_571 = arith.constant 0 : i32
    %cond3A_572 = arith.cmpi ne, %convert_element_type3A_570, %cond3A_571 : i32
    scf.if %cond3A_572 {
      %mul3A_790 = arith.constant 40 : i32
      %mul3A_791 = arith.muli %add3A_567, %mul3A_790 : i32
      %mul3A_792 = arith.constant 40 : i32
      %mul3A_793 = arith.muli %add3A_567, %mul3A_792 : i32
      %dma_start3A_794 = arith.constant 0 : i32
      %dma_start3A_795 = tpu.memref_slice %arg4[%arg0, %mul3A_793, %dma_start3A_794] : memref<2x10000x128xf32, #tpu.memory_space<hbm>> -> memref<1x40x128xf32, #tpu.memory_space<hbm>>
      %dma_start3A_796 = tpu.memref_squeeze %dma_start3A_795 : memref<1x40x128xf32, #tpu.memory_space<hbm>> -> memref<40x128xf32, #tpu.memory_space<hbm>>
      %dma_start3A_797 = arith.constant 0 : i32
      %dma_start3A_798 = tpu.memref_slice %arg5[%mul3A_791, %dma_start3A_797] : memref<10000x128xf32, #tpu.memory_space<vmem_shared>> -> memref<40x128xf32, #tpu.memory_space<vmem_shared>>
      tpu.enqueue_dma source(%dma_start3A_798 : memref<40x128xf32, #tpu.memory_space<vmem_shared>>) target(%dma_start3A_796 : memref<40x128xf32, #tpu.memory_space<hbm>>) target_semaphore(%arg22 : memref<!tpu.dma_semaphore, #tpu.memory_space<semaphore_mem>>)
    } else {
    }
    %add3A_573 = arith.constant 16 : i32
    %add3A_574 = arith.addi %add3A_573, %arg1 : i32
    %lt3A_575 = arith.constant 250 : i32
    %lt3A_576 = arith.cmpi slt, %add3A_574, %lt3A_575 : i32
    %convert_element_type3A_577 = arith.extui %lt3A_576 : i1 to i32
    %cond3A_578 = arith.constant 0 : i32
    %cond3A_579 = arith.cmpi ne, %convert_element_type3A_577, %cond3A_578 : i32
    scf.if %cond3A_579 {
      %mul3A_790 = arith.constant 40 : i32
      %mul3A_791 = arith.muli %add3A_574, %mul3A_790 : i32
      %mul3A_792 = arith.constant 40 : i32
      %mul3A_793 = arith.muli %add3A_574, %mul3A_792 : i32
      %dma_start3A_794 = arith.constant 0 : i32
      %dma_start3A_795 = tpu.memref_slice %arg4[%arg0, %mul3A_793, %dma_start3A_794] : memref<2x10000x128xf32, #tpu.memory_space<hbm>> -> memref<1x40x128xf32, #tpu.memory_space<hbm>>
      %dma_start3A_796 = tpu.memref_squeeze %dma_start3A_795 : memref<1x40x128xf32, #tpu.memory_space<hbm>> -> memref<40x128xf32, #tpu.memory_space<hbm>>
      %dma_start3A_797 = arith.constant 0 : i32
      %dma_start3A_798 = tpu.memref_slice %arg5[%mul3A_791, %dma_start3A_797] : memref<10000x128xf32, #tpu.memory_space<vmem_shared>> -> memref<40x128xf32, #tpu.memory_space<vmem_shared>>
      tpu.enqueue_dma source(%dma_start3A_798 : memref<40x128xf32, #tpu.memory_space<vmem_shared>>) target(%dma_start3A_796 : memref<40x128xf32, #tpu.memory_space<hbm>>) target_semaphore(%arg23 : memref<!tpu.dma_semaphore, #tpu.memory_space<semaphore_mem>>)
    } else {
    }
    %add3A_580 = arith.constant 32 : i32
    %add3A_581 = arith.addi %add3A_580, %arg1 : i32
    %lt3A_582 = arith.constant 250 : i32
    %lt3A_583 = arith.cmpi slt, %add3A_581, %lt3A_582 : i32
    %convert_element_type3A_584 = arith.extui %lt3A_583 : i1 to i32
    %cond3A_585 = arith.constant 0 : i32
    %cond3A_586 = arith.cmpi ne, %convert_element_type3A_584, %cond3A_585 : i32
    scf.if %cond3A_586 {
      %mul3A_790 = arith.constant 40 : i32
      %mul3A_791 = arith.muli %add3A_581, %mul3A_790 : i32
      %mul3A_792 = arith.constant 40 : i32
      %mul3A_793 = arith.muli %add3A_581, %mul3A_792 : i32
      %dma_start3A_794 = arith.constant 0 : i32
      %dma_start3A_795 = tpu.memref_slice %arg4[%arg0, %mul3A_793, %dma_start3A_794] : memref<2x10000x128xf32, #tpu.memory_space<hbm>> -> memref<1x40x128xf32, #tpu.memory_space<hbm>>
      %dma_start3A_796 = tpu.memref_squeeze %dma_start3A_795 : memref<1x40x128xf32, #tpu.memory_space<hbm>> -> memref<40x128xf32, #tpu.memory_space<hbm>>
      %dma_start3A_797 = arith.constant 0 : i32
      %dma_start3A_798 = tpu.memref_slice %arg5[%mul3A_791, %dma_start3A_797] : memref<10000x128xf32, #tpu.memory_space<vmem_shared>> -> memref<40x128xf32, #tpu.memory_space<vmem_shared>>
      tpu.enqueue_dma source(%dma_start3A_798 : memref<40x128xf32, #tpu.memory_space<vmem_shared>>) target(%dma_start3A_796 : memref<40x128xf32, #tpu.memory_space<hbm>>) target_semaphore(%arg24 : memref<!tpu.dma_semaphore, #tpu.memory_space<semaphore_mem>>)
    } else {
    }
    %add3A_587 = arith.constant 48 : i32
    %add3A_588 = arith.addi %add3A_587, %arg1 : i32
    %lt3A_589 = arith.constant 250 : i32
    %lt3A_590 = arith.cmpi slt, %add3A_588, %lt3A_589 : i32
    %convert_element_type3A_591 = arith.extui %lt3A_590 : i1 to i32
    %cond3A_592 = arith.constant 0 : i32
    %cond3A_593 = arith.cmpi ne, %convert_element_type3A_591, %cond3A_592 : i32
    scf.if %cond3A_593 {
      %mul3A_790 = arith.constant 40 : i32
      %mul3A_791 = arith.muli %add3A_588, %mul3A_790 : i32
      %mul3A_792 = arith.constant 40 : i32
      %mul3A_793 = arith.muli %add3A_588, %mul3A_792 : i32
      %dma_start3A_794 = arith.constant 0 : i32
      %dma_start3A_795 = tpu.memref_slice %arg4[%arg0, %mul3A_793, %dma_start3A_794] : memref<2x10000x128xf32, #tpu.memory_space<hbm>> -> memref<1x40x128xf32, #tpu.memory_space<hbm>>
      %dma_start3A_796 = tpu.memref_squeeze %dma_start3A_795 : memref<1x40x128xf32, #tpu.memory_space<hbm>> -> memref<40x128xf32, #tpu.memory_space<hbm>>
      %dma_start3A_797 = arith.constant 0 : i32
      %dma_start3A_798 = tpu.memref_slice %arg5[%mul3A_791, %dma_start3A_797] : memref<10000x128xf32, #tpu.memory_space<vmem_shared>> -> memref<40x128xf32, #tpu.memory_space<vmem_shared>>
      tpu.enqueue_dma source(%dma_start3A_798 : memref<40x128xf32, #tpu.memory_space<vmem_shared>>) target(%dma_start3A_796 : memref<40x128xf32, #tpu.memory_space<hbm>>) target_semaphore(%arg25 : memref<!tpu.dma_semaphore, #tpu.memory_space<semaphore_mem>>)
    } else {
    }
    %add3A_594 = arith.constant 64 : i32
    %add3A_595 = arith.addi %add3A_594, %arg1 : i32
    %lt3A_596 = arith.constant 250 : i32
    %lt3A_597 = arith.cmpi slt, %add3A_595, %lt3A_596 : i32
    %convert_element_type3A_598 = arith.extui %lt3A_597 : i1 to i32
    %cond3A_599 = arith.constant 0 : i32
    %cond3A_600 = arith.cmpi ne, %convert_element_type3A_598, %cond3A_599 : i32
    scf.if %cond3A_600 {
      %mul3A_790 = arith.constant 40 : i32
      %mul3A_791 = arith.muli %add3A_595, %mul3A_790 : i32
      %mul3A_792 = arith.constant 40 : i32
      %mul3A_793 = arith.muli %add3A_595, %mul3A_792 : i32
      %dma_start3A_794 = arith.constant 0 : i32
      %dma_start3A_795 = tpu.memref_slice %arg4[%arg0, %mul3A_793, %dma_start3A_794] : memref<2x10000x128xf32, #tpu.memory_space<hbm>> -> memref<1x40x128xf32, #tpu.memory_space<hbm>>
      %dma_start3A_796 = tpu.memref_squeeze %dma_start3A_795 : memref<1x40x128xf32, #tpu.memory_space<hbm>> -> memref<40x128xf32, #tpu.memory_space<hbm>>
      %dma_start3A_797 = arith.constant 0 : i32
      %dma_start3A_798 = tpu.memref_slice %arg5[%mul3A_791, %dma_start3A_797] : memref<10000x128xf32, #tpu.memory_space<vmem_shared>> -> memref<40x128xf32, #tpu.memory_space<vmem_shared>>
      tpu.enqueue_dma source(%dma_start3A_798 : memref<40x128xf32, #tpu.memory_space<vmem_shared>>) target(%dma_start3A_796 : memref<40x128xf32, #tpu.memory_space<hbm>>) target_semaphore(%arg26 : memref<!tpu.dma_semaphore, #tpu.memory_space<semaphore_mem>>)
    } else {
    }
    %add3A_601 = arith.constant 80 : i32
    %add3A_602 = arith.addi %add3A_601, %arg1 : i32
    %lt3A_603 = arith.constant 250 : i32
    %lt3A_604 = arith.cmpi slt, %add3A_602, %lt3A_603 : i32
    %convert_element_type3A_605 = arith.extui %lt3A_604 : i1 to i32
    %cond3A_606 = arith.constant 0 : i32
    %cond3A_607 = arith.cmpi ne, %convert_element_type3A_605, %cond3A_606 : i32
    scf.if %cond3A_607 {
      %mul3A_790 = arith.constant 40 : i32
      %mul3A_791 = arith.muli %add3A_602, %mul3A_790 : i32
      %mul3A_792 = arith.constant 40 : i32
      %mul3A_793 = arith.muli %add3A_602, %mul3A_792 : i32
      %dma_start3A_794 = arith.constant 0 : i32
      %dma_start3A_795 = tpu.memref_slice %arg4[%arg0, %mul3A_793, %dma_start3A_794] : memref<2x10000x128xf32, #tpu.memory_space<hbm>> -> memref<1x40x128xf32, #tpu.memory_space<hbm>>
      %dma_start3A_796 = tpu.memref_squeeze %dma_start3A_795 : memref<1x40x128xf32, #tpu.memory_space<hbm>> -> memref<40x128xf32, #tpu.memory_space<hbm>>
      %dma_start3A_797 = arith.constant 0 : i32
      %dma_start3A_798 = tpu.memref_slice %arg5[%mul3A_791, %dma_start3A_797] : memref<10000x128xf32, #tpu.memory_space<vmem_shared>> -> memref<40x128xf32, #tpu.memory_space<vmem_shared>>
      tpu.enqueue_dma source(%dma_start3A_798 : memref<40x128xf32, #tpu.memory_space<vmem_shared>>) target(%dma_start3A_796 : memref<40x128xf32, #tpu.memory_space<hbm>>) target_semaphore(%arg27 : memref<!tpu.dma_semaphore, #tpu.memory_space<semaphore_mem>>)
    } else {
    }
    %add3A_608 = arith.constant 96 : i32
    %add3A_609 = arith.addi %add3A_608, %arg1 : i32
    %lt3A_610 = arith.constant 250 : i32
    %lt3A_611 = arith.cmpi slt, %add3A_609, %lt3A_610 : i32
    %convert_element_type3A_612 = arith.extui %lt3A_611 : i1 to i32
    %cond3A_613 = arith.constant 0 : i32
    %cond3A_614 = arith.cmpi ne, %convert_element_type3A_612, %cond3A_613 : i32
    scf.if %cond3A_614 {
      %mul3A_790 = arith.constant 40 : i32
      %mul3A_791 = arith.muli %add3A_609, %mul3A_790 : i32
      %mul3A_792 = arith.constant 40 : i32
      %mul3A_793 = arith.muli %add3A_609, %mul3A_792 : i32
      %dma_start3A_794 = arith.constant 0 : i32
      %dma_start3A_795 = tpu.memref_slice %arg4[%arg0, %mul3A_793, %dma_start3A_794] : memref<2x10000x128xf32, #tpu.memory_space<hbm>> -> memref<1x40x128xf32, #tpu.memory_space<hbm>>
      %dma_start3A_796 = tpu.memref_squeeze %dma_start3A_795 : memref<1x40x128xf32, #tpu.memory_space<hbm>> -> memref<40x128xf32, #tpu.memory_space<hbm>>
      %dma_start3A_797 = arith.constant 0 : i32
      %dma_start3A_798 = tpu.memref_slice %arg5[%mul3A_791, %dma_start3A_797] : memref<10000x128xf32, #tpu.memory_space<vmem_shared>> -> memref<40x128xf32, #tpu.memory_space<vmem_shared>>
      tpu.enqueue_dma source(%dma_start3A_798 : memref<40x128xf32, #tpu.memory_space<vmem_shared>>) target(%dma_start3A_796 : memref<40x128xf32, #tpu.memory_space<hbm>>) target_semaphore(%arg28 : memref<!tpu.dma_semaphore, #tpu.memory_space<semaphore_mem>>)
    } else {
    }
    %add3A_615 = arith.constant 112 : i32
    %add3A_616 = arith.addi %add3A_615, %arg1 : i32
    %lt3A_617 = arith.constant 250 : i32
    %lt3A_618 = arith.cmpi slt, %add3A_616, %lt3A_617 : i32
    %convert_element_type3A_619 = arith.extui %lt3A_618 : i1 to i32
    %cond3A_620 = arith.constant 0 : i32
    %cond3A_621 = arith.cmpi ne, %convert_element_type3A_619, %cond3A_620 : i32
    scf.if %cond3A_621 {
      %mul3A_790 = arith.constant 40 : i32
      %mul3A_791 = arith.muli %add3A_616, %mul3A_790 : i32
      %mul3A_792 = arith.constant 40 : i32
      %mul3A_793 = arith.muli %add3A_616, %mul3A_792 : i32
      %dma_start3A_794 = arith.constant 0 : i32
      %dma_start3A_795 = tpu.memref_slice %arg4[%arg0, %mul3A_793, %dma_start3A_794] : memref<2x10000x128xf32, #tpu.memory_space<hbm>> -> memref<1x40x128xf32, #tpu.memory_space<hbm>>
      %dma_start3A_796 = tpu.memref_squeeze %dma_start3A_795 : memref<1x40x128xf32, #tpu.memory_space<hbm>> -> memref<40x128xf32, #tpu.memory_space<hbm>>
      %dma_start3A_797 = arith.constant 0 : i32
      %dma_start3A_798 = tpu.memref_slice %arg5[%mul3A_791, %dma_start3A_797] : memref<10000x128xf32, #tpu.memory_space<vmem_shared>> -> memref<40x128xf32, #tpu.memory_space<vmem_shared>>
      tpu.enqueue_dma source(%dma_start3A_798 : memref<40x128xf32, #tpu.memory_space<vmem_shared>>) target(%dma_start3A_796 : memref<40x128xf32, #tpu.memory_space<hbm>>) target_semaphore(%arg29 : memref<!tpu.dma_semaphore, #tpu.memory_space<semaphore_mem>>)
    } else {
    }
    %add3A_622 = arith.constant 128 : i32
    %add3A_623 = arith.addi %add3A_622, %arg1 : i32
    %lt3A_624 = arith.constant 250 : i32
    %lt3A_625 = arith.cmpi slt, %add3A_623, %lt3A_624 : i32
    %convert_element_type3A_626 = arith.extui %lt3A_625 : i1 to i32
    %cond3A_627 = arith.constant 0 : i32
    %cond3A_628 = arith.cmpi ne, %convert_element_type3A_626, %cond3A_627 : i32
    scf.if %cond3A_628 {
      %mul3A_790 = arith.constant 40 : i32
      %mul3A_791 = arith.muli %add3A_623, %mul3A_790 : i32
      %mul3A_792 = arith.constant 40 : i32
      %mul3A_793 = arith.muli %add3A_623, %mul3A_792 : i32
      %dma_start3A_794 = arith.constant 0 : i32
      %dma_start3A_795 = tpu.memref_slice %arg4[%arg0, %mul3A_793, %dma_start3A_794] : memref<2x10000x128xf32, #tpu.memory_space<hbm>> -> memref<1x40x128xf32, #tpu.memory_space<hbm>>
      %dma_start3A_796 = tpu.memref_squeeze %dma_start3A_795 : memref<1x40x128xf32, #tpu.memory_space<hbm>> -> memref<40x128xf32, #tpu.memory_space<hbm>>
      %dma_start3A_797 = arith.constant 0 : i32
      %dma_start3A_798 = tpu.memref_slice %arg5[%mul3A_791, %dma_start3A_797] : memref<10000x128xf32, #tpu.memory_space<vmem_shared>> -> memref<40x128xf32, #tpu.memory_space<vmem_shared>>
      tpu.enqueue_dma source(%dma_start3A_798 : memref<40x128xf32, #tpu.memory_space<vmem_shared>>) target(%dma_start3A_796 : memref<40x128xf32, #tpu.memory_space<hbm>>) target_semaphore(%arg22 : memref<!tpu.dma_semaphore, #tpu.memory_space<semaphore_mem>>)
    } else {
    }
    %add3A_629 = arith.constant 144 : i32
    %add3A_630 = arith.addi %add3A_629, %arg1 : i32
    %lt3A_631 = arith.constant 250 : i32
    %lt3A_632 = arith.cmpi slt, %add3A_630, %lt3A_631 : i32
    %convert_element_type3A_633 = arith.extui %lt3A_632 : i1 to i32
    %cond3A_634 = arith.constant 0 : i32
    %cond3A_635 = arith.cmpi ne, %convert_element_type3A_633, %cond3A_634 : i32
    scf.if %cond3A_635 {
      %mul3A_790 = arith.constant 40 : i32
      %mul3A_791 = arith.muli %add3A_630, %mul3A_790 : i32
      %mul3A_792 = arith.constant 40 : i32
      %mul3A_793 = arith.muli %add3A_630, %mul3A_792 : i32
      %dma_start3A_794 = arith.constant 0 : i32
      %dma_start3A_795 = tpu.memref_slice %arg4[%arg0, %mul3A_793, %dma_start3A_794] : memref<2x10000x128xf32, #tpu.memory_space<hbm>> -> memref<1x40x128xf32, #tpu.memory_space<hbm>>
      %dma_start3A_796 = tpu.memref_squeeze %dma_start3A_795 : memref<1x40x128xf32, #tpu.memory_space<hbm>> -> memref<40x128xf32, #tpu.memory_space<hbm>>
      %dma_start3A_797 = arith.constant 0 : i32
      %dma_start3A_798 = tpu.memref_slice %arg5[%mul3A_791, %dma_start3A_797] : memref<10000x128xf32, #tpu.memory_space<vmem_shared>> -> memref<40x128xf32, #tpu.memory_space<vmem_shared>>
      tpu.enqueue_dma source(%dma_start3A_798 : memref<40x128xf32, #tpu.memory_space<vmem_shared>>) target(%dma_start3A_796 : memref<40x128xf32, #tpu.memory_space<hbm>>) target_semaphore(%arg23 : memref<!tpu.dma_semaphore, #tpu.memory_space<semaphore_mem>>)
    } else {
    }
    %add3A_636 = arith.constant 160 : i32
    %add3A_637 = arith.addi %add3A_636, %arg1 : i32
    %lt3A_638 = arith.constant 250 : i32
    %lt3A_639 = arith.cmpi slt, %add3A_637, %lt3A_638 : i32
    %convert_element_type3A_640 = arith.extui %lt3A_639 : i1 to i32
    %cond3A_641 = arith.constant 0 : i32
    %cond3A_642 = arith.cmpi ne, %convert_element_type3A_640, %cond3A_641 : i32
    scf.if %cond3A_642 {
      %mul3A_790 = arith.constant 40 : i32
      %mul3A_791 = arith.muli %add3A_637, %mul3A_790 : i32
      %mul3A_792 = arith.constant 40 : i32
      %mul3A_793 = arith.muli %add3A_637, %mul3A_792 : i32
      %dma_start3A_794 = arith.constant 0 : i32
      %dma_start3A_795 = tpu.memref_slice %arg4[%arg0, %mul3A_793, %dma_start3A_794] : memref<2x10000x128xf32, #tpu.memory_space<hbm>> -> memref<1x40x128xf32, #tpu.memory_space<hbm>>
      %dma_start3A_796 = tpu.memref_squeeze %dma_start3A_795 : memref<1x40x128xf32, #tpu.memory_space<hbm>> -> memref<40x128xf32, #tpu.memory_space<hbm>>
      %dma_start3A_797 = arith.constant 0 : i32
      %dma_start3A_798 = tpu.memref_slice %arg5[%mul3A_791, %dma_start3A_797] : memref<10000x128xf32, #tpu.memory_space<vmem_shared>> -> memref<40x128xf32, #tpu.memory_space<vmem_shared>>
      tpu.enqueue_dma source(%dma_start3A_798 : memref<40x128xf32, #tpu.memory_space<vmem_shared>>) target(%dma_start3A_796 : memref<40x128xf32, #tpu.memory_space<hbm>>) target_semaphore(%arg24 : memref<!tpu.dma_semaphore, #tpu.memory_space<semaphore_mem>>)
    } else {
    }
    %add3A_643 = arith.constant 176 : i32
    %add3A_644 = arith.addi %add3A_643, %arg1 : i32
    %lt3A_645 = arith.constant 250 : i32
    %lt3A_646 = arith.cmpi slt, %add3A_644, %lt3A_645 : i32
    %convert_element_type3A_647 = arith.extui %lt3A_646 : i1 to i32
    %cond3A_648 = arith.constant 0 : i32
    %cond3A_649 = arith.cmpi ne, %convert_element_type3A_647, %cond3A_648 : i32
    scf.if %cond3A_649 {
      %mul3A_790 = arith.constant 40 : i32
      %mul3A_791 = arith.muli %add3A_644, %mul3A_790 : i32
      %mul3A_792 = arith.constant 40 : i32
      %mul3A_793 = arith.muli %add3A_644, %mul3A_792 : i32
      %dma_start3A_794 = arith.constant 0 : i32
      %dma_start3A_795 = tpu.memref_slice %arg4[%arg0, %mul3A_793, %dma_start3A_794] : memref<2x10000x128xf32, #tpu.memory_space<hbm>> -> memref<1x40x128xf32, #tpu.memory_space<hbm>>
      %dma_start3A_796 = tpu.memref_squeeze %dma_start3A_795 : memref<1x40x128xf32, #tpu.memory_space<hbm>> -> memref<40x128xf32, #tpu.memory_space<hbm>>
      %dma_start3A_797 = arith.constant 0 : i32
      %dma_start3A_798 = tpu.memref_slice %arg5[%mul3A_791, %dma_start3A_797] : memref<10000x128xf32, #tpu.memory_space<vmem_shared>> -> memref<40x128xf32, #tpu.memory_space<vmem_shared>>
      tpu.enqueue_dma source(%dma_start3A_798 : memref<40x128xf32, #tpu.memory_space<vmem_shared>>) target(%dma_start3A_796 : memref<40x128xf32, #tpu.memory_space<hbm>>) target_semaphore(%arg25 : memref<!tpu.dma_semaphore, #tpu.memory_space<semaphore_mem>>)
    } else {
    }
    %add3A_650 = arith.constant 192 : i32
    %add3A_651 = arith.addi %add3A_650, %arg1 : i32
    %lt3A_652 = arith.constant 250 : i32
    %lt3A_653 = arith.cmpi slt, %add3A_651, %lt3A_652 : i32
    %convert_element_type3A_654 = arith.extui %lt3A_653 : i1 to i32
    %cond3A_655 = arith.constant 0 : i32
    %cond3A_656 = arith.cmpi ne, %convert_element_type3A_654, %cond3A_655 : i32
    scf.if %cond3A_656 {
      %mul3A_790 = arith.constant 40 : i32
      %mul3A_791 = arith.muli %add3A_651, %mul3A_790 : i32
      %mul3A_792 = arith.constant 40 : i32
      %mul3A_793 = arith.muli %add3A_651, %mul3A_792 : i32
      %dma_start3A_794 = arith.constant 0 : i32
      %dma_start3A_795 = tpu.memref_slice %arg4[%arg0, %mul3A_793, %dma_start3A_794] : memref<2x10000x128xf32, #tpu.memory_space<hbm>> -> memref<1x40x128xf32, #tpu.memory_space<hbm>>
      %dma_start3A_796 = tpu.memref_squeeze %dma_start3A_795 : memref<1x40x128xf32, #tpu.memory_space<hbm>> -> memref<40x128xf32, #tpu.memory_space<hbm>>
      %dma_start3A_797 = arith.constant 0 : i32
      %dma_start3A_798 = tpu.memref_slice %arg5[%mul3A_791, %dma_start3A_797] : memref<10000x128xf32, #tpu.memory_space<vmem_shared>> -> memref<40x128xf32, #tpu.memory_space<vmem_shared>>
      tpu.enqueue_dma source(%dma_start3A_798 : memref<40x128xf32, #tpu.memory_space<vmem_shared>>) target(%dma_start3A_796 : memref<40x128xf32, #tpu.memory_space<hbm>>) target_semaphore(%arg26 : memref<!tpu.dma_semaphore, #tpu.memory_space<semaphore_mem>>)
    } else {
    }
    %add3A_657 = arith.constant 208 : i32
    %add3A_658 = arith.addi %add3A_657, %arg1 : i32
    %lt3A_659 = arith.constant 250 : i32
    %lt3A_660 = arith.cmpi slt, %add3A_658, %lt3A_659 : i32
    %convert_element_type3A_661 = arith.extui %lt3A_660 : i1 to i32
    %cond3A_662 = arith.constant 0 : i32
    %cond3A_663 = arith.cmpi ne, %convert_element_type3A_661, %cond3A_662 : i32
    scf.if %cond3A_663 {
      %mul3A_790 = arith.constant 40 : i32
      %mul3A_791 = arith.muli %add3A_658, %mul3A_790 : i32
      %mul3A_792 = arith.constant 40 : i32
      %mul3A_793 = arith.muli %add3A_658, %mul3A_792 : i32
      %dma_start3A_794 = arith.constant 0 : i32
      %dma_start3A_795 = tpu.memref_slice %arg4[%arg0, %mul3A_793, %dma_start3A_794] : memref<2x10000x128xf32, #tpu.memory_space<hbm>> -> memref<1x40x128xf32, #tpu.memory_space<hbm>>
      %dma_start3A_796 = tpu.memref_squeeze %dma_start3A_795 : memref<1x40x128xf32, #tpu.memory_space<hbm>> -> memref<40x128xf32, #tpu.memory_space<hbm>>
      %dma_start3A_797 = arith.constant 0 : i32
      %dma_start3A_798 = tpu.memref_slice %arg5[%mul3A_791, %dma_start3A_797] : memref<10000x128xf32, #tpu.memory_space<vmem_shared>> -> memref<40x128xf32, #tpu.memory_space<vmem_shared>>
      tpu.enqueue_dma source(%dma_start3A_798 : memref<40x128xf32, #tpu.memory_space<vmem_shared>>) target(%dma_start3A_796 : memref<40x128xf32, #tpu.memory_space<hbm>>) target_semaphore(%arg27 : memref<!tpu.dma_semaphore, #tpu.memory_space<semaphore_mem>>)
    } else {
    }
    %add3A_664 = arith.constant 224 : i32
    %add3A_665 = arith.addi %add3A_664, %arg1 : i32
    %lt3A_666 = arith.constant 250 : i32
    %lt3A_667 = arith.cmpi slt, %add3A_665, %lt3A_666 : i32
    %convert_element_type3A_668 = arith.extui %lt3A_667 : i1 to i32
    %cond3A_669 = arith.constant 0 : i32
    %cond3A_670 = arith.cmpi ne, %convert_element_type3A_668, %cond3A_669 : i32
    scf.if %cond3A_670 {
      %mul3A_790 = arith.constant 40 : i32
      %mul3A_791 = arith.muli %add3A_665, %mul3A_790 : i32
      %mul3A_792 = arith.constant 40 : i32
      %mul3A_793 = arith.muli %add3A_665, %mul3A_792 : i32
      %dma_start3A_794 = arith.constant 0 : i32
      %dma_start3A_795 = tpu.memref_slice %arg4[%arg0, %mul3A_793, %dma_start3A_794] : memref<2x10000x128xf32, #tpu.memory_space<hbm>> -> memref<1x40x128xf32, #tpu.memory_space<hbm>>
      %dma_start3A_796 = tpu.memref_squeeze %dma_start3A_795 : memref<1x40x128xf32, #tpu.memory_space<hbm>> -> memref<40x128xf32, #tpu.memory_space<hbm>>
      %dma_start3A_797 = arith.constant 0 : i32
      %dma_start3A_798 = tpu.memref_slice %arg5[%mul3A_791, %dma_start3A_797] : memref<10000x128xf32, #tpu.memory_space<vmem_shared>> -> memref<40x128xf32, #tpu.memory_space<vmem_shared>>
      tpu.enqueue_dma source(%dma_start3A_798 : memref<40x128xf32, #tpu.memory_space<vmem_shared>>) target(%dma_start3A_796 : memref<40x128xf32, #tpu.memory_space<hbm>>) target_semaphore(%arg28 : memref<!tpu.dma_semaphore, #tpu.memory_space<semaphore_mem>>)
    } else {
    }
    %add3A_671 = arith.constant 240 : i32
    %add3A_672 = arith.addi %add3A_671, %arg1 : i32
    %lt3A_673 = arith.constant 250 : i32
    %lt3A_674 = arith.cmpi slt, %add3A_672, %lt3A_673 : i32
    %convert_element_type3A_675 = arith.extui %lt3A_674 : i1 to i32
    %cond3A_676 = arith.constant 0 : i32
    %cond3A_677 = arith.cmpi ne, %convert_element_type3A_675, %cond3A_676 : i32
    scf.if %cond3A_677 {
      %mul3A_790 = arith.constant 40 : i32
      %mul3A_791 = arith.muli %add3A_672, %mul3A_790 : i32
      %mul3A_792 = arith.constant 40 : i32
      %mul3A_793 = arith.muli %add3A_672, %mul3A_792 : i32
      %dma_start3A_794 = arith.constant 0 : i32
      %dma_start3A_795 = tpu.memref_slice %arg4[%arg0, %mul3A_793, %dma_start3A_794] : memref<2x10000x128xf32, #tpu.memory_space<hbm>> -> memref<1x40x128xf32, #tpu.memory_space<hbm>>
      %dma_start3A_796 = tpu.memref_squeeze %dma_start3A_795 : memref<1x40x128xf32, #tpu.memory_space<hbm>> -> memref<40x128xf32, #tpu.memory_space<hbm>>
      %dma_start3A_797 = arith.constant 0 : i32
      %dma_start3A_798 = tpu.memref_slice %arg5[%mul3A_791, %dma_start3A_797] : memref<10000x128xf32, #tpu.memory_space<vmem_shared>> -> memref<40x128xf32, #tpu.memory_space<vmem_shared>>
      tpu.enqueue_dma source(%dma_start3A_798 : memref<40x128xf32, #tpu.memory_space<vmem_shared>>) target(%dma_start3A_796 : memref<40x128xf32, #tpu.memory_space<hbm>>) target_semaphore(%arg29 : memref<!tpu.dma_semaphore, #tpu.memory_space<semaphore_mem>>)
    } else {
    }
    %add3A_678 = arith.constant 0 : i32
    %add3A_679 = arith.addi %add3A_678, %arg1 : i32
    %lt3A_680 = arith.constant 250 : i32
    %lt3A_681 = arith.cmpi slt, %add3A_679, %lt3A_680 : i32
    %convert_element_type3A_682 = arith.extui %lt3A_681 : i1 to i32
    %cond3A_683 = arith.constant 0 : i32
    %cond3A_684 = arith.cmpi ne, %convert_element_type3A_682, %cond3A_683 : i32
    scf.if %cond3A_684 {
      %mul3A_790 = arith.constant 40 : i32
      %mul3A_791 = arith.muli %add3A_679, %mul3A_790 : i32
      %mul3A_792 = arith.constant 40 : i32
      %mul3A_793 = arith.muli %add3A_679, %mul3A_792 : i32
      %dma_wait3A_794 = arith.constant 0 : i32
      %dma_wait3A_795 = tpu.memref_slice %arg4[%arg0, %mul3A_793, %dma_wait3A_794] : memref<2x10000x128xf32, #tpu.memory_space<hbm>> -> memref<1x40x128xf32, #tpu.memory_space<hbm>>
      %dma_wait3A_796 = tpu.memref_squeeze %dma_wait3A_795 : memref<1x40x128xf32, #tpu.memory_space<hbm>> -> memref<40x128xf32, #tpu.memory_space<hbm>>
      %dma_wait3A_797 = arith.constant 0 : i32
      %dma_wait3A_798 = tpu.memref_slice %arg5[%mul3A_791, %dma_wait3A_797] : memref<10000x128xf32, #tpu.memory_space<vmem_shared>> -> memref<40x128xf32, #tpu.memory_space<vmem_shared>>
      tpu.wait_dma2 semaphore(%arg22 : memref<!tpu.dma_semaphore, #tpu.memory_space<semaphore_mem>>) src(%dma_wait3A_798 : memref<40x128xf32, #tpu.memory_space<vmem_shared>>) dst(%dma_wait3A_796 : memref<40x128xf32, #tpu.memory_space<hbm>>)
    } else {
    }
    %add3A_685 = arith.constant 16 : i32
    %add3A_686 = arith.addi %add3A_685, %arg1 : i32
    %lt3A_687 = arith.constant 250 : i32
    %lt3A_688 = arith.cmpi slt, %add3A_686, %lt3A_687 : i32
    %convert_element_type3A_689 = arith.extui %lt3A_688 : i1 to i32
    %cond3A_690 = arith.constant 0 : i32
    %cond3A_691 = arith.cmpi ne, %convert_element_type3A_689, %cond3A_690 : i32
    scf.if %cond3A_691 {
      %mul3A_790 = arith.constant 40 : i32
      %mul3A_791 = arith.muli %add3A_686, %mul3A_790 : i32
      %mul3A_792 = arith.constant 40 : i32
      %mul3A_793 = arith.muli %add3A_686, %mul3A_792 : i32
      %dma_wait3A_794 = arith.constant 0 : i32
      %dma_wait3A_795 = tpu.memref_slice %arg4[%arg0, %mul3A_793, %dma_wait3A_794] : memref<2x10000x128xf32, #tpu.memory_space<hbm>> -> memref<1x40x128xf32, #tpu.memory_space<hbm>>
      %dma_wait3A_796 = tpu.memref_squeeze %dma_wait3A_795 : memref<1x40x128xf32, #tpu.memory_space<hbm>> -> memref<40x128xf32, #tpu.memory_space<hbm>>
      %dma_wait3A_797 = arith.constant 0 : i32
      %dma_wait3A_798 = tpu.memref_slice %arg5[%mul3A_791, %dma_wait3A_797] : memref<10000x128xf32, #tpu.memory_space<vmem_shared>> -> memref<40x128xf32, #tpu.memory_space<vmem_shared>>
      tpu.wait_dma2 semaphore(%arg23 : memref<!tpu.dma_semaphore, #tpu.memory_space<semaphore_mem>>) src(%dma_wait3A_798 : memref<40x128xf32, #tpu.memory_space<vmem_shared>>) dst(%dma_wait3A_796 : memref<40x128xf32, #tpu.memory_space<hbm>>)
    } else {
    }
    %add3A_692 = arith.constant 32 : i32
    %add3A_693 = arith.addi %add3A_692, %arg1 : i32
    %lt3A_694 = arith.constant 250 : i32
    %lt3A_695 = arith.cmpi slt, %add3A_693, %lt3A_694 : i32
    %convert_element_type3A_696 = arith.extui %lt3A_695 : i1 to i32
    %cond3A_697 = arith.constant 0 : i32
    %cond3A_698 = arith.cmpi ne, %convert_element_type3A_696, %cond3A_697 : i32
    scf.if %cond3A_698 {
      %mul3A_790 = arith.constant 40 : i32
      %mul3A_791 = arith.muli %add3A_693, %mul3A_790 : i32
      %mul3A_792 = arith.constant 40 : i32
      %mul3A_793 = arith.muli %add3A_693, %mul3A_792 : i32
      %dma_wait3A_794 = arith.constant 0 : i32
      %dma_wait3A_795 = tpu.memref_slice %arg4[%arg0, %mul3A_793, %dma_wait3A_794] : memref<2x10000x128xf32, #tpu.memory_space<hbm>> -> memref<1x40x128xf32, #tpu.memory_space<hbm>>
      %dma_wait3A_796 = tpu.memref_squeeze %dma_wait3A_795 : memref<1x40x128xf32, #tpu.memory_space<hbm>> -> memref<40x128xf32, #tpu.memory_space<hbm>>
      %dma_wait3A_797 = arith.constant 0 : i32
      %dma_wait3A_798 = tpu.memref_slice %arg5[%mul3A_791, %dma_wait3A_797] : memref<10000x128xf32, #tpu.memory_space<vmem_shared>> -> memref<40x128xf32, #tpu.memory_space<vmem_shared>>
      tpu.wait_dma2 semaphore(%arg24 : memref<!tpu.dma_semaphore, #tpu.memory_space<semaphore_mem>>) src(%dma_wait3A_798 : memref<40x128xf32, #tpu.memory_space<vmem_shared>>) dst(%dma_wait3A_796 : memref<40x128xf32, #tpu.memory_space<hbm>>)
    } else {
    }
    %add3A_699 = arith.constant 48 : i32
    %add3A_700 = arith.addi %add3A_699, %arg1 : i32
    %lt3A_701 = arith.constant 250 : i32
    %lt3A_702 = arith.cmpi slt, %add3A_700, %lt3A_701 : i32
    %convert_element_type3A_703 = arith.extui %lt3A_702 : i1 to i32
    %cond3A_704 = arith.constant 0 : i32
    %cond3A_705 = arith.cmpi ne, %convert_element_type3A_703, %cond3A_704 : i32
    scf.if %cond3A_705 {
      %mul3A_790 = arith.constant 40 : i32
      %mul3A_791 = arith.muli %add3A_700, %mul3A_790 : i32
      %mul3A_792 = arith.constant 40 : i32
      %mul3A_793 = arith.muli %add3A_700, %mul3A_792 : i32
      %dma_wait3A_794 = arith.constant 0 : i32
      %dma_wait3A_795 = tpu.memref_slice %arg4[%arg0, %mul3A_793, %dma_wait3A_794] : memref<2x10000x128xf32, #tpu.memory_space<hbm>> -> memref<1x40x128xf32, #tpu.memory_space<hbm>>
      %dma_wait3A_796 = tpu.memref_squeeze %dma_wait3A_795 : memref<1x40x128xf32, #tpu.memory_space<hbm>> -> memref<40x128xf32, #tpu.memory_space<hbm>>
      %dma_wait3A_797 = arith.constant 0 : i32
      %dma_wait3A_798 = tpu.memref_slice %arg5[%mul3A_791, %dma_wait3A_797] : memref<10000x128xf32, #tpu.memory_space<vmem_shared>> -> memref<40x128xf32, #tpu.memory_space<vmem_shared>>
      tpu.wait_dma2 semaphore(%arg25 : memref<!tpu.dma_semaphore, #tpu.memory_space<semaphore_mem>>) src(%dma_wait3A_798 : memref<40x128xf32, #tpu.memory_space<vmem_shared>>) dst(%dma_wait3A_796 : memref<40x128xf32, #tpu.memory_space<hbm>>)
    } else {
    }
    %add3A_706 = arith.constant 64 : i32
    %add3A_707 = arith.addi %add3A_706, %arg1 : i32
    %lt3A_708 = arith.constant 250 : i32
    %lt3A_709 = arith.cmpi slt, %add3A_707, %lt3A_708 : i32
    %convert_element_type3A_710 = arith.extui %lt3A_709 : i1 to i32
    %cond3A_711 = arith.constant 0 : i32
    %cond3A_712 = arith.cmpi ne, %convert_element_type3A_710, %cond3A_711 : i32
    scf.if %cond3A_712 {
      %mul3A_790 = arith.constant 40 : i32
      %mul3A_791 = arith.muli %add3A_707, %mul3A_790 : i32
      %mul3A_792 = arith.constant 40 : i32
      %mul3A_793 = arith.muli %add3A_707, %mul3A_792 : i32
      %dma_wait3A_794 = arith.constant 0 : i32
      %dma_wait3A_795 = tpu.memref_slice %arg4[%arg0, %mul3A_793, %dma_wait3A_794] : memref<2x10000x128xf32, #tpu.memory_space<hbm>> -> memref<1x40x128xf32, #tpu.memory_space<hbm>>
      %dma_wait3A_796 = tpu.memref_squeeze %dma_wait3A_795 : memref<1x40x128xf32, #tpu.memory_space<hbm>> -> memref<40x128xf32, #tpu.memory_space<hbm>>
      %dma_wait3A_797 = arith.constant 0 : i32
      %dma_wait3A_798 = tpu.memref_slice %arg5[%mul3A_791, %dma_wait3A_797] : memref<10000x128xf32, #tpu.memory_space<vmem_shared>> -> memref<40x128xf32, #tpu.memory_space<vmem_shared>>
      tpu.wait_dma2 semaphore(%arg26 : memref<!tpu.dma_semaphore, #tpu.memory_space<semaphore_mem>>) src(%dma_wait3A_798 : memref<40x128xf32, #tpu.memory_space<vmem_shared>>) dst(%dma_wait3A_796 : memref<40x128xf32, #tpu.memory_space<hbm>>)
    } else {
    }
    %add3A_713 = arith.constant 80 : i32
    %add3A_714 = arith.addi %add3A_713, %arg1 : i32
    %lt3A_715 = arith.constant 250 : i32
    %lt3A_716 = arith.cmpi slt, %add3A_714, %lt3A_715 : i32
    %convert_element_type3A_717 = arith.extui %lt3A_716 : i1 to i32
    %cond3A_718 = arith.constant 0 : i32
    %cond3A_719 = arith.cmpi ne, %convert_element_type3A_717, %cond3A_718 : i32
    scf.if %cond3A_719 {
      %mul3A_790 = arith.constant 40 : i32
      %mul3A_791 = arith.muli %add3A_714, %mul3A_790 : i32
      %mul3A_792 = arith.constant 40 : i32
      %mul3A_793 = arith.muli %add3A_714, %mul3A_792 : i32
      %dma_wait3A_794 = arith.constant 0 : i32
      %dma_wait3A_795 = tpu.memref_slice %arg4[%arg0, %mul3A_793, %dma_wait3A_794] : memref<2x10000x128xf32, #tpu.memory_space<hbm>> -> memref<1x40x128xf32, #tpu.memory_space<hbm>>
      %dma_wait3A_796 = tpu.memref_squeeze %dma_wait3A_795 : memref<1x40x128xf32, #tpu.memory_space<hbm>> -> memref<40x128xf32, #tpu.memory_space<hbm>>
      %dma_wait3A_797 = arith.constant 0 : i32
      %dma_wait3A_798 = tpu.memref_slice %arg5[%mul3A_791, %dma_wait3A_797] : memref<10000x128xf32, #tpu.memory_space<vmem_shared>> -> memref<40x128xf32, #tpu.memory_space<vmem_shared>>
      tpu.wait_dma2 semaphore(%arg27 : memref<!tpu.dma_semaphore, #tpu.memory_space<semaphore_mem>>) src(%dma_wait3A_798 : memref<40x128xf32, #tpu.memory_space<vmem_shared>>) dst(%dma_wait3A_796 : memref<40x128xf32, #tpu.memory_space<hbm>>)
    } else {
    }
    %add3A_720 = arith.constant 96 : i32
    %add3A_721 = arith.addi %add3A_720, %arg1 : i32
    %lt3A_722 = arith.constant 250 : i32
    %lt3A_723 = arith.cmpi slt, %add3A_721, %lt3A_722 : i32
    %convert_element_type3A_724 = arith.extui %lt3A_723 : i1 to i32
    %cond3A_725 = arith.constant 0 : i32
    %cond3A_726 = arith.cmpi ne, %convert_element_type3A_724, %cond3A_725 : i32
    scf.if %cond3A_726 {
      %mul3A_790 = arith.constant 40 : i32
      %mul3A_791 = arith.muli %add3A_721, %mul3A_790 : i32
      %mul3A_792 = arith.constant 40 : i32
      %mul3A_793 = arith.muli %add3A_721, %mul3A_792 : i32
      %dma_wait3A_794 = arith.constant 0 : i32
      %dma_wait3A_795 = tpu.memref_slice %arg4[%arg0, %mul3A_793, %dma_wait3A_794] : memref<2x10000x128xf32, #tpu.memory_space<hbm>> -> memref<1x40x128xf32, #tpu.memory_space<hbm>>
      %dma_wait3A_796 = tpu.memref_squeeze %dma_wait3A_795 : memref<1x40x128xf32, #tpu.memory_space<hbm>> -> memref<40x128xf32, #tpu.memory_space<hbm>>
      %dma_wait3A_797 = arith.constant 0 : i32
      %dma_wait3A_798 = tpu.memref_slice %arg5[%mul3A_791, %dma_wait3A_797] : memref<10000x128xf32, #tpu.memory_space<vmem_shared>> -> memref<40x128xf32, #tpu.memory_space<vmem_shared>>
      tpu.wait_dma2 semaphore(%arg28 : memref<!tpu.dma_semaphore, #tpu.memory_space<semaphore_mem>>) src(%dma_wait3A_798 : memref<40x128xf32, #tpu.memory_space<vmem_shared>>) dst(%dma_wait3A_796 : memref<40x128xf32, #tpu.memory_space<hbm>>)
    } else {
    }
    %add3A_727 = arith.constant 112 : i32
    %add3A_728 = arith.addi %add3A_727, %arg1 : i32
    %lt3A_729 = arith.constant 250 : i32
    %lt3A_730 = arith.cmpi slt, %add3A_728, %lt3A_729 : i32
    %convert_element_type3A_731 = arith.extui %lt3A_730 : i1 to i32
    %cond3A_732 = arith.constant 0 : i32
    %cond3A_733 = arith.cmpi ne, %convert_element_type3A_731, %cond3A_732 : i32
    scf.if %cond3A_733 {
      %mul3A_790 = arith.constant 40 : i32
      %mul3A_791 = arith.muli %add3A_728, %mul3A_790 : i32
      %mul3A_792 = arith.constant 40 : i32
      %mul3A_793 = arith.muli %add3A_728, %mul3A_792 : i32
      %dma_wait3A_794 = arith.constant 0 : i32
      %dma_wait3A_795 = tpu.memref_slice %arg4[%arg0, %mul3A_793, %dma_wait3A_794] : memref<2x10000x128xf32, #tpu.memory_space<hbm>> -> memref<1x40x128xf32, #tpu.memory_space<hbm>>
      %dma_wait3A_796 = tpu.memref_squeeze %dma_wait3A_795 : memref<1x40x128xf32, #tpu.memory_space<hbm>> -> memref<40x128xf32, #tpu.memory_space<hbm>>
      %dma_wait3A_797 = arith.constant 0 : i32
      %dma_wait3A_798 = tpu.memref_slice %arg5[%mul3A_791, %dma_wait3A_797] : memref<10000x128xf32, #tpu.memory_space<vmem_shared>> -> memref<40x128xf32, #tpu.memory_space<vmem_shared>>
      tpu.wait_dma2 semaphore(%arg29 : memref<!tpu.dma_semaphore, #tpu.memory_space<semaphore_mem>>) src(%dma_wait3A_798 : memref<40x128xf32, #tpu.memory_space<vmem_shared>>) dst(%dma_wait3A_796 : memref<40x128xf32, #tpu.memory_space<hbm>>)
    } else {
    }
    %add3A_734 = arith.constant 128 : i32
    %add3A_735 = arith.addi %add3A_734, %arg1 : i32
    %lt3A_736 = arith.constant 250 : i32
    %lt3A_737 = arith.cmpi slt, %add3A_735, %lt3A_736 : i32
    %convert_element_type3A_738 = arith.extui %lt3A_737 : i1 to i32
    %cond3A_739 = arith.constant 0 : i32
    %cond3A_740 = arith.cmpi ne, %convert_element_type3A_738, %cond3A_739 : i32
    scf.if %cond3A_740 {
      %mul3A_790 = arith.constant 40 : i32
      %mul3A_791 = arith.muli %add3A_735, %mul3A_790 : i32
      %mul3A_792 = arith.constant 40 : i32
      %mul3A_793 = arith.muli %add3A_735, %mul3A_792 : i32
      %dma_wait3A_794 = arith.constant 0 : i32
      %dma_wait3A_795 = tpu.memref_slice %arg4[%arg0, %mul3A_793, %dma_wait3A_794] : memref<2x10000x128xf32, #tpu.memory_space<hbm>> -> memref<1x40x128xf32, #tpu.memory_space<hbm>>
      %dma_wait3A_796 = tpu.memref_squeeze %dma_wait3A_795 : memref<1x40x128xf32, #tpu.memory_space<hbm>> -> memref<40x128xf32, #tpu.memory_space<hbm>>
      %dma_wait3A_797 = arith.constant 0 : i32
      %dma_wait3A_798 = tpu.memref_slice %arg5[%mul3A_791, %dma_wait3A_797] : memref<10000x128xf32, #tpu.memory_space<vmem_shared>> -> memref<40x128xf32, #tpu.memory_space<vmem_shared>>
      tpu.wait_dma2 semaphore(%arg22 : memref<!tpu.dma_semaphore, #tpu.memory_space<semaphore_mem>>) src(%dma_wait3A_798 : memref<40x128xf32, #tpu.memory_space<vmem_shared>>) dst(%dma_wait3A_796 : memref<40x128xf32, #tpu.memory_space<hbm>>)
    } else {
    }
    %add3A_741 = arith.constant 144 : i32
    %add3A_742 = arith.addi %add3A_741, %arg1 : i32
    %lt3A_743 = arith.constant 250 : i32
    %lt3A_744 = arith.cmpi slt, %add3A_742, %lt3A_743 : i32
    %convert_element_type3A_745 = arith.extui %lt3A_744 : i1 to i32
    %cond3A_746 = arith.constant 0 : i32
    %cond3A_747 = arith.cmpi ne, %convert_element_type3A_745, %cond3A_746 : i32
    scf.if %cond3A_747 {
      %mul3A_790 = arith.constant 40 : i32
      %mul3A_791 = arith.muli %add3A_742, %mul3A_790 : i32
      %mul3A_792 = arith.constant 40 : i32
      %mul3A_793 = arith.muli %add3A_742, %mul3A_792 : i32
      %dma_wait3A_794 = arith.constant 0 : i32
      %dma_wait3A_795 = tpu.memref_slice %arg4[%arg0, %mul3A_793, %dma_wait3A_794] : memref<2x10000x128xf32, #tpu.memory_space<hbm>> -> memref<1x40x128xf32, #tpu.memory_space<hbm>>
      %dma_wait3A_796 = tpu.memref_squeeze %dma_wait3A_795 : memref<1x40x128xf32, #tpu.memory_space<hbm>> -> memref<40x128xf32, #tpu.memory_space<hbm>>
      %dma_wait3A_797 = arith.constant 0 : i32
      %dma_wait3A_798 = tpu.memref_slice %arg5[%mul3A_791, %dma_wait3A_797] : memref<10000x128xf32, #tpu.memory_space<vmem_shared>> -> memref<40x128xf32, #tpu.memory_space<vmem_shared>>
      tpu.wait_dma2 semaphore(%arg23 : memref<!tpu.dma_semaphore, #tpu.memory_space<semaphore_mem>>) src(%dma_wait3A_798 : memref<40x128xf32, #tpu.memory_space<vmem_shared>>) dst(%dma_wait3A_796 : memref<40x128xf32, #tpu.memory_space<hbm>>)
    } else {
    }
    %add3A_748 = arith.constant 160 : i32
    %add3A_749 = arith.addi %add3A_748, %arg1 : i32
    %lt3A_750 = arith.constant 250 : i32
    %lt3A_751 = arith.cmpi slt, %add3A_749, %lt3A_750 : i32
    %convert_element_type3A_752 = arith.extui %lt3A_751 : i1 to i32
    %cond3A_753 = arith.constant 0 : i32
    %cond3A_754 = arith.cmpi ne, %convert_element_type3A_752, %cond3A_753 : i32
    scf.if %cond3A_754 {
      %mul3A_790 = arith.constant 40 : i32
      %mul3A_791 = arith.muli %add3A_749, %mul3A_790 : i32
      %mul3A_792 = arith.constant 40 : i32
      %mul3A_793 = arith.muli %add3A_749, %mul3A_792 : i32
      %dma_wait3A_794 = arith.constant 0 : i32
      %dma_wait3A_795 = tpu.memref_slice %arg4[%arg0, %mul3A_793, %dma_wait3A_794] : memref<2x10000x128xf32, #tpu.memory_space<hbm>> -> memref<1x40x128xf32, #tpu.memory_space<hbm>>
      %dma_wait3A_796 = tpu.memref_squeeze %dma_wait3A_795 : memref<1x40x128xf32, #tpu.memory_space<hbm>> -> memref<40x128xf32, #tpu.memory_space<hbm>>
      %dma_wait3A_797 = arith.constant 0 : i32
      %dma_wait3A_798 = tpu.memref_slice %arg5[%mul3A_791, %dma_wait3A_797] : memref<10000x128xf32, #tpu.memory_space<vmem_shared>> -> memref<40x128xf32, #tpu.memory_space<vmem_shared>>
      tpu.wait_dma2 semaphore(%arg24 : memref<!tpu.dma_semaphore, #tpu.memory_space<semaphore_mem>>) src(%dma_wait3A_798 : memref<40x128xf32, #tpu.memory_space<vmem_shared>>) dst(%dma_wait3A_796 : memref<40x128xf32, #tpu.memory_space<hbm>>)
    } else {
    }
    %add3A_755 = arith.constant 176 : i32
    %add3A_756 = arith.addi %add3A_755, %arg1 : i32
    %lt3A_757 = arith.constant 250 : i32
    %lt3A_758 = arith.cmpi slt, %add3A_756, %lt3A_757 : i32
    %convert_element_type3A_759 = arith.extui %lt3A_758 : i1 to i32
    %cond3A_760 = arith.constant 0 : i32
    %cond3A_761 = arith.cmpi ne, %convert_element_type3A_759, %cond3A_760 : i32
    scf.if %cond3A_761 {
      %mul3A_790 = arith.constant 40 : i32
      %mul3A_791 = arith.muli %add3A_756, %mul3A_790 : i32
      %mul3A_792 = arith.constant 40 : i32
      %mul3A_793 = arith.muli %add3A_756, %mul3A_792 : i32
      %dma_wait3A_794 = arith.constant 0 : i32
      %dma_wait3A_795 = tpu.memref_slice %arg4[%arg0, %mul3A_793, %dma_wait3A_794] : memref<2x10000x128xf32, #tpu.memory_space<hbm>> -> memref<1x40x128xf32, #tpu.memory_space<hbm>>
      %dma_wait3A_796 = tpu.memref_squeeze %dma_wait3A_795 : memref<1x40x128xf32, #tpu.memory_space<hbm>> -> memref<40x128xf32, #tpu.memory_space<hbm>>
      %dma_wait3A_797 = arith.constant 0 : i32
      %dma_wait3A_798 = tpu.memref_slice %arg5[%mul3A_791, %dma_wait3A_797] : memref<10000x128xf32, #tpu.memory_space<vmem_shared>> -> memref<40x128xf32, #tpu.memory_space<vmem_shared>>
      tpu.wait_dma2 semaphore(%arg25 : memref<!tpu.dma_semaphore, #tpu.memory_space<semaphore_mem>>) src(%dma_wait3A_798 : memref<40x128xf32, #tpu.memory_space<vmem_shared>>) dst(%dma_wait3A_796 : memref<40x128xf32, #tpu.memory_space<hbm>>)
    } else {
    }
    %add3A_762 = arith.constant 192 : i32
    %add3A_763 = arith.addi %add3A_762, %arg1 : i32
    %lt3A_764 = arith.constant 250 : i32
    %lt3A_765 = arith.cmpi slt, %add3A_763, %lt3A_764 : i32
    %convert_element_type3A_766 = arith.extui %lt3A_765 : i1 to i32
    %cond3A_767 = arith.constant 0 : i32
    %cond3A_768 = arith.cmpi ne, %convert_element_type3A_766, %cond3A_767 : i32
    scf.if %cond3A_768 {
      %mul3A_790 = arith.constant 40 : i32
      %mul3A_791 = arith.muli %add3A_763, %mul3A_790 : i32
      %mul3A_792 = arith.constant 40 : i32
      %mul3A_793 = arith.muli %add3A_763, %mul3A_792 : i32
      %dma_wait3A_794 = arith.constant 0 : i32
      %dma_wait3A_795 = tpu.memref_slice %arg4[%arg0, %mul3A_793, %dma_wait3A_794] : memref<2x10000x128xf32, #tpu.memory_space<hbm>> -> memref<1x40x128xf32, #tpu.memory_space<hbm>>
      %dma_wait3A_796 = tpu.memref_squeeze %dma_wait3A_795 : memref<1x40x128xf32, #tpu.memory_space<hbm>> -> memref<40x128xf32, #tpu.memory_space<hbm>>
      %dma_wait3A_797 = arith.constant 0 : i32
      %dma_wait3A_798 = tpu.memref_slice %arg5[%mul3A_791, %dma_wait3A_797] : memref<10000x128xf32, #tpu.memory_space<vmem_shared>> -> memref<40x128xf32, #tpu.memory_space<vmem_shared>>
      tpu.wait_dma2 semaphore(%arg26 : memref<!tpu.dma_semaphore, #tpu.memory_space<semaphore_mem>>) src(%dma_wait3A_798 : memref<40x128xf32, #tpu.memory_space<vmem_shared>>) dst(%dma_wait3A_796 : memref<40x128xf32, #tpu.memory_space<hbm>>)
    } else {
    }
    %add3A_769 = arith.constant 208 : i32
    %add3A_770 = arith.addi %add3A_769, %arg1 : i32
    %lt3A_771 = arith.constant 250 : i32
    %lt3A_772 = arith.cmpi slt, %add3A_770, %lt3A_771 : i32
    %convert_element_type3A_773 = arith.extui %lt3A_772 : i1 to i32
    %cond3A_774 = arith.constant 0 : i32
    %cond3A_775 = arith.cmpi ne, %convert_element_type3A_773, %cond3A_774 : i32
    scf.if %cond3A_775 {
      %mul3A_790 = arith.constant 40 : i32
      %mul3A_791 = arith.muli %add3A_770, %mul3A_790 : i32
      %mul3A_792 = arith.constant 40 : i32
      %mul3A_793 = arith.muli %add3A_770, %mul3A_792 : i32
      %dma_wait3A_794 = arith.constant 0 : i32
      %dma_wait3A_795 = tpu.memref_slice %arg4[%arg0, %mul3A_793, %dma_wait3A_794] : memref<2x10000x128xf32, #tpu.memory_space<hbm>> -> memref<1x40x128xf32, #tpu.memory_space<hbm>>
      %dma_wait3A_796 = tpu.memref_squeeze %dma_wait3A_795 : memref<1x40x128xf32, #tpu.memory_space<hbm>> -> memref<40x128xf32, #tpu.memory_space<hbm>>
      %dma_wait3A_797 = arith.constant 0 : i32
      %dma_wait3A_798 = tpu.memref_slice %arg5[%mul3A_791, %dma_wait3A_797] : memref<10000x128xf32, #tpu.memory_space<vmem_shared>> -> memref<40x128xf32, #tpu.memory_space<vmem_shared>>
      tpu.wait_dma2 semaphore(%arg27 : memref<!tpu.dma_semaphore, #tpu.memory_space<semaphore_mem>>) src(%dma_wait3A_798 : memref<40x128xf32, #tpu.memory_space<vmem_shared>>) dst(%dma_wait3A_796 : memref<40x128xf32, #tpu.memory_space<hbm>>)
    } else {
    }
    %add3A_776 = arith.constant 224 : i32
    %add3A_777 = arith.addi %add3A_776, %arg1 : i32
    %lt3A_778 = arith.constant 250 : i32
    %lt3A_779 = arith.cmpi slt, %add3A_777, %lt3A_778 : i32
    %convert_element_type3A_780 = arith.extui %lt3A_779 : i1 to i32
    %cond3A_781 = arith.constant 0 : i32
    %cond3A_782 = arith.cmpi ne, %convert_element_type3A_780, %cond3A_781 : i32
    scf.if %cond3A_782 {
      %mul3A_790 = arith.constant 40 : i32
      %mul3A_791 = arith.muli %add3A_777, %mul3A_790 : i32
      %mul3A_792 = arith.constant 40 : i32
      %mul3A_793 = arith.muli %add3A_777, %mul3A_792 : i32
      %dma_wait3A_794 = arith.constant 0 : i32
      %dma_wait3A_795 = tpu.memref_slice %arg4[%arg0, %mul3A_793, %dma_wait3A_794] : memref<2x10000x128xf32, #tpu.memory_space<hbm>> -> memref<1x40x128xf32, #tpu.memory_space<hbm>>
      %dma_wait3A_796 = tpu.memref_squeeze %dma_wait3A_795 : memref<1x40x128xf32, #tpu.memory_space<hbm>> -> memref<40x128xf32, #tpu.memory_space<hbm>>
      %dma_wait3A_797 = arith.constant 0 : i32
      %dma_wait3A_798 = tpu.memref_slice %arg5[%mul3A_791, %dma_wait3A_797] : memref<10000x128xf32, #tpu.memory_space<vmem_shared>> -> memref<40x128xf32, #tpu.memory_space<vmem_shared>>
      tpu.wait_dma2 semaphore(%arg28 : memref<!tpu.dma_semaphore, #tpu.memory_space<semaphore_mem>>) src(%dma_wait3A_798 : memref<40x128xf32, #tpu.memory_space<vmem_shared>>) dst(%dma_wait3A_796 : memref<40x128xf32, #tpu.memory_space<hbm>>)
    } else {
    }
    %add3A_783 = arith.constant 240 : i32
    %add3A_784 = arith.addi %add3A_783, %arg1 : i32
    %lt3A_785 = arith.constant 250 : i32
    %lt3A_786 = arith.cmpi slt, %add3A_784, %lt3A_785 : i32
    %convert_element_type3A_787 = arith.extui %lt3A_786 : i1 to i32
    %cond3A_788 = arith.constant 0 : i32
    %cond3A_789 = arith.cmpi ne, %convert_element_type3A_787, %cond3A_788 : i32
    scf.if %cond3A_789 {
      %mul3A_790 = arith.constant 40 : i32
      %mul3A_791 = arith.muli %add3A_784, %mul3A_790 : i32
      %mul3A_792 = arith.constant 40 : i32
      %mul3A_793 = arith.muli %add3A_784, %mul3A_792 : i32
      %dma_wait3A_794 = arith.constant 0 : i32
      %dma_wait3A_795 = tpu.memref_slice %arg4[%arg0, %mul3A_793, %dma_wait3A_794] : memref<2x10000x128xf32, #tpu.memory_space<hbm>> -> memref<1x40x128xf32, #tpu.memory_space<hbm>>
      %dma_wait3A_796 = tpu.memref_squeeze %dma_wait3A_795 : memref<1x40x128xf32, #tpu.memory_space<hbm>> -> memref<40x128xf32, #tpu.memory_space<hbm>>
      %dma_wait3A_797 = arith.constant 0 : i32
      %dma_wait3A_798 = tpu.memref_slice %arg5[%mul3A_791, %dma_wait3A_797] : memref<10000x128xf32, #tpu.memory_space<vmem_shared>> -> memref<40x128xf32, #tpu.memory_space<vmem_shared>>
      tpu.wait_dma2 semaphore(%arg29 : memref<!tpu.dma_semaphore, #tpu.memory_space<semaphore_mem>>) src(%dma_wait3A_798 : memref<40x128xf32, #tpu.memory_space<vmem_shared>>) dst(%dma_wait3A_796 : memref<40x128xf32, #tpu.memory_space<hbm>>)
    } else {
    }
    return
  }
}

module attributes {stable_mosaic.version = 14 : i64} {
  func.func @_update_body(%arg0: i32, %arg1: memref<2x2000x128xf32, #tpu.memory_space<vmem>>, %arg2: memref<2000x128xf32, #tpu.memory_space<vmem>>, %arg3: memref<256x128xf32, #tpu.memory_space<vmem>>, %arg4: memref<1x128xf32, #tpu.memory_space<vmem>>, %arg5: memref<2000x128xf32, #tpu.memory_space<vmem>>) attributes {dimension_semantics = [#tpu.dimension_semantics<arbitrary>], iteration_bounds = array<i64: 5>, scalar_prefetch = 0 : i64, scratch_operands = 0 : i64, tpu.core_type = #tpu.core_type<tc>, window_params = [{transform_indices = @transform_0, window_bounds = array<i64: 2, 2000, 128>}, {transform_indices = @transform_1, window_bounds = array<i64: 2000, 128>}, {pipeline_mode = #tpu.pipeline_mode<synchronous>, transform_indices = @transform_2, window_bounds = array<i64: 256, 128>}, {pipeline_mode = #tpu.pipeline_mode<synchronous>, transform_indices = @transform_3, window_bounds = array<i64: 1, 128>}, {transform_indices = @transform_4, window_bounds = array<i64: 2000, 128>}]} {
    %get3A = arith.constant 0 : index
    %get3A_0 = arith.constant 0 : index
    %get3A_1 = arith.constant 0 : index
    %get3A_2 = vector.load %arg1[%get3A, %get3A_0, %get3A_1] : memref<2x2000x128xf32, #tpu.memory_space<vmem>>, vector<1x2000x128xf32>
    %get3A_3 = vector.shape_cast %get3A_2 : vector<1x2000x128xf32> to vector<2000x128xf32>
    %get3A_4 = arith.constant 1 : index
    %get3A_5 = arith.constant 0 : index
    %get3A_6 = arith.constant 0 : index
    %get3A_7 = vector.load %arg1[%get3A_4, %get3A_5, %get3A_6] : memref<2x2000x128xf32, #tpu.memory_space<vmem>>, vector<1x2000x128xf32>
    %get3A_8 = vector.shape_cast %get3A_7 : vector<1x2000x128xf32> to vector<2000x128xf32>
    %add3A = arith.addf %get3A_3, %get3A_8 : vector<2000x128xf32>
    %get3A_9 = arith.constant 0 : index
    %get3A_10 = arith.constant 0 : index
    %get3A_11 = vector.load %arg3[%get3A_9, %get3A_10] : memref<256x128xf32, #tpu.memory_space<vmem>>, vector<128x128xf32>
    %dot_general3A = arith.constant dense<0.000000e+00> : vector<2000x128xf32>
    %dot_general3A_12 = tpu.matmul %add3A, %get3A_11, %dot_general3A {dimension_numbers = #tpu.dot_dimension_numbers<[1], [0], [0], [1], [0, 0, 1, 1], [], []>, transpose_lhs_hint = false} : vector<2000x128xf32>, vector<128x128xf32>, vector<2000x128xf32> -> vector<2000x128xf32>
    %get3A_13 = arith.constant 0 : index
    %get3A_14 = arith.constant 0 : index
    %get3A_15 = vector.load %arg2[%get3A_13, %get3A_14] : memref<2000x128xf32, #tpu.memory_space<vmem>>, vector<2000x128xf32>
    %get3A_16 = arith.constant 128 : index
    %get3A_17 = arith.constant 0 : index
    %get3A_18 = vector.load %arg3[%get3A_16, %get3A_17] : memref<256x128xf32, #tpu.memory_space<vmem>>, vector<128x128xf32>
    %dot_general3A_19 = arith.constant dense<0.000000e+00> : vector<2000x128xf32>
    %dot_general3A_20 = tpu.matmul %get3A_15, %get3A_18, %dot_general3A_19 {dimension_numbers = #tpu.dot_dimension_numbers<[1], [0], [0], [1], [0, 0, 1, 1], [], []>, transpose_lhs_hint = false} : vector<2000x128xf32>, vector<128x128xf32>, vector<2000x128xf32> -> vector<2000x128xf32>
    %add3A_21 = arith.addf %dot_general3A_12, %dot_general3A_20 : vector<2000x128xf32>
    %get3A_22 = arith.constant 0 : index
    %get3A_23 = arith.constant 0 : index
    %get3A_24 = vector.load %arg4[%get3A_22, %get3A_23] : memref<1x128xf32, #tpu.memory_space<vmem>>, vector<1x128xf32>
    %add3A_25 = vector.broadcast %get3A_24 : vector<1x128xf32> to vector<2000x128xf32>
    %add3A_26 = arith.addf %add3A_21, %add3A_25 : vector<2000x128xf32>
    %swap3A = arith.constant 0 : index
    %swap3A_27 = arith.constant 0 : index
    %swap3A_28 = vector.load %arg5[%swap3A, %swap3A_27] : memref<2000x128xf32, #tpu.memory_space<vmem>>, vector<2000x128xf32>
    tpu.vector_store %arg5[%swap3A, %swap3A_27], %add3A_26 {strides = array<i32>} : memref<2000x128xf32, #tpu.memory_space<vmem>>, vector<2000x128xf32>,
    return
  }
  func.func @transform_0(%arg0: i32) -> (i32, i32, i32) {
    %c0_i32 = arith.constant 0 : i32
    %c0_i32_0 = arith.constant 0 : i32
    %c0_i32_1 = arith.constant 0 : i32
    return %c0_i32, %arg0, %c0_i32_0 : i32, i32, i32
  }
  func.func @transform_1(%arg0: i32) -> (i32, i32) {
    %c0_i32 = arith.constant 0 : i32
    %c0_i32_0 = arith.constant 0 : i32
    return %arg0, %c0_i32 : i32, i32
  }
  func.func @transform_2(%arg0: i32) -> (i32, i32) {
    %c0_i32 = arith.constant 0 : i32
    %c0_i32_0 = arith.constant 0 : i32
    %c0_i32_1 = arith.constant 0 : i32
    return %c0_i32, %c0_i32_0 : i32, i32
  }
  func.func @transform_3(%arg0: i32) -> (i32, i32) {
    %c0_i32 = arith.constant 0 : i32
    %c0_i32_0 = arith.constant 0 : i32
    %c0_i32_1 = arith.constant 0 : i32
    return %c0_i32, %c0_i32_0 : i32, i32
  }
  func.func @transform_4(%arg0: i32) -> (i32, i32) {
    %c0_i32 = arith.constant 0 : i32
    %c0_i32_0 = arith.constant 0 : i32
    return %arg0, %c0_i32 : i32, i32
  }
}

</mosaic_0001>

<sc_bundles>
// kernel: kernel.4.cloned.1.call-start
scs
__scs_entry_jumppad:
0x0: {  	(pc) =	sbr.rel $0x88, $3  }
0x1: {  	(tag) =	ssettag $0x0;
	lr =	simm.s32 $0x1  }
0x2: {  	[smem:$0x3F9C] =	sst lr;
	_ =	strace $0xD0000000  }
0x3: {  	_ = 	snop  }
0x4: {  	_ = 	snop  }
0x5: {  	_ = 	snop  }
0x6: {  	_ = 	snop  }
0x7: {  	_ = 	snop  }
__scs_overlays_trampoline_lowered:
0x8: {  	[smem:$0x3FAB] =	sst s0  }
0x9: {  	[smem:$0x3FAC] =	sst s1  }
0xa: {  	[smem:$0x3FAD] =	sst s2  }
0xb: {  	[smem:$0x3FAE] =	sst s3  }
0xc: {  	[smem:$0x3FAF] =	sst s4  }
0xd: {  	[smem:$0x3FB0] =	sst s5  }
0xe: {  	[smem:$0x3FB1] =	sst s6  }
0xf: {  	[smem:$0x3FB2] =	sst s7  }
0x10: {  	[smem:$0x3FB3] =	sst s8  }
0x11: {  	[smem:$0x3FB4] =	sst s9;
	s0 =	simm.s32 @!p0 $0x0  }
0x12: {  	s1 =	sld [smem:$0x3F9A];
	s0 =	simm.s32 @p0 $0x1  }
0x13: {  	[smem:$0x3FB5] =	sst s0;
	s0 =	simm.s32 @!p1 $0x0  }
0x14: {  	s2 =	sld [smem:$0x3F99];
	s0 =	simm.s32 @p1 $0x1  }
0x15: {  	[smem:$0x3FB6] =	sst s0;
	s0 =	simm.s32 @!p2 $0x0  }
0x16: {  	s3 =	sld [smem:$0x3FDB];
	s0 =	simm.s32 @p2 $0x1  }
0x17: {  	s4 =	simm.s32 $0x1BF5;
	[smem:$0x3FB8] =	sst s0  }
0x18: {  	s0 =	sld [smem:$0x3F9B];
	_ =	swait.ge [sflag:s4], $0x0  }
0x19: {  	s7 =	sld [smem:$0x3F9C]  }
0x1a: {  	s8 =	sadd.s32 $0xFFFFE003, lr  }
0x1b: {  	s9 =	sadd.s32 $0xFFFFFEF7, lr;
	s5 =	simm.s32 $0xFFFFFFFF;
	p2 =	slt.u32 s8, $0xFFFFF086  }
0x1c: {  	p1 =	slt.u32 s9, $0xF7A;
	s5 =	simm.s32 @!p2 $0x0  }
0x1d: {  	s5 =	simm.s32 @p1 $0x1;
	p0 =	seq.s32 s7, s2  }
0x1e: {  	s7 =	smul.u32 @!p0 $0xF7A, s2;
	p2 =	seq.s32 @!p0 s5, $0x0  }
0x1f: {  	s9 =	smul.u32 $0xF7A, s1;
	s8 =	simm.s32 @!p0 $0x1BF5;
	p2 =	por !p2, p0  }
0x20: {  	[sflag:s8] =	ssyncset.s32 @!p0 $0xFFFFF086;
	s6 =	sadd.s32 @!p0 s3, s7;
	s7 =	simm.s32 @!p0 $0x108  }
0x21: {  	s3 =	sadd.s32 s3, s9;
	s6 =	sadd.s32 @!p0 $0x88, s6;
	s7 =	simm.s32 @p2 $0x1082  }
0x22: {  	[simem:s7], [sflag:s8] =	dma.local @!p0 [hbm:s6], $0xF7A  }
0x23: {  	s9 =	sor.u32 $0xD0000000, s2;
	s6 =	simm.s32 $0x108;
	_ =	swait.ge @!p0 [sflag:s8], $0x0  }
0x24: {  	s3 =	sadd.s32 $0x88, s3;
	s6 =	simm.s32 @!p1 $0x1082;
	[sflag:s4] =	ssyncset.s32 $0xFFFFF086  }
0x25: {  	[simem:s6], [sflag:s4] =	dma.local [hbm:s3], $0xF7A  }
0x26: {  	[smem:$0x3F9C] =	sst s1;
	(tag) =	ssettag s2;
	_ =	strace s9  }
0x27: {  	s1 =	sld [smem:$0x3FAC]  }
0x28: {  	s2 =	sld [smem:$0x3FAD]  }
0x29: {  	s4 =	sld [smem:$0x3FAF]  }
0x2a: {  	p0 =	seq.s32 s5, $0x0;
	s5 =	sld [smem:$0x3FB0]  }
0x2b: {  	s6 =	sld [smem:$0x3FB1]  }
0x2c: {  	s7 =	sld [smem:$0x3FB2]  }
0x2d: {  	s3 =	simm.s32 $0x108;
	s8 =	sld [smem:$0x3FB3]  }
0x2e: {  	s3 =	simm.s32 @!p0 $0x1082;
	s9 =	sld [smem:$0x3FB4]  }
0x2f: {  	lr =	sadd.s32 s0, s3;
	s0 =	sld [smem:$0x3FAB]  }
0x30: {  	s3 =	sld [smem:$0x3FAE]  }
0x31: {  	[smem:$0x3FB7] =	sst s10  }
0x32: {  	s10 =	sld [smem:$0x3FB5];
	_ =	sdelay $0x3  }
0x33: {  	p0 =	seq.s32 s10, $0x1;
	s10 =	sld [smem:$0x3FB7];
	_ =	sdelay $0x3  }
0x34: {  	[smem:$0x3FB7] =	sst s10  }
0x35: {  	s10 =	sld [smem:$0x3FB6];
	_ =	sdelay $0x3  }
0x36: {  	p1 =	seq.s32 s10, $0x1;
	s10 =	sld [smem:$0x3FB7];
	_ =	sdelay $0x3  }
0x37: {  	[smem:$0x3FB7] =	sst s10  }
0x38: {  	s10 =	sld [smem:$0x3FB8]  }
0x39: {  	_ = 	snop;
	(pc) =	sbr.ind lr, $3  }
0x3a: {  	_ = 	snop  }
0x3b: {  	_ = 	snop  }
0x3c: {  	p2 =	seq.s32 s10, $0x1;
	s10 =	sld [smem:$0x3FB7]  }
0x3d: {  	_ =	shalt  }
0x3e: {  	_ =	shalt  }
0x3f: {  	_ =	shalt  }
0x40: {  	_ =	shalt  }
0x41: {  	_ =	shalt  }
0x42: {  	_ =	shalt  }
0x43: {  	_ =	shalt  }
0x44: {  	_ =	shalt  }
0x45: {  	_ =	shalt  }
0x46: {  	_ =	shalt  }
0x47: {  	_ =	shalt  }
0x48: {  	_ =	shalt  }
0x49: {  	_ =	shalt  }
0x4a: {  	_ =	shalt  }
0x4b: {  	_ =	shalt  }
0x4c: {  	_ =	shalt  }
0x4d: {  	_ =	shalt  }
0x4e: {  	_ =	shalt  }
0x4f: {  	_ =	shalt  }
0x50: {  	_ =	shalt  }
0x51: {  	_ =	shalt  }
0x52: {  	_ =	shalt  }
0x53: {  	_ =	shalt  }
0x54: {  	_ =	shalt  }
0x55: {  	_ =	shalt  }
0x56: {  	_ =	shalt  }
0x57: {  	_ =	shalt  }
0x58: {  	_ =	shalt  }
0x59: {  	_ =	shalt  }
0x5a: {  	_ =	shalt  }
0x5b: {  	_ =	shalt  }
0x5c: {  	_ =	shalt  }
0x5d: {  	_ =	shalt  }
0x5e: {  	_ =	shalt  }
0x5f: {  	_ =	shalt  }
0x60: {  	_ =	shalt  }
0x61: {  	_ =	shalt  }
0x62: {  	_ =	shalt  }
0x63: {  	_ =	shalt  }
0x64: {  	_ =	shalt  }
0x65: {  	_ =	shalt  }
0x66: {  	_ =	shalt  }
0x67: {  	_ =	shalt  }
0x68: {  	_ =	shalt  }
0x69: {  	_ =	shalt  }
0x6a: {  	_ =	shalt  }
0x6b: {  	_ =	shalt  }
0x6c: {  	_ =	shalt  }
0x6d: {  	_ =	shalt  }
0x6e: {  	_ =	shalt  }
0x6f: {  	_ =	shalt  }
0x70: {  	_ =	shalt  }
0x71: {  	_ =	shalt  }
0x72: {  	_ =	shalt  }
0x73: {  	_ =	shalt  }
0x74: {  	_ =	shalt  }
0x75: {  	_ =	shalt  }
0x76: {  	_ =	shalt  }
0x77: {  	_ =	shalt  }
0x78: {  	_ =	shalt  }
0x79: {  	_ =	shalt  }
0x7a: {  	_ =	shalt  }
0x7b: {  	_ =	shalt  }
0x7c: {  	_ =	shalt  }
0x7d: {  	_ =	shalt  }
0x7e: {  	_ =	shalt  }
0x7f: {  	_ =	shalt  }
0x80: {  	_ =	shalt  }
0x81: {  	_ =	shalt  }
0x82: {  	_ =	shalt  }
0x83: {  	_ =	shalt  }
0x84: {  	_ =	shalt  }
0x85: {  	_ =	shalt  }
0x86: {  	_ =	shalt  }
0x87: {  	_ =	shalt  }
.Lfunc_end0:
.L_simem_size_0:
called_computation_lowered:
.L_overlay_start_0:
0x88: {  	s2 =	sld [smem:$0x3FD9]  }
0x89: {  	s3 =	sld [smem:$0x3FFE];
	_ =	sdelay $0x1  }
0x8a: {  	s1 =	srdreg.scid  }
0x8b: {  	s0 =	sand.u32 $0x1, s1  }
0x8c: {  	s17 =	sshll.u32 s0, $0xA;
	s2 =	sadd.s32 s3, s2  }
0x8d: {  	s2 =	sadd.s32 s2, s17  }
0x8e: {  	[smem:$0x3FC3] =	sst s2  }
0x8f: {  	_ = 	snop  }
0x90: {  	s2 =	sld [smem:$0x3FC8]  }
0x91: {  	s18 =	sld [smem:$0x3FD0];
	(tm) =	ssettm $0x1  }
0x92: {  	s4 =	sld [smem:$0x3FFB];
	_ =	sdelay $0x3  }
0x93: {  	_ =	strace s4  }
0x94: {  	s4 =	sld [smem:$0x3FFC];
	_ =	sdelay $0x3  }
0x95: {  	_ =	strace s4  }
0x96: {  	s4 =	sld [smem:$0x3FFD];
	_ =	sdelay $0x3  }
0x97: {  	_ =	strace s4  }
0x98: {  	_ =	strace $0x8FFFFFFF  }
0x99: {  	s19 =	sld [smem:$0x3FDB];
	_ =	sdelay $0x1  }
0x9a: {  	s5 =	simm.s32 $_scs_section_size  }
0x9b: {  	s6 =	simm.s32 $_size__tile_overlayer_lowered;
	s7 =	simm.s32 $_tile_overlayer_lowered  }
0x9c: {  	s22 =	simm.s32 $0x1BFF;
	s21 =	sshll.u32 s7, $0x1;
	s4 =	sadd.s32 s5, s19  }
0x9d: {  	s8 =	simm.s32 $0x0;
	s20 =	sshll.u32 s6, $0x1;
	s6 =	sadd.s32 s21, s4  }
0x9e: {  	[timem:s8], [sflag:s22] =	dma.local [hbm:s6], s20  }
0x9f: {  	_ =	swait.ge [sflag:s22], s20  }
0xa0: {  	s5 =	ssub.s32 $0x0, s20;
	[sflag:s22] =	ssyncset.done $0x0  }
0xa1: {  	[sflag:s22] =	ssyncadd.s32 s5;
	_ =	sdelay $0x1  }
0xa2: {  	s23 =	simm.s32 $0x1B8B  }
0xa3: {  	_ =	swait.ge [sflag:s23], $0x1  }
0xa4: {  	[sflag:s23] =	ssyncset.done $0x0  }
0xa5: {  	s25 =	simm.s32 $0x1B8E;
	s24 =	sld [smem:$0x3FFE];
	[sflag:s23] =	ssyncadd.s32 $0xFFFFFFFF  }
0xa6: {  	s26 =	simm.s32 $execute0_lowered;
	[smem:$0x3FD2] =	sst s25  }
0xa7: {  	s6 =	sshll.u32 s26, $0x1;
	_ =	strace $0x80000046;
	[dreg:$0x1] =	wrdreg $0xFFFFFFFF  }
0xa8: {  	s28 =	simm.s32 $_size_execute0_lowered;
	s4 =	sadd.s32 s4, s6;
	[dreg:$0x0] =	wrdreg $0x0  }
0xa9: {  	s6 =	sshll.u32 s28, $0x1;
	[dreg:$0x2] =	wrdreg s4  }
0xaa: {  	[dreg:$0x3] =	wrdreg s6  }
0xab: {  	[dreg:$0x4] =	wrdreg $0xC0  }
0xac: {  	_ =	task [dreg:s8], $0x5FFFF  }
0xad: {  	[dreg:$0x1] =	wrdreg $0xFFFFFFFF  }
0xae: {  	[dreg:$0x0] =	wrdreg $0x60  }
0xaf: {  	[dreg:$0x2] =	wrdreg s2  }
0xb0: {  	[dreg:$0x3] =	wrdreg s18  }
0xb1: {  	[dreg:$0x4] =	wrdreg s24  }
0xb2: {  	[dreg:$0x5] =	wrdreg $0x0  }
0xb3: {  	[dreg:$0x6] =	wrdreg $0x9  }
0xb4: {  	_ =	task.clear_ibuf [dreg:s8], $0x7FFFF;
	_ =	strace $0x90000046  }
0xb5: {  	s29 =	simm.s32 $0x9;
	_ =	strace $0x80000048  }
0xb6: {  	_ =	swait.ge [sflag:s29], $0x1  }
0xb7: {  	[sflag:s29] =	ssyncadd.s32 $0xFFFFFFFF  }
0xb8: {  	_ =	strace $0x90000048  }
0xb9: {  	_ =	sfence  }
0xba: {  	s30 =	sld [smem:$0x0];
	_ =	sdelay $0x2  }
0xbb: {  	s31 =	sshll.u32 s1, $0xD;
	s1 =	sshrl.u32 s1, $0x2  }
0xbc: {  	s3 =	sand.u32 $0x4000, s31;
	s1 =	sadd.s32 s1, s30  }
0xbd: {  	s0 =	sor.u32 s3, s0;
	s1 =	sshll.u32 s1, $0x11  }
0xbe: {  	s0 =	sor.u32 s1, s0  }
0xbf: {  	s0 =	sadd.s32 $0x8F2B, s0  }
0xc0: {  	[sflag:s0] =	ssyncadd.remote.s32 $0x1  }
0xc1: {  	_ =	sfence.sel $0xFFFF  }
0xc2: {  	[dreg:$0x0] =	wrdreg $0xFFFFFFFF;
	(pc) =	sbr.abs _section_cstart, $3  }
0xc3: {  	[dreg:$0x1] =	wrdreg $0xFFFFFFFF  }
0xc4: {  	_ =	task.clear_ibuf [dreg:s8], $0x2FFFF;
	_ =	strace $0x9FFFFFFF  }
0xc5: {  	(tm) =	ssettm $0x7FFFFFFF  }
tec
execute0_lowered:
.L_overlay_start_1:
0x0: {  	(tag) =	ssettag $0x1  }
0x1: {  	s0 =	srdreg.scid;
	s5 =	stileid.u32  }
0x2: {  	s16 =	sand.u32 $0x1, s0;
	s2 =	smul.u32 $0x1400, s5  }
0x3: {  	s15 =	sor.u32 $0x10, s5;
	s18 =	smul.u32 $0x138800, s16  }
0x4: {  	s9 =	sor.u32 $0x20, s5;
	s11 =	smul.u32 $0x1400, s15  }
0x5: {  	s10 =	sor.u32 $0x30, s5;
	s12 =	smul.u32 $0x1400, s9  }
0x6: {  	s8 =	sor.u32 $0x40, s5;
	s13 =	smul.u32 $0x1400, s10  }
0x7: {  	s1 =	rddreg [dreg:$0x2];
	s7 =	sor.u32 $0x50, s5;
	s14 =	smul.u32 $0x1400, s8  }
0x8: {  	s17 =	sadd.s32 $0xC00, s1;
	s6 =	sor.u32 $0x60, s5;
	s19 =	smul.u32 $0x1400, s7  }
0x9: {  	s22 =	sor.u32 $0x70, s5;
	s4 =	sor.u32 $0x80, s5;
	s21 =	smul.u32 $0x1400, s6  }
0xa: {  	s3 =	sor.u32 $0x90, s5;
	[smem:$0x7CC] =	sst s22;
	s22 =	smul.u32 $0x1400, s22  }
0xb: {  	s1 =	sor.u32 $0xB0, s5;
	[smem:$0x7CE] =	sst s3;
	s3 =	smul.u32 $0x1400, s3  }
0xc: {  	s0 =	ssub.s32 $0x2, s16;
	[smem:$0x7CD] =	sst s4;
	s28 =	smul.u32 $0x1400, s1  }
0xd: {  	[smem:$0x7D1] =	sst s1;
	s9 =	smul.u32 $0x5000, s9;
	s26 =	sshrl.u32 s0, $0x1  }
0xe: {  	s0 =	ssub.s32 s0, s26;
	s20 =	sadd.s32 s2, s18;
	s23 =	sadd.s32 s18, s11  }
0xf: {  	s24 =	sadd.s32 s18, s12;
	s2 =	smul.u32 $0x1400, s4;
	s25 =	sadd.s32 s18, s13  }
0x10: {  	s26 =	sadd.s32 s18, s14;
	s19 =	sadd.s32 s18, s19;
	s21 =	sadd.s32 s18, s21  }
0x11: {  	s22 =	sadd.s32 s18, s22;
	s11 =	sor.u32 $0xC0, s5;
	s12 =	sor.u32 $0xD0, s5  }
0x12: {  	s31 =	sadd.s32 s18, s3;
	s14 =	sor.u32 $0xF0, s5;
	s30 =	smul.u32 $0x1400, s11  }
0x13: {  	s13 =	sor.u32 $0xE0, s5;
	s28 =	sadd.s32 s18, s28;
	s1 =	smul.u32 $0x1400, s14  }
0x14: {  	[smem:$0x7F2] =	sst s0;
	s0 =	sor.u32 $0xA0, s5;
	s11 =	smul.u32 $0x5000, s11  }
0x15: {  	s20 =	sshrl.u32 s20, $0x3;
	s19 =	sshrl.u32 s19, $0x3;
	s4 =	smul.u32 $0x1400, s0  }
0x16: {  	[smem:$0x7CF] =	sst s0;
	s29 =	sadd.s32 s18, s2;
	s0 =	smul.u32 $0x1400, s12  }
0x17: {  	s20 =	sadd.s32 s17, s20;
	s30 =	sadd.s32 s18, s30;
	s1 =	sadd.s32 s18, s1  }
0x18: {  	[dreg:$0x5] =	wrdreg s20;
	s20 =	sshrl.u32 s23, $0x3;
	s23 =	sshrl.u32 s24, $0x3  }
0x19: {  	s24 =	sshrl.u32 s25, $0x3;
	s3 =	sadd.s32 s18, s4;
	s4 =	smul.u32 $0x1400, s13  }
0x1a: {  	s2 =	sadd.s32 s18, s0;
	s0 =	sshll.u32 s5, $0x1;
	s25 =	sadd.s32 s17, s23  }
0x1b: {  	s23 =	sshrl.u32 s26, $0x3;
	s1 =	sshrl.u32 s1, $0x3;
	s0 =	sor.u32 s16, s0  }
0x1c: {  	[dreg:$0x7] =	wrdreg s25;
	s25 =	sadd.s32 s17, s19;
	s19 =	sshrl.u32 s22, $0x3  }
0x1d: {  	s3 =	sshrl.u32 s3, $0x3;
	s1 =	sadd.s32 s17, s1;
	[dreg:$0xa] =	wrdreg s25  }
0x1e: {  	s4 =	sadd.s32 s18, s4;
	s18 =	sadd.s32 s17, s20;
	[dreg:$0x14] =	wrdreg s1  }
0x1f: {  	s2 =	sshrl.u32 s2, $0x3;
	s20 =	sadd.s32 s17, s24;
	[dreg:$0x6] =	wrdreg s18  }
0x20: {  	s24 =	sshrl.u32 s21, $0x3;
	s3 =	sadd.s32 s17, s3;
	[dreg:$0x8] =	wrdreg s20  }
0x21: {  	s21 =	sshrl.u32 s31, $0x3;
	s2 =	sadd.s32 s17, s2;
	[dreg:$0xf] =	wrdreg s3  }
0x22: {  	s25 =	sshrl.u32 s30, $0x3;
	s18 =	sadd.s32 s17, s23;
	[dreg:$0x12] =	wrdreg s2  }
0x23: {  	s26 =	sadd.s32 s17, s24;
	s20 =	sshrl.u32 s29, $0x3;
	[dreg:$0x9] =	wrdreg s18  }
0x24: {  	s23 =	sadd.s32 s17, s21;
	s2 =	smul.u32 $0x2710, s16;
	[dreg:$0xb] =	wrdreg s26  }
0x25: {  	s24 =	sshrl.u32 s28, $0x3;
	s21 =	smul.u32 $0x138800, s0;
	[dreg:$0xe] =	wrdreg s23  }
0x26: {  	s18 =	sadd.s32 s17, s19;
	s22 =	sadd.s32 s17, s20;
	s23 =	rddreg [dreg:$0x0]  }
0x27: {  	s26 =	sadd.s32 s17, s24;
	s19 =	sshrl.u32 s4, $0x3;
	[dreg:$0xc] =	wrdreg s18  }
0x28: {  	s4 =	smul.u32 $0x27100, s16;
	s16 =	simm.s32 $0x0;
	[dreg:$0xd] =	wrdreg s22  }
0x29: {  	s24 =	smul.u32 $0x4E200, s5;
	[dreg:$0x10] =	wrdreg s26;
	s18 =	sadd.s32 s17, s25  }
0x2a: {  	s20 =	sadd.s32 s17, s19;
	[smem:$0x7FF] =	sst s16;
	s22 =	smul.u32 $0x27100, s0  }
0x2b: {  	s3 =	sshrl.u32 s21, $0x3;
	s25 =	smul.u32 $0x4E20, s5;
	[dreg:$0x11] =	wrdreg s18  }
0x2c: {  	[dreg:$0x13] =	wrdreg s20;
	s17 =	sadd.s32 s23, s3;
	s26 =	sadd.s32 s24, s23  }
0x2d: {  	s20 =	smul.u32 $0x2710, s0;
	s1 =	sadd.s32 s23, s22;
	s23 =	rddreg [dreg:$0x1]  }
0x2e: {  	s21 =	sadd.s32 s4, s26;
	s19 =	sadd.s32 s2, s25;
	s22 =	rddreg [dreg:$0x3]  }
0x2f: {  	s26 =	smul.u32 $0x5000, s5;
	s2 =	sshrl.u32 s9, $0x2;
	[dreg:$0x15] =	wrdreg s1  }
0x30: {  	s0 =	sshrl.u32 s20, $0x3;
	s3 =	sadd.s32 $0x4E228, s20;
	s24 =	sadd.s32 $0x4E278, s20  }
0x31: {  	s25 =	sadd.s32 $0x4E2C8, s20;
	_ =	strace $0x80000047;
	s18 =	sadd.s32 s23, s0  }
0x32: {  	s4 =	sshrl.u32 s3, $0x3;
	s1 =	sshrl.u32 s24, $0x3;
	s24 =	smul.u32 $0x5000, s10  }
0x33: {  	s0 =	sadd.s32 s23, s4;
	s1 =	sadd.s32 s23, s1;
	s10 =	sld [smem:$0x7CC]  }
0x34: {  	s4 =	sshrl.u32 s25, $0x3;
	[dreg:$0x16] =	wrdreg s0;
	s0 =	smul.u32 $0x5000, s15  }
0x35: {  	[dreg:$0x17] =	wrdreg s1;
	s1 =	sadd.s32 s23, s4;
	s15 =	sshrl.u32 s26, $0x2  }
0x36: {  	s4 =	smul.u32 $0x5000, s7;
	s7 =	sshrl.u32 s24, $0x2;
	s24 =	sld [smem:$0x7CD]  }
0x37: {  	s26 =	smul.u32 $0x5000, s8;
	[dreg:$0x18] =	wrdreg s1;
	s25 =	sadd.s32 s15, s22  }
0x38: {  	s0 =	sshrl.u32 s0, $0x2;
	s15 =	sshrl.u32 s4, $0x2;
	s4 =	sld [smem:$0x7CE]  }
0x39: {  	s8 =	smul.u32 $0x5000, s6;
	[dreg:$0x19] =	wrdreg s25;
	s0 =	sadd.s32 s0, s22  }
0x3a: {  	s9 =	sshrl.u32 s26, $0x2;
	[dreg:$0x1a] =	wrdreg s0;
	s0 =	sadd.s32 s2, s22  }
0x3b: {  	s1 =	smul.u32 $0x5000, s10;
	s26 =	sshrl.u32 s8, $0x2;
	[dreg:$0x1b] =	wrdreg s0  }
0x3c: {  	s2 =	smul.u32 $0x5000, s24;
	s0 =	sadd.s32 s7, s22;
	s7 =	sld [smem:$0x7CF]  }
0x3d: {  	s6 =	sshrl.u32 s1, $0x2;
	s3 =	smul.u32 $0x5000, s4;
	[dreg:$0x1c] =	wrdreg s0  }
0x3e: {  	s4 =	smul.u32 $0x5000, s13;
	s0 =	sadd.s32 s9, s22;
	s9 =	sld [smem:$0x7D1]  }
0x3f: {  	s13 =	sadd.s32 $0x4E368, s20;
	[dreg:$0x1d] =	wrdreg s0;
	s0 =	sadd.s32 s15, s22  }
0x40: {  	s8 =	sshrl.u32 s2, $0x2;
	s10 =	sshrl.u32 s3, $0x2;
	[dreg:$0x1e] =	wrdreg s0  }
0x41: {  	s0 =	sadd.s32 s26, s22;
	s1 =	smul.u32 $0x5000, s7;
	s24 =	sadd.s32 s10, s22  }
0x42: {  	s26 =	smul.u32 $0x5000, s12;
	s10 =	sadd.s32 $0x4E318, s20;
	[dreg:$0x1f] =	wrdreg s0  }
0x43: {  	s0 =	sadd.s32 s6, s22;
	s6 =	smul.u32 $0x5000, s14;
	[smem:$0x7FC] =	sst s24  }
0x44: {  	s12 =	sshrl.u32 s10, $0x3;
	s10 =	sadd.s32 $0x9C7C, s18;
	[smem:$0x7D0] =	sst s0  }
0x45: {  	s14 =	sadd.s32 $0x4E3B8, s20;
	s0 =	sadd.s32 s8, s22;
	[smem:$0x7E2] =	sst s10  }
0x46: {  	s15 =	sshrl.u32 s1, $0x2;
	s1 =	sshrl.u32 s26, $0x2;
	s10 =	sld [smem:$0x7F2]  }
0x47: {  	s8 =	sshrl.u32 s4, $0x2;
	s4 =	sadd.s32 $0x9C4A, s18;
	[smem:$0x7D2] =	sst s0  }
0x48: {  	s26 =	sadd.s32 $0x4E408, s20;
	s20 =	sadd.s32 $0xC80, s17;
	[smem:$0x7DD] =	sst s4  }
0x49: {  	s3 =	sshrl.u32 s11, $0x2;
	s0 =	sadd.s32 s15, s22;
	[smem:$0x7E8] =	sst s20  }
0x4a: {  	s2 =	smul.u32 $0x5000, s9;
	s7 =	sadd.s32 s1, s22;
	[smem:$0x7D3] =	sst s0  }
0x4b: {  	s15 =	sadd.s32 s3, s22;
	s3 =	sadd.s32 $0x9C40, s18;
	[smem:$0x7D5] =	sst s7  }
0x4c: {  	s9 =	sshrl.u32 s6, $0x2;
	s6 =	sadd.s32 $0x9C54, s18;
	[smem:$0x7DC] =	sst s3  }
0x4d: {  	s1 =	sshrl.u32 s14, $0x3;
	s14 =	sadd.s32 $0x780, s17;
	[smem:$0x7DE] =	sst s6  }
0x4e: {  	s4 =	sadd.s32 $0x1B80, s17;
	[smem:$0x7E6] =	sst s14  }
0x4f: {  	s2 =	sshrl.u32 s2, $0x2;
	[smem:$0x7EE] =	sst s4  }
0x50: {  	s0 =	sadd.s32 s2, s22;
	[smem:$0x7FD] =	sst s15  }
0x51: {  	p0 =	sgt.u32 s5, $0x9;
	s11 =	sadd.s32 s9, s22;
	[smem:$0x7D4] =	sst s0  }
0x52: {  	s30 =	simm.s32 $0x6;
	s1 =	sadd.s32 s23, s1;
	[smem:$0x7D7] =	sst s11  }
0x53: {  	s31 =	simm.s32 $0x8;
	s7 =	sadd.s32 $0x9C5E, s18;
	[smem:$0x7DA] =	sst s1  }
0x54: {  	s28 =	simm.s32 $0x3;
	s9 =	sadd.s32 $0x9C72, s18;
	[smem:$0x7DF] =	sst s7  }
0x55: {  	s2 =	sshrl.u32 s26, $0x3;
	s26 =	sadd.s32 $0x1180, s17;
	[smem:$0x7E1] =	sst s9  }
0x56: {  	s29 =	simm.s32 $0x4;
	s3 =	sadd.s32 $0x1900, s17;
	[smem:$0x7EA] =	sst s26  }
0x57: {  	s5 =	simm.s32 $0x10;
	s6 =	sadd.s32 $0x1E00, s17;
	[smem:$0x7ED] =	sst s3  }
0x58: {  	s20 =	sadd.s32 $0x4E570, s19;
	s0 =	sadd.s32 s8, s22;
	[smem:$0x7EF] =	sst s6  }
0x59: {  	s4 =	simm.s32 $0xB;
	s8 =	sadd.s32 $0x9C68, s18;
	[smem:$0x7D6] =	sst s0  }
0x5a: {  	s11 =	sadd.s32 $0x9C86, s18;
	s18 =	sadd.s32 $0xA00, s17;
	[smem:$0x7E0] =	sst s8  }
0x5b: {  	s1 =	sadd.s32 $0x1400, s17;
	s7 =	sadd.s32 $0x2080, s17;
	[smem:$0x7E3] =	sst s11  }
0x5c: {  	s9 =	sadd.s32 $0x4E480, s19;
	s26 =	sadd.s32 $0x4E458, s19;
	[smem:$0x7E7] =	sst s18  }
0x5d: {  	s3 =	simm.s32 $0xA;
	s6 =	simm.s32 $0xD;
	[smem:$0x7EB] =	sst s1  }
0x5e: {  	s0 =	sadd.s32 s23, s12;
	s12 =	sadd.s32 $0x280, s17;
	[smem:$0x7F0] =	sst s7  }
0x5f: {  	s8 =	sadd.s32 $0x2300, s17;
	s1 =	smax.u32 s10, $0x1;
	[smem:$0x7D8] =	sst s0  }
0x60: {  	s11 =	sadd.s32 $0x4E4A8, s19;
	s18 =	sadd.s32 $0x4E548, s19;
	[smem:$0x7E4] =	sst s12  }
0x61: {  	s10 =	simm.s32 $0x1B480;
	s7 =	simm.s32 $0x1;
	[smem:$0x7F1] =	sst s8  }
0x62: {  	s0 =	sshrl.u32 s13, $0x3;
	s13 =	sadd.s32 $0x500, s17;
	[smem:$0x7F3] =	sst s1  }
0x63: {  	s12 =	sadd.s32 $0x4E4D0, s19;
	s0 =	sadd.s32 s23, s0;
	[smem:$0x7E5] =	sst s13  }
0x64: {  	s1 =	simm.s32 $0x13B80;
	[smem:$0x7D9] =	sst s0;
	s0 =	sadd.s32 s23, s2  }
0x65: {  	s8 =	simm.s32 $0xF;
	s23 =	sadd.s32 $0xF00, s17;
	[smem:$0x7DB] =	sst s0  }
0x66: {  	s13 =	sadd.s32 $0x4E4F8, s19;
	s2 =	sadd.s32 $0x1680, s17;
	[smem:$0x7E9] =	sst s23  }
0x67: {  	s14 =	sshrl.u32 s13, $0x3;
	s17 =	sadd.s32 $0x4E520, s19;
	[smem:$0x7EC] =	sst s2  }
0x68: {  	s0 =	sshrl.u32 s9, $0x3;
	[smem:$0x7F7] =	sst s14;
	s23 =	sshrl.u32 s20, $0x3  }
0x69: {  	s14 =	simm.s32 $0x13900;
	s2 =	simm.s32 $0x9;
	[smem:$0x7F4] =	sst s0  }
0x6a: {  	s20 =	simm.s32 $0x28;
	s0 =	sshrl.u32 s11, $0x3;
	[smem:$0x7FA] =	sst s23  }
.Ltmp0:
0x6b: {  	[smem:$0x7F5] =	sst s0;
	s0 =	sshrl.u32 s12, $0x3;
	(pc) =	sbr.rel .LBB2_1-.Ltmp0, $4  }
0x6c: {  	s23 =	simm.s32 $0x15080;
	[smem:$0x7F6] =	sst s0;
	s0 =	sshrl.u32 s17, $0x3  }
0x6d: {  	s17 =	simm.s32 $0x13880;
	[smem:$0x7F8] =	sst s0;
	s0 =	sshrl.u32 s18, $0x3  }
0x6e: {  	s18 =	simm.s32 $0x13C80;
	[smem:$0x7F9] =	sst s0;
	s0 =	sshrl.u32 s26, $0x3  }
0x6f: {  	v0 =	vimm.f32 $0.0e+00;
	s26 =	simm.s32 $0x2;
	[smem:$0x7FB] =	sst s0;
	s0 =	simm.s32 $0x0  }
.LBB2_6:
0x70: {  	_ =	swait.ge [sflag:s7], $0x28  }
0x71: {  	[sflag:s7] =	ssyncset.done $0x0  }
0x72: {  	[sflag:s7] =	ssyncadd.s32 $0xFFFFFFD8  }
0x73: {  	_ =	swait.ge [sflag:s7], $0x1400  }
0x74: {  	[sflag:s7] =	ssyncset.done $0x0  }
0x75: {  	[sflag:s7] =	ssyncadd.s32 $0xFFFFEC00  }
0x76: {  	_ =	swait.ge [sflag:s5], $0x1400  }
0x77: {  	[sflag:s5] =	ssyncset.done $0x0  }
0x78: {  	s9 =	simm.s32 $0x13880;
	s12 =	simm.s32 $0x13C80;
	[sflag:s5] =	ssyncadd.s32 $0xFFFFEC00  }
0x79: {  	[spmem:s22] =	stream.indirect.scatter.add.f32 [tilespmem:s12], [sflag:$0x9], $0x80, s9, s20, $0xb8;
	[tilespmem:$0x1DC80] =	vst v63  }
0x7a: {  	_ =	swait.ge [sflag:s26], $0x28  }
0x7b: {  	[sflag:s26] =	ssyncset.done $0x0  }
0x7c: {  	[sflag:s26] =	ssyncadd.s32 $0xFFFFFFD8  }
0x7d: {  	_ =	swait.ge [sflag:s26], $0x1400  }
0x7e: {  	[sflag:s26] =	ssyncset.done $0x0  }
0x7f: {  	[sflag:s26] =	ssyncadd.s32 $0xFFFFEC00  }
0x80: {  	_ =	swait.ge [sflag:s2], $0x1400  }
0x81: {  	[sflag:s2] =	ssyncset.done $0x0  }
0x82: {  	s23 =	simm.s32 $0x13900;
	s24 =	simm.s32 $0x15080;
	[sflag:s2] =	ssyncadd.s32 $0xFFFFEC00  }
0x83: {  	[spmem:s22] =	stream.indirect.scatter.add.f32 [tilespmem:s24], [sflag:$0xA], $0x80, s23, s20, $0xb8;
	[tilespmem:$0x1DC80] =	vst v63  }
0x84: {  	_ =	swait.ge [sflag:s3], $0x1400  }
0x85: {  	[sflag:s3] =	ssyncset.done $0x0  }
0x86: {  	[sflag:s3] =	ssyncadd.s32 $0xFFFFEC00  }
0x87: {  	s25 =	stileid.u32;
	[bflag:$0x0] =	sbarrier.arrive $0xFFFF  }
0x88: {  	s9 =	sshll.u32 s25, $0x6;
	s25 =	rddreg [dreg:$0x19]  }
0x89: {  	s0 =	sor.u32 $0x1C01, s9;
	s14 =	rddreg [dreg:$0x5];
	s13 =	sshrl.u32 s25, $0x3  }
0x8a: {  	[hbm:s14], [sflag:s0] =	dma.local [spmem:s13], $0x280  }
0x8b: {  	s14 =	rddreg [dreg:$0x1a]  }
0x8c: {  	s13 =	sor.u32 $0x1C02, s9;
	s15 =	rddreg [dreg:$0x6];
	s14 =	sshrl.u32 s14, $0x3  }
0x8d: {  	[hbm:s15], [sflag:s13] =	dma.local [spmem:s14], $0x280  }
0x8e: {  	s15 =	rddreg [dreg:$0x1b]  }
0x8f: {  	s14 =	sor.u32 $0x1C03, s9;
	s17 =	rddreg [dreg:$0x7];
	s15 =	sshrl.u32 s15, $0x3  }
0x90: {  	[hbm:s17], [sflag:s14] =	dma.local [spmem:s15], $0x280  }
0x91: {  	s17 =	rddreg [dreg:$0x1c]  }
0x92: {  	s11 =	sor.u32 $0x1C04, s9;
	s18 =	rddreg [dreg:$0x8];
	s17 =	sshrl.u32 s17, $0x3  }
0x93: {  	[hbm:s18], [sflag:s11] =	dma.local [spmem:s17], $0x280  }
0x94: {  	s18 =	rddreg [dreg:$0x1d]  }
0x95: {  	s17 =	sor.u32 $0x1C05, s9;
	s19 =	rddreg [dreg:$0x9];
	s18 =	sshrl.u32 s18, $0x3  }
0x96: {  	[hbm:s19], [sflag:s17] =	dma.local [spmem:s18], $0x280  }
0x97: {  	s19 =	rddreg [dreg:$0x1e]  }
0x98: {  	s18 =	sor.u32 $0x1C06, s9;
	s23 =	rddreg [dreg:$0xa];
	s19 =	sshrl.u32 s19, $0x3  }
0x99: {  	[hbm:s23], [sflag:s18] =	dma.local [spmem:s19], $0x280  }
0x9a: {  	s23 =	rddreg [dreg:$0x1f]  }
0x9b: {  	s19 =	sor.u32 $0x1C07, s9;
	s24 =	rddreg [dreg:$0xb];
	s23 =	sshrl.u32 s23, $0x3  }
0x9c: {  	[hbm:s24], [sflag:s19] =	dma.local [spmem:s23], $0x280  }
0x9d: {  	s23 =	sld [smem:$0x7D0];
	_ =	sdelay $0x2  }
0x9e: {  	s9 =	sor.u32 $0x1C08, s9;
	s24 =	rddreg [dreg:$0xc];
	s23 =	sshrl.u32 s23, $0x3  }
0x9f: {  	[hbm:s24], [sflag:s9] =	dma.local [spmem:s23], $0x280  }
0xa0: {  	s23 =	sld [smem:$0x7D2];
	_ =	sdelay $0x2  }
0xa1: {  	s24 =	rddreg [dreg:$0xd];
	s23 =	sshrl.u32 s23, $0x3  }
0xa2: {  	[hbm:s24], [sflag:s0] =	dma.local [spmem:s23], $0x280  }
0xa3: {  	s24 =	sld [smem:$0x7FC];
	_ =	sdelay $0x2  }
0xa4: {  	s23 =	rddreg [dreg:$0xe];
	s0 =	sshrl.u32 s24, $0x3  }
0xa5: {  	[hbm:s23], [sflag:s13] =	dma.local [spmem:s0], $0x280  }
0xa6: {  	s12 =	sld [smem:$0x7D3];
	_ =	sdelay $0x2  }
0xa7: {  	s13 =	rddreg [dreg:$0xf];
	s12 =	sshrl.u32 s12, $0x3  }
0xa8: {  	[hbm:s13], [sflag:s14] =	dma.local [spmem:s12], $0x280  }
0xa9: {  	s12 =	sld [smem:$0x7D4];
	_ =	sdelay $0x2  }
0xaa: {  	s13 =	rddreg [dreg:$0x10];
	s12 =	sshrl.u32 s12, $0x3  }
0xab: {  	[hbm:s13], [sflag:s11] =	dma.local [spmem:s12], $0x280  }
0xac: {  	s15 =	sld [smem:$0x7FD];
	_ =	sdelay $0x2  }
0xad: {  	s13 =	rddreg [dreg:$0x11];
	s11 =	sshrl.u32 s15, $0x3  }
0xae: {  	[hbm:s13], [sflag:s17] =	dma.local [spmem:s11], $0x280  }
0xaf: {  	s12 =	sld [smem:$0x7D5];
	_ =	sdelay $0x2  }
0xb0: {  	s13 =	rddreg [dreg:$0x12];
	s12 =	sshrl.u32 s12, $0x3  }
0xb1: {  	[hbm:s13], [sflag:s18] =	dma.local [spmem:s12], $0x280  }
0xb2: {  	s12 =	sld [smem:$0x7D6];
	_ =	sdelay $0x2  }
0xb3: {  	s13 =	rddreg [dreg:$0x13];
	s12 =	sshrl.u32 s12, $0x3  }
0xb4: {  	[hbm:s13], [sflag:s19] =	dma.local [spmem:s12], $0x280  }
0xb5: {  	s12 =	sld [smem:$0x7D7];
	_ =	sdelay $0x2  }
0xb6: {  	s13 =	rddreg [dreg:$0x14];
	s12 =	sshrl.u32 @!p0 s12, $0x3  }
0xb7: {  	[hbm:s13], [sflag:s9] =	dma.local @!p0 [spmem:s12], $0x280  }
0xb8: {  	_ =	swait.ge [sflag:s7], $0x280  }
0xb9: {  	[sflag:s7] =	ssyncset.done $0x0  }
0xba: {  	[sflag:s7] =	ssyncadd.s32 $0xFFFFFD80  }
0xbb: {  	_ =	swait.ge [sflag:s26], $0x280  }
0xbc: {  	[sflag:s26] =	ssyncset.done $0x0  }
0xbd: {  	[sflag:s26] =	ssyncadd.s32 $0xFFFFFD80  }
0xbe: {  	_ =	swait.ge [sflag:s28], $0x280  }
0xbf: {  	[sflag:s28] =	ssyncset.done $0x0  }
0xc0: {  	[sflag:s28] =	ssyncadd.s32 $0xFFFFFD80  }
0xc1: {  	_ =	swait.ge [sflag:s29], $0x280  }
0xc2: {  	[sflag:s29] =	ssyncset.done $0x0  }
0xc3: {  	s0 =	simm.s32 $0x5;
	[sflag:s29] =	ssyncadd.s32 $0xFFFFFD80  }
0xc4: {  	_ =	swait.ge [sflag:s0], $0x280  }
0xc5: {  	[sflag:s0] =	ssyncset.done $0x0  }
0xc6: {  	[sflag:s0] =	ssyncadd.s32 $0xFFFFFD80  }
0xc7: {  	_ =	swait.ge [sflag:s30], $0x280  }
0xc8: {  	[sflag:s30] =	ssyncset.done $0x0  }
0xc9: {  	s12 =	simm.s32 $0x7;
	[sflag:s30] =	ssyncadd.s32 $0xFFFFFD80  }
0xca: {  	_ =	swait.ge [sflag:s12], $0x280  }
0xcb: {  	[sflag:s12] =	ssyncset.done $0x0  }
0xcc: {  	[sflag:s12] =	ssyncadd.s32 $0xFFFFFD80  }
0xcd: {  	_ =	swait.ge [sflag:s31], $0x280  }
0xce: {  	[sflag:s31] =	ssyncset.done $0x0  }
0xcf: {  	[sflag:s31] =	ssyncadd.s32 $0xFFFFFD80  }
0xd0: {  	_ =	swait.ge [sflag:s7], $0x280  }
0xd1: {  	[sflag:s7] =	ssyncset.done $0x0  }
0xd2: {  	[sflag:s7] =	ssyncadd.s32 $0xFFFFFD80  }
0xd3: {  	_ =	swait.ge [sflag:s26], $0x280  }
0xd4: {  	[sflag:s26] =	ssyncset.done $0x0  }
0xd5: {  	[sflag:s26] =	ssyncadd.s32 $0xFFFFFD80  }
0xd6: {  	_ =	swait.ge [sflag:s28], $0x280  }
0xd7: {  	[sflag:s28] =	ssyncset.done $0x0  }
0xd8: {  	[sflag:s28] =	ssyncadd.s32 $0xFFFFFD80  }
0xd9: {  	_ =	swait.ge [sflag:s29], $0x280  }
0xda: {  	[sflag:s29] =	ssyncset.done $0x0  }
0xdb: {  	[sflag:s29] =	ssyncadd.s32 $0xFFFFFD80  }
0xdc: {  	_ =	swait.ge [sflag:s0], $0x280  }
0xdd: {  	[sflag:s0] =	ssyncset.done $0x0  }
0xde: {  	[sflag:s0] =	ssyncadd.s32 $0xFFFFFD80  }
0xdf: {  	_ =	swait.ge [sflag:s30], $0x280  }
0xe0: {  	[sflag:s30] =	ssyncset.done $0x0  }
0xe1: {  	[sflag:s30] =	ssyncadd.s32 $0xFFFFFD80  }
0xe2: {  	_ =	swait.ge [sflag:s12], $0x280  }
0xe3: {  	[sflag:s12] =	ssyncset.done $0x0  }
0xe4: {  	s9 =	simm.s32 @!p0 $0x8;
	[sflag:s12] =	ssyncadd.s32 $0xFFFFFD80  }
0xe5: {  	_ =	swait.ge @!p0 [sflag:s9], $0x280  }
0xe6: {  	s13 =	sld [smem:$0x7CB]  }
0xe7: {  	s19 =	sld [smem:$0x7F3];
	_ =	sdelay $0x1  }
0xe8: {  	s0 =	sadd.s32 $0x1, s13  }
0xe9: {  	p1 =	sne.s32 s0, s19  }
.Ltmp1:
0xea: {  	_ = 	snop;
	(pc) =	sbr.rel @!p1 .LBB2_7-.Ltmp1, $3  }
0xeb: {  	_ =	sdelay $0x1  }
0xec: {  	s23 =	simm.s32 $0x15080;
	s14 =	simm.s32 $0x13900;
	[sflag:s9] =	ssyncset.done @!p0 $0x0  }
0xed: {  	s17 =	simm.s32 $0x13880;
	s18 =	simm.s32 $0x13C80;
	[sflag:s9] =	ssyncadd.s32 @!p0 $0xFFFFFD80  }
.LBB2_1:
0xee: {  	s9 =	sld [smem:$0x7DC];
	_ =	sdelay $0x2  }
0xef: {  	[tilespmem:s17], [sflag:$0x1] =	stream.linear.gather [hbm4b:s9+s16], $0x28, $0x38;
	[tilespmem:$0x1DC80] =	vst v63  }
0xf0: {  	s12 =	rddreg [dreg:$0x15]  }
0xf1: {  	[tilespmem:s18], [sflag:$0x1] =	stream.linear.gather [hbm4b:s12+s16], $0x1400, $0x38;
	[tilespmem:$0x1DC80] =	vst v63  }
0xf2: {  	s13 =	rddreg [dreg:$0x16]  }
0xf3: {  	[tilespmem:s14], [sflag:$0x2] =	stream.linear.gather [hbm4b:s13+s16], $0x28, $0x38;
	[tilespmem:$0x1DC80] =	vst v63  }
0xf4: {  	s14 =	sld [smem:$0x7E4]  }
0xf5: {  	[smem:$0x7CB] =	sst s0  }
0xf6: {  	s19 =	sld [smem:$0x7DD]  }
0xf7: {  	[tilespmem:s23], [sflag:$0x2] =	stream.linear.gather [hbm4b:s14+s16], $0x1400, $0x38;
	[tilespmem:$0x1DC80] =	vst v63  }
0xf8: {  	s0 =	sld [smem:$0x7E5];
	s12 =	simm.s32 $0x13980  }
0xf9: {  	[tilespmem:s12], [sflag:$0x3] =	stream.linear.gather [hbm4b:s19+s16], $0x28, $0x38;
	[tilespmem:$0x1DC80] =	vst v63  }
0xfa: {  	s11 =	simm.s32 $0x16480;
	s14 =	sld [smem:$0x7E6]  }
0xfb: {  	[tilespmem:s11], [sflag:$0x3] =	stream.linear.gather [hbm4b:s0+s16], $0x1400, $0x38;
	[tilespmem:$0x1DC80] =	vst v63  }
0xfc: {  	s13 =	simm.s32 $0x13A00;
	s12 =	rddreg [dreg:$0x17]  }
0xfd: {  	[tilespmem:s13], [sflag:$0x4] =	stream.linear.gather [hbm4b:s12+s16], $0x28, $0x38;
	[tilespmem:$0x1DC80] =	vst v63  }
0xfe: {  	s19 =	simm.s32 $0x17880;
	s0 =	sld [smem:$0x7DE]  }
0xff: {  	[tilespmem:s19], [sflag:$0x4] =	stream.linear.gather [hbm4b:s14+s16], $0x1400, $0x38;
	[tilespmem:$0x1DC80] =	vst v63  }
0x100: {  	s11 =	simm.s32 $0x13A80;
	s12 =	sld [smem:$0x7E7]  }
0x101: {  	[tilespmem:s11], [sflag:$0x5] =	stream.linear.gather [hbm4b:s0+s16], $0x28, $0x38;
	[tilespmem:$0x1DC80] =	vst v63  }
0x102: {  	s13 =	simm.s32 $0x18C80;
	s14 =	rddreg [dreg:$0x18]  }
0x103: {  	[tilespmem:s13], [sflag:$0x5] =	stream.linear.gather [hbm4b:s12+s16], $0x1400, $0x38;
	[tilespmem:$0x1DC80] =	vst v63  }
0x104: {  	s19 =	simm.s32 $0x13B00;
	s0 =	sld [smem:$0x7E8]  }
0x105: {  	[tilespmem:s19], [sflag:$0x6] =	stream.linear.gather [hbm4b:s14+s16], $0x28, $0x38;
	[tilespmem:$0x1DC80] =	vst v63  }
0x106: {  	s11 =	simm.s32 $0x1A080;
	s12 =	sld [smem:$0x7DF]  }
0x107: {  	[tilespmem:s11], [sflag:$0x6] =	stream.linear.gather [hbm4b:s0+s16], $0x1400, $0x38;
	[tilespmem:$0x1DC80] =	vst v63  }
0x108: {  	s13 =	sld [smem:$0x7E9]  }
0x109: {  	[tilespmem:s1], [sflag:$0x7] =	stream.linear.gather [hbm4b:s12+s16], $0x28, $0x38;
	[tilespmem:$0x1DC80] =	vst v63  }
0x10a: {  	s14 =	sand.u32 $0x7E00, s16  }
0x10b: {  	[tilespmem:s10], [sflag:$0x7] =	stream.linear.gather [hbm4b:s13+s16], $0x1400, $0x38;
	[tilespmem:$0x1DC80] =	vst v63  }
0x10c: {  	s19 =	sshrl.u32 s14, $0x2;
	s13 =	sand.u32 $0x70, s16  }
0x10d: {  	s12 =	simm.s32 $0x40;
	s14 =	sor.u32 s13, s19;
	s13 =	simm.s32 $0x0  }
.LBB2_2:
0x10e: {  	p1 =	sne.s32 s12, $0x4FC0  }
0x10f: {  	[tilespmem:s14+$0x1C880] =	vst v0;
	s13 =	sadd.s32 $0x10, s13;
	s14 =	smov.u32 s12;
	s12 =	sadd.s32 $0x40, s12  }
.Ltmp2:
0x110: {  	(pc) =	sbr.rel @p1 .LBB2_2-.Ltmp2, $4  }
0x111: {  	_ = 	snop  }
0x112: {  	s14 =	sand.u32 $0x7E00, s14  }
0x113: {  	s19 =	sand.u32 $0x70, s13;
	s14 =	sshrl.u32 s14, $0x2  }
0x114: {  	s14 =	sor.u32 s19, s14  }
0x115: {  	[tilespmem:s14+$0x1C880] =	vst v0;
	s1 =	simm.s32 $0x1C880;
	s9 =	rddreg [dreg:$0x1a]  }
0x116: {  	[spmem:s25] =	stream.linear.scatter [tilespmem:s1], [sflag:$0x9], $0x1400, $0x38;
	[tilespmem:$0x1DC80] =	vst v63  }
0x117: {  	s14 =	rddreg [dreg:$0x1b]  }
0x118: {  	[spmem:s9] =	stream.linear.scatter [tilespmem:s1], [sflag:$0xA], $0x1400, $0x38;
	[tilespmem:$0x1DC80] =	vst v63  }
0x119: {  	s19 =	rddreg [dreg:$0x1c]  }
0x11a: {  	[spmem:s14] =	stream.linear.scatter [tilespmem:s1], [sflag:$0xB], $0x1400, $0x38;
	[tilespmem:$0x1DC80] =	vst v63  }
0x11b: {  	s0 =	rddreg [dreg:$0x1e]  }
0x11c: {  	[spmem:s19] =	stream.linear.scatter [tilespmem:s1], [sflag:$0xC], $0x1400, $0x38;
	[tilespmem:$0x1DC80] =	vst v63  }
0x11d: {  	s25 =	rddreg [dreg:$0x1d]  }
0x11e: {  	[spmem:s25] =	stream.linear.scatter [tilespmem:s1], [sflag:$0xD], $0x1400, $0x38;
	[tilespmem:$0x1DC80] =	vst v63  }
0x11f: {  	s10 =	rddreg [dreg:$0x1f]  }
0x120: {  	[spmem:s0] =	stream.linear.scatter [tilespmem:s1], [sflag:$0xE], $0x1400, $0x38;
	[tilespmem:$0x1DC80] =	vst v63  }
0x121: {  	s11 =	sld [smem:$0x7D0]  }
0x122: {  	[spmem:s10] =	stream.linear.scatter [tilespmem:s1], [sflag:$0xF], $0x1400, $0x38;
	[tilespmem:$0x1DC80] =	vst v63  }
0x123: {  	s12 =	sld [smem:$0x7D2]  }
0x124: {  	[spmem:s11] =	stream.linear.scatter [tilespmem:s1], [sflag:$0x10], $0x1400, $0x38;
	[tilespmem:$0x1DC80] =	vst v63  }
0x125: {  	_ = 	snop  }
0x126: {  	[spmem:s12] =	stream.linear.scatter [tilespmem:s1], [sflag:$0x9], $0x1400, $0x38;
	[tilespmem:$0x1DC80] =	vst v63  }
0x127: {  	s13 =	sld [smem:$0x7D3]  }
0x128: {  	[spmem:s24] =	stream.linear.scatter [tilespmem:s1], [sflag:$0xA], $0x1400, $0x38;
	[tilespmem:$0x1DC80] =	vst v63  }
0x129: {  	s14 =	sld [smem:$0x7D4]  }
0x12a: {  	[spmem:s13] =	stream.linear.scatter [tilespmem:s1], [sflag:$0xB], $0x1400, $0x38;
	[tilespmem:$0x1DC80] =	vst v63  }
0x12b: {  	_ = 	snop  }
0x12c: {  	[spmem:s14] =	stream.linear.scatter [tilespmem:s1], [sflag:$0xC], $0x1400, $0x38;
	[tilespmem:$0x1DC80] =	vst v63  }
0x12d: {  	_ = 	snop  }
0x12e: {  	[spmem:s15] =	stream.linear.scatter [tilespmem:s1], [sflag:$0xD], $0x1400, $0x38;
	[tilespmem:$0x1DC80] =	vst v63  }
0x12f: {  	s15 =	sld [smem:$0x7D5];
	_ =	sdelay $0x1  }
0x130: {  	s19 =	sld [smem:$0x7D6]  }
0x131: {  	[spmem:s15] =	stream.linear.scatter [tilespmem:s1], [sflag:$0xE], $0x1400, $0x38;
	[tilespmem:$0x1DC80] =	vst v63  }
0x132: {  	s9 =	sld [smem:$0x7D7]  }
0x133: {  	[spmem:s19] =	stream.linear.scatter [tilespmem:s1], [sflag:$0xF], $0x1400, $0x38;
	[tilespmem:$0x1DC80] =	vst v63  }
0x134: {  	s12 =	simm.s32 @!p0 $0x1C880  }
0x135: {  	[spmem:s9] =	stream.linear.scatter @!p0 [tilespmem:s12], [sflag:$0x10], $0x1400, $0x38;
	[tilespmem:$0x1DC80] =	vst v63  }
0x136: {  	_ =	swait.ge [sflag:s2], $0x1400  }
0x137: {  	[sflag:s2] =	ssyncset.done $0x0  }
0x138: {  	[sflag:s2] =	ssyncadd.s32 $0xFFFFEC00  }
0x139: {  	_ =	swait.ge [sflag:s3], $0x1400  }
0x13a: {  	[sflag:s3] =	ssyncset.done $0x0  }
0x13b: {  	[sflag:s3] =	ssyncadd.s32 $0xFFFFEC00  }
0x13c: {  	_ =	swait.ge [sflag:s4], $0x1400  }
0x13d: {  	[sflag:s4] =	ssyncset.done $0x0  }
0x13e: {  	s0 =	simm.s32 $0xC;
	[sflag:s4] =	ssyncadd.s32 $0xFFFFEC00  }
0x13f: {  	_ =	swait.ge [sflag:s0], $0x1400  }
0x140: {  	[sflag:s0] =	ssyncset.done $0x0  }
0x141: {  	[sflag:s0] =	ssyncadd.s32 $0xFFFFEC00  }
0x142: {  	_ =	swait.ge [sflag:s6], $0x1400  }
0x143: {  	[sflag:s6] =	ssyncset.done $0x0  }
0x144: {  	s10 =	simm.s32 $0xE;
	[sflag:s6] =	ssyncadd.s32 $0xFFFFEC00  }
0x145: {  	_ =	swait.ge [sflag:s10], $0x1400  }
0x146: {  	[sflag:s10] =	ssyncset.done $0x0  }
0x147: {  	[sflag:s10] =	ssyncadd.s32 $0xFFFFEC00  }
0x148: {  	_ =	swait.ge [sflag:s8], $0x1400  }
0x149: {  	[sflag:s8] =	ssyncset.done $0x0  }
0x14a: {  	[sflag:s8] =	ssyncadd.s32 $0xFFFFEC00  }
0x14b: {  	_ =	swait.ge [sflag:s5], $0x1400  }
0x14c: {  	[sflag:s5] =	ssyncset.done $0x0  }
0x14d: {  	[sflag:s5] =	ssyncadd.s32 $0xFFFFEC00  }
0x14e: {  	_ =	swait.ge [sflag:s2], $0x1400  }
0x14f: {  	[sflag:s2] =	ssyncset.done $0x0  }
0x150: {  	[sflag:s2] =	ssyncadd.s32 $0xFFFFEC00  }
0x151: {  	_ =	swait.ge [sflag:s3], $0x1400  }
0x152: {  	[sflag:s3] =	ssyncset.done $0x0  }
0x153: {  	[sflag:s3] =	ssyncadd.s32 $0xFFFFEC00  }
0x154: {  	_ =	swait.ge [sflag:s4], $0x1400  }
0x155: {  	[sflag:s4] =	ssyncset.done $0x0  }
0x156: {  	[sflag:s4] =	ssyncadd.s32 $0xFFFFEC00  }
0x157: {  	_ =	swait.ge [sflag:s0], $0x1400  }
0x158: {  	[sflag:s0] =	ssyncset.done $0x0  }
0x159: {  	[sflag:s0] =	ssyncadd.s32 $0xFFFFEC00  }
0x15a: {  	_ =	swait.ge [sflag:s6], $0x1400  }
0x15b: {  	[sflag:s6] =	ssyncset.done $0x0  }
0x15c: {  	[sflag:s6] =	ssyncadd.s32 $0xFFFFEC00  }
0x15d: {  	_ =	swait.ge [sflag:s10], $0x1400  }
0x15e: {  	[sflag:s10] =	ssyncset.done $0x0  }
0x15f: {  	[sflag:s10] =	ssyncadd.s32 $0xFFFFEC00  }
0x160: {  	_ =	swait.ge [sflag:s8], $0x1400  }
0x161: {  	[sflag:s8] =	ssyncset.done $0x0  }
0x162: {  	s12 =	simm.s32 @!p0 $0x10;
	[sflag:s8] =	ssyncadd.s32 $0xFFFFEC00  }
0x163: {  	_ =	swait.ge @!p0 [sflag:s12], $0x1400  }
0x164: {  	[sflag:s12] =	ssyncset.done @!p0 $0x0  }
0x165: {  	[sflag:s12] =	ssyncadd.s32 @!p0 $0xFFFFEC00  }
0x166: {  	[bflag:$0x0] =	sbarrier.arrive $0xFFFF  }
0x167: {  	_ =	swait.ge [sflag:s7], $0x28  }
0x168: {  	[sflag:s7] =	ssyncset.done $0x0  }
0x169: {  	[sflag:s7] =	ssyncadd.s32 $0xFFFFFFD8  }
0x16a: {  	_ =	swait.ge [sflag:s7], $0x1400  }
0x16b: {  	[sflag:s7] =	ssyncset.done $0x0  }
0x16c: {  	s24 =	sld [smem:$0x7D8];
	[sflag:s7] =	ssyncadd.s32 $0xFFFFEC00  }
0x16d: {  	[spmem:s22] =	stream.indirect.scatter.add.f32 [tilespmem:s18], [sflag:$0x9], $0x80, s17, s20, $0xb8;
	[tilespmem:$0x1DC80] =	vst v63  }
0x16e: {  	s11 =	simm.s32 $0x13C00;
	s19 =	simm.s32 $0x0;
	s25 =	sld [smem:$0x7EA]  }
0x16f: {  	[tilespmem:s11], [sflag:$0x8] =	stream.linear.gather [hbm4b:s24+s19], $0x28, $0x38;
	[tilespmem:$0x1DC80] =	vst v63  }
0x170: {  	_ = 	snop  }
0x171: {  	[tilespmem:s1], [sflag:$0x8] =	stream.linear.gather [hbm4b:s25+s19], $0x1400, $0x38;
	[tilespmem:$0x1DC80] =	vst v63  }
0x172: {  	_ =	swait.ge [sflag:s26], $0x28  }
0x173: {  	[sflag:s26] =	ssyncset.done $0x0  }
0x174: {  	[sflag:s26] =	ssyncadd.s32 $0xFFFFFFD8  }
0x175: {  	_ =	swait.ge [sflag:s26], $0x1400  }
0x176: {  	[sflag:s26] =	ssyncset.done $0x0  }
0x177: {  	[sflag:s26] =	ssyncadd.s32 $0xFFFFEC00  }
0x178: {  	_ =	swait.ge [sflag:s2], $0x1400  }
0x179: {  	[sflag:s2] =	ssyncset.done $0x0  }
0x17a: {  	s14 =	simm.s32 $0x13900;
	s12 =	sld [smem:$0x7E0];
	[sflag:s2] =	ssyncadd.s32 $0xFFFFEC00  }
0x17b: {  	[spmem:s22] =	stream.indirect.scatter.add.f32 [tilespmem:s23], [sflag:$0xA], $0x80, s14, s20, $0xb8;
	[tilespmem:$0x1DC80] =	vst v63  }
0x17c: {  	s13 =	sld [smem:$0x7EB]  }
0x17d: {  	[tilespmem:s17], [sflag:$0x1] =	stream.linear.gather [hbm4b:s12+s19], $0x28, $0x38;
	[tilespmem:$0x1DC80] =	vst v63  }
0x17e: {  	_ = 	snop  }
0x17f: {  	[tilespmem:s18], [sflag:$0x1] =	stream.linear.gather [hbm4b:s13+s19], $0x1400, $0x38;
	[tilespmem:$0x1DC80] =	vst v63  }
0x180: {  	_ =	swait.ge [sflag:s28], $0x28  }
0x181: {  	[sflag:s28] =	ssyncset.done $0x0  }
0x182: {  	[sflag:s28] =	ssyncadd.s32 $0xFFFFFFD8  }
0x183: {  	_ =	swait.ge [sflag:s28], $0x1400  }
0x184: {  	[sflag:s28] =	ssyncset.done $0x0  }
0x185: {  	[sflag:s28] =	ssyncadd.s32 $0xFFFFEC00  }
0x186: {  	_ =	swait.ge [sflag:s3], $0x1400  }
0x187: {  	s12 =	simm.s32 $0x13980;
	[sflag:s3] =	ssyncset.done $0x0  }
0x188: {  	s13 =	simm.s32 $0x16480;
	s15 =	sld [smem:$0x7D9];
	[sflag:s3] =	ssyncadd.s32 $0xFFFFEC00  }
0x189: {  	[spmem:s22] =	stream.indirect.scatter.add.f32 [tilespmem:s13], [sflag:$0xB], $0x80, s12, s20, $0xb8;
	[tilespmem:$0x1DC80] =	vst v63  }
0x18a: {  	s24 =	sld [smem:$0x7EC]  }
0x18b: {  	[tilespmem:s14], [sflag:$0x2] =	stream.linear.gather [hbm4b:s15+s19], $0x28, $0x38;
	[tilespmem:$0x1DC80] =	vst v63  }
0x18c: {  	_ = 	snop  }
0x18d: {  	[tilespmem:s23], [sflag:$0x2] =	stream.linear.gather [hbm4b:s24+s19], $0x1400, $0x38;
	[tilespmem:$0x1DC80] =	vst v63  }
0x18e: {  	_ =	swait.ge [sflag:s29], $0x28  }
0x18f: {  	[sflag:s29] =	ssyncset.done $0x0  }
0x190: {  	[sflag:s29] =	ssyncadd.s32 $0xFFFFFFD8  }
0x191: {  	_ =	swait.ge [sflag:s29], $0x1400  }
0x192: {  	[sflag:s29] =	ssyncset.done $0x0  }
0x193: {  	[sflag:s29] =	ssyncadd.s32 $0xFFFFEC00  }
0x194: {  	_ =	swait.ge [sflag:s4], $0x1400  }
0x195: {  	s15 =	simm.s32 $0x13A00;
	[sflag:s4] =	ssyncset.done $0x0  }
0x196: {  	s23 =	simm.s32 $0x17880;
	s25 =	sld [smem:$0x7E1];
	[sflag:s4] =	ssyncadd.s32 $0xFFFFEC00  }
0x197: {  	[spmem:s22] =	stream.indirect.scatter.add.f32 [tilespmem:s23], [sflag:$0xC], $0x80, s15, s20, $0xb8;
	[tilespmem:$0x1DC80] =	vst v63  }
0x198: {  	_ = 	snop  }
0x199: {  	[tilespmem:s12], [sflag:$0x3] =	stream.linear.gather [hbm4b:s25+s19], $0x28, $0x38;
	[tilespmem:$0x1DC80] =	vst v63  }
0x19a: {  	s12 =	sld [smem:$0x7ED];
	_ =	sdelay $0x2  }
0x19b: {  	[tilespmem:s13], [sflag:$0x3] =	stream.linear.gather [hbm4b:s12+s19], $0x1400, $0x38;
	[tilespmem:$0x1DC80] =	vst v63  }
0x19c: {  	s13 =	simm.s32 $0x5  }
0x19d: {  	_ =	swait.ge [sflag:s13], $0x28  }
0x19e: {  	[sflag:s13] =	ssyncset.done $0x0  }
0x19f: {  	[sflag:s13] =	ssyncadd.s32 $0xFFFFFFD8  }
0x1a0: {  	_ =	swait.ge [sflag:s13], $0x1400  }
0x1a1: {  	[sflag:s13] =	ssyncset.done $0x0  }
0x1a2: {  	[sflag:s13] =	ssyncadd.s32 $0xFFFFEC00  }
0x1a3: {  	_ =	swait.ge [sflag:s0], $0x1400  }
0x1a4: {  	s12 =	simm.s32 $0x13A80;
	[sflag:s0] =	ssyncset.done $0x0  }
0x1a5: {  	s13 =	simm.s32 $0x18C80;
	s24 =	sld [smem:$0x7DA];
	[sflag:s0] =	ssyncadd.s32 $0xFFFFEC00  }
0x1a6: {  	[spmem:s22] =	stream.indirect.scatter.add.f32 [tilespmem:s13], [sflag:$0xD], $0x80, s12, s20, $0xb8;
	[tilespmem:$0x1DC80] =	vst v63  }
0x1a7: {  	s25 =	sld [smem:$0x7EE]  }
0x1a8: {  	[tilespmem:s15], [sflag:$0x4] =	stream.linear.gather [hbm4b:s24+s19], $0x28, $0x38;
	[tilespmem:$0x1DC80] =	vst v63  }
0x1a9: {  	_ = 	snop  }
0x1aa: {  	[tilespmem:s23], [sflag:$0x4] =	stream.linear.gather [hbm4b:s25+s19], $0x1400, $0x38;
	[tilespmem:$0x1DC80] =	vst v63  }
0x1ab: {  	_ =	swait.ge [sflag:s30], $0x28  }
0x1ac: {  	[sflag:s30] =	ssyncset.done $0x0  }
0x1ad: {  	[sflag:s30] =	ssyncadd.s32 $0xFFFFFFD8  }
0x1ae: {  	_ =	swait.ge [sflag:s30], $0x1400  }
0x1af: {  	[sflag:s30] =	ssyncset.done $0x0  }
0x1b0: {  	[sflag:s30] =	ssyncadd.s32 $0xFFFFEC00  }
0x1b1: {  	_ =	swait.ge [sflag:s6], $0x1400  }
0x1b2: {  	s15 =	simm.s32 $0x13B00;
	[sflag:s6] =	ssyncset.done $0x0  }
0x1b3: {  	s23 =	simm.s32 $0x1A080;
	s0 =	sld [smem:$0x7E2];
	[sflag:s6] =	ssyncadd.s32 $0xFFFFEC00  }
0x1b4: {  	[spmem:s22] =	stream.indirect.scatter.add.f32 [tilespmem:s23], [sflag:$0xE], $0x80, s15, s20, $0xb8;
	[tilespmem:$0x1DC80] =	vst v63  }
0x1b5: {  	_ = 	snop  }
0x1b6: {  	[tilespmem:s12], [sflag:$0x5] =	stream.linear.gather [hbm4b:s0+s19], $0x28, $0x38;
	[tilespmem:$0x1DC80] =	vst v63  }
0x1b7: {  	s12 =	sld [smem:$0x7EF];
	_ =	sdelay $0x1  }
0x1b8: {  	s24 =	simm.s32 $0x7  }
0x1b9: {  	[tilespmem:s13], [sflag:$0x5] =	stream.linear.gather [hbm4b:s12+s19], $0x1400, $0x38;
	[tilespmem:$0x1DC80] =	vst v63  }
0x1ba: {  	_ =	swait.ge [sflag:s24], $0x28  }
0x1bb: {  	[sflag:s24] =	ssyncset.done $0x0  }
0x1bc: {  	[sflag:s24] =	ssyncadd.s32 $0xFFFFFFD8  }
0x1bd: {  	_ =	swait.ge [sflag:s24], $0x1400  }
0x1be: {  	[sflag:s24] =	ssyncset.done $0x0  }
0x1bf: {  	[sflag:s24] =	ssyncadd.s32 $0xFFFFEC00  }
0x1c0: {  	_ =	swait.ge [sflag:s10], $0x1400  }
0x1c1: {  	s25 =	simm.s32 $0x13B80;
	[sflag:s10] =	ssyncset.done $0x0  }
0x1c2: {  	s0 =	simm.s32 $0x1B480;
	[sflag:s10] =	ssyncadd.s32 $0xFFFFEC00;
	s10 =	sld [smem:$0x7DB]  }
0x1c3: {  	[spmem:s22] =	stream.indirect.scatter.add.f32 [tilespmem:s0], [sflag:$0xF], $0x80, s25, s20, $0xb8;
	[tilespmem:$0x1DC80] =	vst v63  }
0x1c4: {  	_ = 	snop  }
0x1c5: {  	[tilespmem:s15], [sflag:$0x6] =	stream.linear.gather [hbm4b:s10+s19], $0x28, $0x38;
	[tilespmem:$0x1DC80] =	vst v63  }
0x1c6: {  	s15 =	sld [smem:$0x7F0];
	_ =	sdelay $0x2  }
0x1c7: {  	[tilespmem:s23], [sflag:$0x6] =	stream.linear.gather [hbm4b:s15+s19], $0x1400, $0x38;
	[tilespmem:$0x1DC80] =	vst v63  }
0x1c8: {  	_ =	swait.ge [sflag:s31], $0x28  }
0x1c9: {  	[sflag:s31] =	ssyncset.done $0x0  }
0x1ca: {  	[sflag:s31] =	ssyncadd.s32 $0xFFFFFFD8  }
0x1cb: {  	_ =	swait.ge [sflag:s31], $0x1400  }
0x1cc: {  	[sflag:s31] =	ssyncset.done $0x0  }
0x1cd: {  	[sflag:s31] =	ssyncadd.s32 $0xFFFFEC00  }
0x1ce: {  	_ =	swait.ge [sflag:s8], $0x1400  }
0x1cf: {  	[sflag:s8] =	ssyncset.done $0x0  }
0x1d0: {  	s24 =	sld [smem:$0x7E3];
	[sflag:s8] =	ssyncadd.s32 $0xFFFFEC00  }
0x1d1: {  	[spmem:s22] =	stream.indirect.scatter.add.f32 [tilespmem:s1], [sflag:$0x10], $0x80, s11, s20, $0xb8;
	[tilespmem:$0x1DC80] =	vst v63  }
0x1d2: {  	_ = 	snop  }
0x1d3: {  	[tilespmem:s25], [sflag:$0x7] =	stream.linear.gather [hbm4b:s24+s19], $0x28, $0x38;
	[tilespmem:$0x1DC80] =	vst v63  }
0x1d4: {  	s25 =	sld [smem:$0x7F1];
	_ =	sdelay $0x1  }
0x1d5: {  	s10 =	simm.s32 $0x1B480;
	s1 =	simm.s32 $0x13B80;
	s23 =	rddreg [dreg:$0x1]  }
0x1d6: {  	[tilespmem:s0], [sflag:$0x7] =	stream.linear.gather [hbm4b:s25+s19], $0x1400, $0x38;
	[tilespmem:$0x1DC80] =	vst v63  }
.LBB2_4:
0x1d7: {  	_ =	swait.ge [sflag:s7], $0x28  }
0x1d8: {  	[sflag:s7] =	ssyncset.done $0x0  }
0x1d9: {  	[sflag:s7] =	ssyncadd.s32 $0xFFFFFFD8  }
0x1da: {  	_ =	swait.ge [sflag:s7], $0x1400  }
0x1db: {  	[sflag:s7] =	ssyncset.done $0x0  }
0x1dc: {  	[sflag:s7] =	ssyncadd.s32 $0xFFFFEC00  }
0x1dd: {  	_ =	swait.ge [sflag:s5], $0x1400  }
0x1de: {  	[sflag:s5] =	ssyncset.done $0x0;
	s9 =	sld [smem:$0x7FB]  }
0x1df: {  	[sflag:s5] =	ssyncadd.s32 $0xFFFFEC00  }
0x1e0: {  	[spmem:s22] =	stream.indirect.scatter.add.f32 [tilespmem:s18], [sflag:$0x9], $0x80, s17, s20, $0xb8;
	[tilespmem:$0x1DC80] =	vst v63  }
0x1e1: {  	s11 =	simm.s32 $0x13C00;
	s12 =	sadd.s32 s23, s9  }
0x1e2: {  	[tilespmem:s11], [sflag:$0x8] =	stream.linear.gather [hbm4b:s12+s16], $0x28, $0x38;
	[tilespmem:$0x1DC80] =	vst v63  }
0x1e3: {  	s12 =	sadd.s32 s19, s21  }
0x1e4: {  	s0 =	simm.s32 $0x1C880;
	s13 =	sadd.s32 $0x2580, s12  }
0x1e5: {  	[tilespmem:s0], [sflag:$0x8] =	stream.linear.gather [hbm4b:s13+s16], $0x1400, $0x38;
	[tilespmem:$0x1DC80] =	vst v63  }
0x1e6: {  	_ =	swait.ge [sflag:s26], $0x28  }
0x1e7: {  	[sflag:s26] =	ssyncset.done $0x0  }
0x1e8: {  	[sflag:s26] =	ssyncadd.s32 $0xFFFFFFD8  }
0x1e9: {  	_ =	swait.ge [sflag:s26], $0x1400  }
0x1ea: {  	[sflag:s26] =	ssyncset.done $0x0  }
0x1eb: {  	[sflag:s26] =	ssyncadd.s32 $0xFFFFEC00  }
0x1ec: {  	_ =	swait.ge [sflag:s2], $0x1400  }
0x1ed: {  	[sflag:s2] =	ssyncset.done $0x0;
	s25 =	sld [smem:$0x7F4]  }
0x1ee: {  	s15 =	simm.s32 $0x15080;
	[sflag:s2] =	ssyncadd.s32 $0xFFFFEC00  }
0x1ef: {  	[spmem:s22] =	stream.indirect.scatter.add.f32 [tilespmem:s15], [sflag:$0xA], $0x80, s14, s20, $0xb8;
	[tilespmem:$0x1DC80] =	vst v63  }
0x1f0: {  	s9 =	sadd.s32 s23, s25  }
0x1f1: {  	[tilespmem:s17], [sflag:$0x1] =	stream.linear.gather [hbm4b:s9+s16], $0x28, $0x38;
	[tilespmem:$0x1DC80] =	vst v63  }
0x1f2: {  	s17 =	sadd.s32 $0x2800, s12  }
0x1f3: {  	[tilespmem:s18], [sflag:$0x1] =	stream.linear.gather [hbm4b:s17+s16], $0x1400, $0x38;
	[tilespmem:$0x1DC80] =	vst v63  }
0x1f4: {  	_ =	swait.ge [sflag:s28], $0x28  }
0x1f5: {  	[sflag:s28] =	ssyncset.done $0x0  }
0x1f6: {  	[sflag:s28] =	ssyncadd.s32 $0xFFFFFFD8  }
0x1f7: {  	_ =	swait.ge [sflag:s28], $0x1400  }
0x1f8: {  	[sflag:s28] =	ssyncset.done $0x0  }
0x1f9: {  	[sflag:s28] =	ssyncadd.s32 $0xFFFFEC00  }
0x1fa: {  	_ =	swait.ge [sflag:s3], $0x1400  }
0x1fb: {  	[sflag:s3] =	ssyncset.done $0x0;
	s13 =	sld [smem:$0x7F5]  }
0x1fc: {  	s24 =	simm.s32 $0x13980;
	s25 =	simm.s32 $0x16480;
	[sflag:s3] =	ssyncadd.s32 $0xFFFFEC00  }
0x1fd: {  	[spmem:s22] =	stream.indirect.scatter.add.f32 [tilespmem:s25], [sflag:$0xB], $0x80, s24, s20, $0xb8;
	[tilespmem:$0x1DC80] =	vst v63  }
0x1fe: {  	s17 =	sadd.s32 s23, s13  }
0x1ff: {  	[tilespmem:s14], [sflag:$0x2] =	stream.linear.gather [hbm4b:s17+s16], $0x28, $0x38;
	[tilespmem:$0x1DC80] =	vst v63  }
0x200: {  	s18 =	sadd.s32 $0x2A80, s12  }
0x201: {  	[tilespmem:s15], [sflag:$0x2] =	stream.linear.gather [hbm4b:s18+s16], $0x1400, $0x38;
	[tilespmem:$0x1DC80] =	vst v63  }
0x202: {  	_ =	swait.ge [sflag:s29], $0x28  }
0x203: {  	[sflag:s29] =	ssyncset.done $0x0  }
0x204: {  	[sflag:s29] =	ssyncadd.s32 $0xFFFFFFD8  }
0x205: {  	_ =	swait.ge [sflag:s29], $0x1400  }
0x206: {  	[sflag:s29] =	ssyncset.done $0x0  }
0x207: {  	[sflag:s29] =	ssyncadd.s32 $0xFFFFEC00  }
0x208: {  	_ =	swait.ge [sflag:s4], $0x1400  }
0x209: {  	p1 =	seq.s32 s19, $0x24400;
	s24 =	simm.s32 $0x13A00;
	[sflag:s4] =	ssyncset.done $0x0  }
0x20a: {  	s25 =	simm.s32 $0x17880;
	s13 =	simm.s32 @p1 $0x5;
	[sflag:s4] =	ssyncadd.s32 $0xFFFFEC00  }
0x20b: {  	[spmem:s22] =	stream.indirect.scatter.add.f32 [tilespmem:s25], [sflag:$0xC], $0x80, s24, s20, $0xb8;
	[tilespmem:$0x1DC80] =	vst v63  }
0x20c: {  	_ =	swait.ge @p1 [sflag:s13], $0x28  }
0x20d: {  	[sflag:s13] =	ssyncset.done @p1 $0x0  }
0x20e: {  	[sflag:s13] =	ssyncadd.s32 @p1 $0xFFFFFFD8  }
0x20f: {  	_ =	swait.ge @p1 [sflag:s13], $0x1400  }
0x210: {  	[sflag:s13] =	ssyncset.done @p1 $0x0  }
0x211: {  	[sflag:s13] =	ssyncadd.s32 @p1 $0xFFFFEC00;
	s13 =	simm.s32 @p1 $0xC  }
0x212: {  	_ =	swait.ge @p1 [sflag:s13], $0x1400  }
0x213: {  	s14 =	simm.s32 @p1 $0x18C80;
	[sflag:s13] =	ssyncset.done @p1 $0x0;
	s9 =	sld [smem:$0x7F6]  }
0x214: {  	s15 =	simm.s32 @p1 $0x28;
	[sflag:s13] =	ssyncadd.s32 @p1 $0xFFFFEC00;
	s13 =	simm.s32 @p1 $0x13A80  }
0x215: {  	[spmem:s22] =	stream.indirect.scatter.add.f32 @p1 [tilespmem:s14], [sflag:$0xD], $0x80, s13, s15, $0xb8;
	[tilespmem:$0x1DC80] =	vst v63  }
0x216: {  	s17 =	simm.s32 @!p1 $0x13980;
	s13 =	simm.s32 @!p1 $0x0;
	s14 =	sadd.s32 @!p1 s23, s9  }
0x217: {  	[tilespmem:s17], [sflag:$0x3] =	stream.linear.gather @!p1 [hbm4b:s14+s13], $0x28, $0x38;
	[tilespmem:$0x1DC80] =	vst v63  }
0x218: {  	s14 =	sadd.s32 @!p1 s19, s21  }
0x219: {  	s18 =	simm.s32 @!p1 $0x16480;
	s17 =	sadd.s32 @!p1 $0x2D00, s14  }
0x21a: {  	[tilespmem:s18], [sflag:$0x3] =	stream.linear.gather @!p1 [hbm4b:s17+s13], $0x1400, $0x38;
	[tilespmem:$0x1DC80] =	vst v63  }
0x21b: {  	s17 =	simm.s32 @!p1 $0x5  }
0x21c: {  	_ =	swait.ge @!p1 [sflag:s17], $0x28  }
0x21d: {  	[sflag:s17] =	ssyncset.done @!p1 $0x0  }
0x21e: {  	[sflag:s17] =	ssyncadd.s32 @!p1 $0xFFFFFFD8  }
0x21f: {  	_ =	swait.ge @!p1 [sflag:s17], $0x1400  }
0x220: {  	[sflag:s17] =	ssyncset.done @!p1 $0x0  }
0x221: {  	[sflag:s17] =	ssyncadd.s32 @!p1 $0xFFFFEC00;
	s17 =	simm.s32 @!p1 $0xC  }
0x222: {  	_ =	swait.ge @!p1 [sflag:s17], $0x1400  }
0x223: {  	s24 =	simm.s32 @!p1 $0x18C80;
	[sflag:s17] =	ssyncset.done @!p1 $0x0;
	s9 =	sld [smem:$0x7F7]  }
0x224: {  	s18 =	simm.s32 @!p1 $0x13A80;
	[sflag:s17] =	ssyncadd.s32 @!p1 $0xFFFFEC00;
	s17 =	simm.s32 @!p1 $0x28  }
0x225: {  	[spmem:s22] =	stream.indirect.scatter.add.f32 @!p1 [tilespmem:s24], [sflag:$0xD], $0x80, s18, s17, $0xb8;
	[tilespmem:$0x1DC80] =	vst v63  }
0x226: {  	s25 =	sadd.s32 @!p1 s23, s9;
	s9 =	simm.s32 @!p1 $0x13A00  }
0x227: {  	[tilespmem:s9], [sflag:$0x4] =	stream.linear.gather @!p1 [hbm4b:s25+s13], $0x28, $0x38;
	[tilespmem:$0x1DC80] =	vst v63  }
0x228: {  	s9 =	sadd.s32 @!p1 $0x2F80, s14;
	s25 =	simm.s32 @!p1 $0x17880  }
0x229: {  	[tilespmem:s25], [sflag:$0x4] =	stream.linear.gather @!p1 [hbm4b:s9+s13], $0x1400, $0x38;
	[tilespmem:$0x1DC80] =	vst v63  }
0x22a: {  	_ =	swait.ge [sflag:s30], $0x28  }
0x22b: {  	[sflag:s30] =	ssyncset.done $0x0  }
0x22c: {  	[sflag:s30] =	ssyncadd.s32 $0xFFFFFFD8  }
0x22d: {  	_ =	swait.ge [sflag:s30], $0x1400  }
0x22e: {  	[sflag:s30] =	ssyncset.done $0x0  }
0x22f: {  	[sflag:s30] =	ssyncadd.s32 $0xFFFFEC00  }
0x230: {  	_ =	swait.ge [sflag:s6], $0x1400  }
0x231: {  	[sflag:s6] =	ssyncset.done $0x0  }
0x232: {  	s9 =	simm.s32 $0x13B00;
	s25 =	simm.s32 $0x1A080;
	[sflag:s6] =	ssyncadd.s32 $0xFFFFEC00  }
0x233: {  	[spmem:s22] =	stream.indirect.scatter.add.f32 [tilespmem:s25], [sflag:$0xE], $0x80, s9, s20, $0xb8;
	[tilespmem:$0x1DC80] =	vst v63  }
0x234: {  	s9 =	simm.s32 @p1 $0x7  }
0x235: {  	_ =	swait.ge @p1 [sflag:s9], $0x28  }
0x236: {  	[sflag:s9] =	ssyncset.done @p1 $0x0  }
0x237: {  	[sflag:s9] =	ssyncadd.s32 @p1 $0xFFFFFFD8  }
0x238: {  	_ =	swait.ge @p1 [sflag:s9], $0x1400  }
0x239: {  	[sflag:s9] =	ssyncset.done @p1 $0x0  }
0x23a: {  	[sflag:s9] =	ssyncadd.s32 @p1 $0xFFFFEC00;
	s9 =	simm.s32 @p1 $0xE  }
0x23b: {  	_ =	swait.ge @p1 [sflag:s9], $0x1400  }
0x23c: {  	[sflag:s9] =	ssyncset.done @p1 $0x0  }
0x23d: {  	s25 =	simm.s32 @p1 $0x1B480;
	[sflag:s9] =	ssyncadd.s32 @p1 $0xFFFFEC00;
	s9 =	simm.s32 @p1 $0x13B80  }
0x23e: {  	[spmem:s22] =	stream.indirect.scatter.add.f32 @p1 [tilespmem:s25], [sflag:$0xF], $0x80, s9, s15, $0xb8;
	[tilespmem:$0x1DC80] =	vst v63  }
0x23f: {  	s9 =	sld [smem:$0x7F8];
	_ =	sdelay $0x2  }
0x240: {  	s9 =	sadd.s32 @!p1 s23, s9  }
0x241: {  	[tilespmem:s18], [sflag:$0x5] =	stream.linear.gather @!p1 [hbm4b:s9+s13], $0x28, $0x38;
	[tilespmem:$0x1DC80] =	vst v63  }
0x242: {  	s9 =	sadd.s32 @!p1 $0x3200, s14  }
0x243: {  	[tilespmem:s24], [sflag:$0x5] =	stream.linear.gather @!p1 [hbm4b:s9+s13], $0x1400, $0x38;
	[tilespmem:$0x1DC80] =	vst v63  }
0x244: {  	s9 =	simm.s32 @!p1 $0x7  }
0x245: {  	_ =	swait.ge @!p1 [sflag:s9], $0x28  }
0x246: {  	[sflag:s9] =	ssyncset.done @!p1 $0x0  }
0x247: {  	[sflag:s9] =	ssyncadd.s32 @!p1 $0xFFFFFFD8  }
0x248: {  	_ =	swait.ge @!p1 [sflag:s9], $0x1400  }
0x249: {  	[sflag:s9] =	ssyncset.done @!p1 $0x0  }
0x24a: {  	[sflag:s9] =	ssyncadd.s32 @!p1 $0xFFFFEC00;
	s9 =	simm.s32 @!p1 $0xE  }
0x24b: {  	_ =	swait.ge @!p1 [sflag:s9], $0x1400  }
0x24c: {  	[sflag:s9] =	ssyncset.done @!p1 $0x0  }
0x24d: {  	s15 =	simm.s32 @!p1 $0x1B480;
	[sflag:s9] =	ssyncadd.s32 @!p1 $0xFFFFEC00;
	s9 =	simm.s32 @!p1 $0x13B80  }
0x24e: {  	[spmem:s22] =	stream.indirect.scatter.add.f32 @!p1 [tilespmem:s15], [sflag:$0xF], $0x80, s9, s17, $0xb8;
	[tilespmem:$0x1DC80] =	vst v63  }
0x24f: {  	s9 =	sld [smem:$0x7F9];
	_ =	sdelay $0x2  }
0x250: {  	s15 =	simm.s32 @!p1 $0x13B00;
	s9 =	sadd.s32 @!p1 s23, s9  }
0x251: {  	[tilespmem:s15], [sflag:$0x6] =	stream.linear.gather @!p1 [hbm4b:s9+s13], $0x28, $0x38;
	[tilespmem:$0x1DC80] =	vst v63  }
0x252: {  	s9 =	sadd.s32 @!p1 $0x3480, s14;
	s14 =	simm.s32 @!p1 $0x1A080  }
0x253: {  	[tilespmem:s14], [sflag:$0x6] =	stream.linear.gather @!p1 [hbm4b:s9+s13], $0x1400, $0x38;
	[tilespmem:$0x1DC80] =	vst v63  }
0x254: {  	_ =	swait.ge [sflag:s31], $0x28  }
0x255: {  	[sflag:s31] =	ssyncset.done $0x0  }
0x256: {  	[sflag:s31] =	ssyncadd.s32 $0xFFFFFFD8  }
0x257: {  	_ =	swait.ge [sflag:s31], $0x1400  }
0x258: {  	[sflag:s31] =	ssyncset.done $0x0  }
.Ltmp3:
0x259: {  	[sflag:s31] =	ssyncadd.s32 $0xFFFFEC00;
	(pc) =	sbr.rel @p1 .LBB2_6-.Ltmp3, $4  }
0x25a: {  	_ =	swait.ge [sflag:s8], $0x1400  }
0x25b: {  	[sflag:s8] =	ssyncset.done $0x0  }
0x25c: {  	[sflag:s8] =	ssyncadd.s32 $0xFFFFEC00  }
0x25d: {  	[spmem:s22] =	stream.indirect.scatter.add.f32 [tilespmem:s0], [sflag:$0x10], $0x80, s11, s20, $0xb8;
	[tilespmem:$0x1DC80] =	vst v63  }
0x25e: {  	s9 =	sld [smem:$0x7FA];
	_ =	sdelay $0x1  }
.Ltmp4:
0x25f: {  	s25 =	sadd.s32 $0x3700, s12;
	(pc) =	sbr.rel .LBB2_4-.Ltmp4, $4  }
0x260: {  	s19 =	sadd.s32 $0x1400, s19;
	s17 =	simm.s32 $0x13880;
	s9 =	sadd.s32 s23, s9  }
0x261: {  	[tilespmem:s1], [sflag:$0x7] =	stream.linear.gather [hbm4b:s9+s16], $0x28, $0x38;
	[tilespmem:$0x1DC80] =	vst v63  }
0x262: {  	s18 =	simm.s32 $0x13C80;
	s14 =	simm.s32 $0x13900;
	s23 =	sadd.s32 $0x28, s23  }
0x263: {  	[tilespmem:s10], [sflag:$0x7] =	stream.linear.gather [hbm4b:s25+s16], $0x1400, $0x38;
	[tilespmem:$0x1DC80] =	vst v63  }
.LBB2_7:
0x264: {  	_ =	sfence.sel $0x180000  }
0x265: {  	[bflag:$0x0] =	sbarrier.arrive $0xFFFF  }
0x266: {  	_ =	strace $0x90000047  }
0x267: {  	s0 =	stileid.u32;
	[bflag:$0x2] =	sbarrier.arrive $0xFFFF  }
0x268: {  	p0 =	sne.s32 s0, $0x0;
	s0 =	rddreg [dreg:$0x4]  }
0x269: {  	s0 =	sadd.s32 @!p0 $0x100000, s0  }
0x26a: {  	[sflag:s0] =	ssyncadd.tile.s32 @!p0 $0x1;
	_ =	shalt  }
.Lfunc_end2:
_tile_overlayer_lowered:
.L_overlay_start_2:
0x26b: {  	(tag) =	ssettag $0x2  }
0x26c: {  	s0 =	rddreg [dreg:$0x0];
	s2 =	stileid.u32  }
0x26d: {  	s1 =	rddreg [dreg:$0x1];
	p0 =	sne.s32 s2, $0x0  }
0x26e: {  	s3 =	rddreg [dreg:$0x2];
	[bflag:$0x3] =	sbarrier.arrive $0xFFFF;
	s2 =	simm.s32 @!p0 $0x1C11  }
0x26f: {  	[timem:s3], [sflag:s2] =	dma.local @!p0 [hbm:s0], s1  }
0x270: {  	s0 =	simm.s32 @!p0 $0x11  }
0x271: {  	_ =	swait.ge @!p0 [sflag:s0], s1  }
0x272: {  	s1 =	ssub.s32 @!p0 $0x0, s1;
	[sflag:s0] =	ssyncset.done @!p0 $0x0  }
0x273: {  	[sflag:s0] =	ssyncadd.s32 @!p0 s1  }
0x274: {  	[bflag:$0x3] =	sbarrier.arrive $0xFFFF  }
0x275: {  	_ =	shalt  }

</sc_bundles>
